<compile_context>
chip_gen: v7x
topology: tpu7x:2x2x1
jax: 0.10.2.dev20260603
libtpu: 0.0.44.dev20260713+nightly
codegen_flags: <defaults>
</compile_context>

<pallas_src>
import jax
import jax.numpy as jnp
from jax import lax
from jax.experimental import pallas as pl
from jax.experimental.pallas import tpu as pltpu
from jax.experimental.pallas import tpu_sc as plsc

N = 100000
E = 1600000
NUM_TOK = 10000
H = 16

NC = 2
NS = 16
L = 16
NW = NC * NS

CHUNK = 128
N_FULL = N // CHUNK
N_TAIL = N - N_FULL * CHUNK
NODE_ITERS = (N_FULL + NW - 1) // NW

E_CHUNKS = E // CHUNK
E_ITERS = (E_CHUNKS + NW - 1) // NW

NPS = 6272
N_ACC = NS * NPS

_mesh = lambda: plsc.VectorSubcoreMesh(core_axis_name="c", subcore_axis_name="s")


def _iota():
    return lax.iota(jnp.int32, L)


def _build_t0_body(nt_hbm, lab_hbm, emb_hbm, t0_hbm, emb_v, nt_v, lab_v, out_v):
    c = lax.axis_index("c")
    s = lax.axis_index("s")
    w = s * NC + c
    pltpu.sync_copy(emb_hbm, emb_v)
    it = _iota()
    six = jnp.full((L,), 6, jnp.int32)
    eight = jnp.full((L,), 8, jnp.int32)

    def do_chunk(base, k):
        pltpu.sync_copy(nt_hbm.at[pl.ds(base * 6, k * 6)], nt_v.at[pl.ds(0, k * 6)])
        pltpu.sync_copy(lab_hbm.at[pl.ds(base, k)], lab_v.at[pl.ds(0, k)])
        for j in range((k * 6) // L):
            vals = nt_v[pl.ds(j * L, L)]
            p = j * L + it
            tgt = lax.div(p, six) * eight + lax.rem(p, six)
            plsc.store_scatter(out_v, [tgt], vals)
        for g in range(k // L):
            labs = lab_v[pl.ds(g * L, L)]
            e = plsc.load_gather(emb_v, [labs])
            node = g * L + it
            plsc.store_scatter(out_v, [node * eight + 6], e)
            plsc.store_scatter(out_v, [node * eight + 7],
                               jnp.zeros((L,), jnp.float32))
        pltpu.sync_copy(out_v.at[pl.ds(0, k * 8)],
                        t0_hbm.at[pl.ds(base * 8, k * 8)])

    def loop_body(i, carry):
        idx = w + i * NW

        @pl.when(idx < N_FULL)
        def _():
            do_chunk(idx * CHUNK, CHUNK)

        return carry

    lax.fori_loop(0, NODE_ITERS, loop_body, 0)

    @pl.when(w == N_FULL % NW)
    def _():
        do_chunk(N_FULL * CHUNK, N_TAIL)


def _build_t0(nt_flat, labels, emb1):
    fn = pl.kernel(
        _build_t0_body,
        out_type=jax.ShapeDtypeStruct((N * 8,), jnp.float32),
        mesh=_mesh(),
        scratch_types=[
            pltpu.VMEM((NUM_TOK,), jnp.float32),
            pltpu.VMEM((CHUNK * 6,), jnp.float32),
            pltpu.VMEM((CHUNK,), jnp.int32),
            pltpu.VMEM((CHUNK * 8,), jnp.float32),
        ],
        compiler_params=pltpu.CompilerParams(needs_layout_passes=False, use_tc_tiling_on_sc=False),
    )
    return fn(nt_flat, labels, emb1)


def _edge0_body(src_hbm, dst_hbm, lab_hbm, etf_hbm, emb_hbm, t0_hbm,
                z8_hbm,
                outA_hbm, outD_hbm,
                emb_v, srcb, dstb, labb, et4f, efb, rowsv,
                accA, accD, sem):
    c = lax.axis_index("c")
    s = lax.axis_index("s")
    w = s * NC + c
    pltpu.sync_copy(emb_hbm, emb_v)

    r0 = s * NPS
    pltpu.sync_copy(z8_hbm.at[pl.ds(r0, NPS), :], accA.at[pl.ds(r0, NPS), :])
    pltpu.sync_copy(z8_hbm.at[pl.ds(r0, NPS), :], accD.at[pl.ds(r0, NPS), :])

    it = _iota()
    four = jnp.full((L,), 4, jnp.int32)
    fourv = jnp.full((L,), 4, jnp.int32)
    eightv = jnp.full((L,), 8, jnp.int32)
    zl = jnp.zeros((L,), jnp.float32)
    for g in range(CHUNK // L):
        for col in (5, 6, 7):
            plsc.store_scatter(efb, [g * L + it, jnp.full((L,), col, jnp.int32)], zl)
    plsc.subcore_barrier()

    def echunk(off):
        pltpu.sync_copy(src_hbm.at[pl.ds(off, CHUNK)], srcb)
        pltpu.sync_copy(dst_hbm.at[pl.ds(off, CHUNK)], dstb)
        cp = pltpu.async_copy(t0_hbm.at[srcb], rowsv, sem)
        pltpu.sync_copy(lab_hbm.at[pl.ds(off, CHUNK)], labb)
        pltpu.sync_copy(etf_hbm.at[pl.ds(off, CHUNK), :], efb.at[:, pl.ds(0, 4)])
        for g in range(CHUNK // L):
            labs = labb[pl.ds(g * L, L)]
            e = plsc.load_gather(emb_v, [labs])
            plsc.store_scatter(efb, [g * L + it, four], e)
        cp.wait()
        pltpu.sync_copy(rowsv, accA.at[dstb], add=True)
        pltpu.sync_copy(efb, accD.at[dstb], add=True)

    def eloop(i, carry):
        idx = w + i * NW

        @pl.when(idx < E_CHUNKS)
        def _():
            echunk(idx * CHUNK)

        return carry

    lax.fori_loop(0, E_ITERS, eloop, 0)

    plsc.subcore_barrier()
    pltpu.sync_copy(accA.at[pl.ds(r0, NPS), :], outA_hbm.at[c, pl.ds(r0, NPS), :])
    pltpu.sync_copy(accD.at[pl.ds(r0, NPS), :], outD_hbm.at[c, pl.ds(r0, NPS), :])


def _edge_pass0(src, dst, elab, etf, emb1, t0_2d, z8):
    fn = pl.kernel(
        _edge0_body,
        out_type=(jax.ShapeDtypeStruct((2, N_ACC, 8), jnp.float32),
                  jax.ShapeDtypeStruct((2, N_ACC, 8), jnp.float32)),
        mesh=_mesh(),
        scratch_types=[
            pltpu.VMEM((NUM_TOK,), jnp.float32),
            pltpu.VMEM((CHUNK,), jnp.int32),
            pltpu.VMEM((CHUNK,), jnp.int32),
            pltpu.VMEM((CHUNK,), jnp.int32),
            pltpu.VMEM((CHUNK, 4), jnp.float32),
            pltpu.VMEM((CHUNK, 8), jnp.float32),
            pltpu.VMEM((CHUNK, 8), jnp.float32),
            pltpu.VMEM_SHARED((N_ACC, 8), jnp.float32),
            pltpu.VMEM_SHARED((N_ACC, 8), jnp.float32),
            pltpu.SemaphoreType.DMA,
        ],
        compiler_params=pltpu.CompilerParams(needs_layout_passes=False, use_tc_tiling_on_sc=False),
    )
    return fn(src, dst, elab, etf, emb1, t0_2d, z8)


def _edge1_body(src_hbm, dst_hbm, h1_hbm, z16_hbm, out_hbm,
                srcb, dstb, rowsv, acc1, sem):
    c = lax.axis_index("c")
    s = lax.axis_index("s")
    w = s * NC + c

    r0 = s * NPS
    pltpu.sync_copy(z16_hbm.at[pl.ds(r0, NPS), :], acc1.at[pl.ds(r0, NPS), :])
    plsc.subcore_barrier()

    def echunk(off):
        pltpu.sync_copy(src_hbm.at[pl.ds(off, CHUNK)], srcb)
        pltpu.sync_copy(dst_hbm.at[pl.ds(off, CHUNK)], dstb)
        pltpu.async_copy(h1_hbm.at[srcb], rowsv, sem).wait()
        pltpu.sync_copy(rowsv, acc1.at[dstb], add=True)

    def eloop(i, carry):
        idx = w + i * NW

        @pl.when(idx < E_CHUNKS)
        def _():
            echunk(idx * CHUNK)

        return carry

    lax.fori_loop(0, E_ITERS, eloop, 0)

    plsc.subcore_barrier()
    pltpu.sync_copy(acc1.at[pl.ds(r0, NPS), :], out_hbm.at[c, pl.ds(r0, NPS), :])


def _edge_pass1(src, dst, h1, z16):
    fn = pl.kernel(
        _edge1_body,
        out_type=jax.ShapeDtypeStruct((2, N_ACC, 16), jnp.float32),
        mesh=_mesh(),
        scratch_types=[
            pltpu.VMEM((CHUNK,), jnp.int32),
            pltpu.VMEM((CHUNK,), jnp.int32),
            pltpu.VMEM((CHUNK, 16), jnp.float32),
            pltpu.VMEM_SHARED((N_ACC, 16), jnp.float32),
            pltpu.SemaphoreType.DMA,
        ],
        compiler_params=pltpu.CompilerParams(needs_layout_passes=False, use_tc_tiling_on_sc=False),
    )
    return fn(src, dst, h1, z16)


BN = 4000


def _tca_body(t0_ref, aA_ref, aD_ref, wa_ref, wb_ref, wd_ref, b_ref, out_ref):
    x0 = t0_ref[...]
    a = aA_ref[0] + aA_ref[1]
    d = aD_ref[0] + aD_ref[1]
    h = (jnp.dot(x0, wa_ref[...], preferred_element_type=jnp.float32)
         + jnp.dot(a, wb_ref[...], preferred_element_type=jnp.float32)
         + jnp.dot(d, wd_ref[...], preferred_element_type=jnp.float32)
         + b_ref[...])
    out_ref[...] = jnp.maximum(h, 0.0)


def _tca(t0, accA, accD, Wa, Wb, Wd, b0r):
    grid = (N // BN,)
    return pl.pallas_call(
        _tca_body,
        grid=grid,
        in_specs=[
            pl.BlockSpec((BN, 8), lambda i: (i, 0)),
            pl.BlockSpec((2, BN, 8), lambda i: (0, i, 0)),
            pl.BlockSpec((2, BN, 8), lambda i: (0, i, 0)),
            pl.BlockSpec((8, H), lambda i: (0, 0)),
            pl.BlockSpec((8, H), lambda i: (0, 0)),
            pl.BlockSpec((8, H), lambda i: (0, 0)),
            pl.BlockSpec((1, H), lambda i: (0, 0)),
        ],
        out_specs=pl.BlockSpec((BN, H), lambda i: (i, 0)),
        out_shape=jax.ShapeDtypeStruct((N, H), jnp.float32),
    )(t0, accA, accD, Wa, Wb, Wd, b0r)


def _tcb_body(h1_ref, a1_ref, aD_ref, vh_ref, vs_ref, vd_ref,
              b1_ref, fcw_ref, fcb_ref, out_ref, acc_ref):
    i = pl.program_id(0)

    @pl.when(i == 0)
    def _():
        acc_ref[...] = jnp.zeros_like(acc_ref)

    h1 = h1_ref[...]
    a1 = a1_ref[0] + a1_ref[1]
    aD = aD_ref[0] + aD_ref[1]
    h2 = (jnp.dot(h1, vh_ref[...], preferred_element_type=jnp.float32)
          + jnp.dot(a1, vs_ref[...], preferred_element_type=jnp.float32)
          + jnp.dot(aD, vd_ref[...], preferred_element_type=jnp.float32)
          + b1_ref[...])
    h2 = jnp.maximum(h2, 0.0)
    acc_ref[...] += jnp.sum(h2, axis=0, keepdims=True)

    @pl.when(i == pl.num_programs(0) - 1)
    def _():
        out_ref[...] = (jnp.dot(acc_ref[...], fcw_ref[...],
                                preferred_element_type=jnp.float32)
                        + fcb_ref[...])


def _tcb(h1, acc1, accD, Vh, Vs, Vd, b1r, fcw, fcbr):
    C = fcw.shape[1]
    grid = (N // BN,)
    return pl.pallas_call(
        _tcb_body,
        grid=grid,
        in_specs=[
            pl.BlockSpec((BN, H), lambda i: (i, 0)),
            pl.BlockSpec((2, BN, H), lambda i: (0, i, 0)),
            pl.BlockSpec((2, BN, 8), lambda i: (0, i, 0)),
            pl.BlockSpec((H, H), lambda i: (0, 0)),
            pl.BlockSpec((H, H), lambda i: (0, 0)),
            pl.BlockSpec((8, H), lambda i: (0, 0)),
            pl.BlockSpec((1, H), lambda i: (0, 0)),
            pl.BlockSpec((H, C), lambda i: (0, 0)),
            pl.BlockSpec((1, C), lambda i: (0, 0)),
        ],
        out_specs=pl.BlockSpec((1, C), lambda i: (0, 0)),
        out_shape=jax.ShapeDtypeStruct((1, C), jnp.float32),
        scratch_shapes=[pltpu.VMEM((1, H), jnp.float32)],
    )(h1, acc1, accD, Vh, Vs, Vd, b1r, fcw, fcbr)


def kernel(node_types, node_labels, edge_types, edge_labels, edge_index, emb,
           W_node0, W_src0, W_edge0, b0, W_node1, W_src1, W_edge1, b1,
           fc_w, fc_b):
    src = edge_index[0].astype(jnp.int32)
    dst = edge_index[1].astype(jnp.int32)
    elab = edge_labels.astype(jnp.int32)
    nlab = node_labels.astype(jnp.int32)
    emb1 = emb.reshape(-1)
    nt_flat = node_types.reshape(-1)

    t0_flat = _build_t0(nt_flat, nlab, emb1)
    t0 = t0_flat.reshape(N, 8)

    z8 = jnp.zeros((N_ACC, 8), jnp.float32)
    z16 = jnp.zeros((N_ACC, 16), jnp.float32)

    accA, accD = _edge_pass0(src, dst, elab, edge_types, emb1, t0, z8)

    zrow = jnp.zeros((1, H), jnp.float32)
    z3 = jnp.zeros((3, H), jnp.float32)
    Wa = jnp.concatenate([W_node0, zrow], axis=0)
    Wb = jnp.concatenate([W_src0, zrow], axis=0)
    Wd = jnp.concatenate([W_edge0, z3], axis=0)
    h1 = _tca(t0, accA, accD, Wa, Wb, Wd, b0.reshape(1, H))

    acc1 = _edge_pass1(src, dst, h1, z16)

    Vd = jnp.concatenate([W_edge1, z3], axis=0)
    out = _tcb(h1, acc1, accD, W_node1, W_src1, Vd,
               b1.reshape(1, H), fc_w, fc_b.reshape(1, -1))
    return out

# --- scband reference (transcript-rebuilt; emitter-appended) ---
"""Pipeline reference for scband-model-41145786695711 (READ-ONLY COPY).

The authoritative reference and input builder live on the scoring server;
editing this copy changes nothing except your own understanding.
"""

import jax, jax.numpy as jnp
import numpy as np

N = 100000
E = 1600000
NODE_T = 6
EDGE_T = 4
NUM_TOK = 10000
EMB = 1
H = 16
C = 8


def setup_inputs(seed: int = 0) -> dict:
    key = jax.random.key(seed)
    ks = jax.random.split(key, 16)
    d0 = NODE_T + EMB
    de = EDGE_T + EMB
    inp = {
        'node_types': jax.random.uniform(ks[0], (N, NODE_T), dtype=jnp.float32),
        'node_labels': jax.random.randint(ks[1], (N,), 0, NUM_TOK),
        'edge_types': jax.random.uniform(ks[2], (E, EDGE_T), dtype=jnp.float32),
        'edge_labels': jax.random.randint(ks[3], (E,), 0, NUM_TOK),
        'edge_index': jax.random.randint(ks[4], (2, E), 0, N),
        'emb': jax.random.normal(ks[5], (NUM_TOK, EMB), dtype=jnp.float32) * 0.1,
        'W_node0': jax.random.normal(ks[6], (d0, H), dtype=jnp.float32) * 0.1,
        'W_src0': jax.random.normal(ks[7], (d0, H), dtype=jnp.float32) * 0.1,
        'W_edge0': jax.random.normal(ks[8], (de, H), dtype=jnp.float32) * 0.1,
        'b0': jnp.zeros((H,), dtype=jnp.float32),
        'W_node1': jax.random.normal(ks[9], (H, H), dtype=jnp.float32) * 0.1,
        'W_src1': jax.random.normal(ks[10], (H, H), dtype=jnp.float32) * 0.1,
        'W_edge1': jax.random.normal(ks[11], (de, H), dtype=jnp.float32) * 0.1,
        'b1': jnp.zeros((H,), dtype=jnp.float32),
        'fc_w': jax.random.normal(ks[12], (H, C), dtype=jnp.float32) * 0.1,
        'fc_b': jnp.zeros((C,), dtype=jnp.float32),
    }
    return inp


def reference(node_types, node_labels, edge_types, edge_labels, edge_index, emb,
              W_node0, W_src0, W_edge0, b0, W_node1, W_src1, W_edge1, b1, fc_w, fc_b):
    # Embedding lookup on node label ids, concat with node type one-hots (SparseCore gather)
    node_embed = jnp.take(emb, node_labels, axis=0).reshape(node_types.shape[0], -1)
    node_features = jnp.concatenate([node_types, node_embed], axis=1)  # [N, 7]
    # Embedding lookup on edge label ids, concat with edge type features
    edge_embed = jnp.take(emb, edge_labels, axis=0).reshape(edge_types.shape[0], -1)
    edge_features = jnp.concatenate([edge_types, edge_embed], axis=1)  # [E, 5]
    src = edge_index[0]
    dst = edge_index[1]
    # edGNN layer 0: messages from source nodes and edge features, scatter-add to dst
    h = node_features
    msg0 = jnp.take(h, src, axis=0) @ W_src0 + edge_features @ W_edge0
    agg0 = jax.ops.segment_sum(msg0, dst, num_segments=N)
    h = jax.nn.relu(h @ W_node0 + agg0 + b0)
    # edGNN layer 1
    msg1 = jnp.take(h, src, axis=0) @ W_src1 + edge_features @ W_edge1
    agg1 = jax.ops.segment_sum(msg1, dst, num_segments=N)
    h = jax.nn.relu(h @ W_node1 + agg1 + b1)
    # dgl.sum_nodes readout (single graph, batch_size=1) -> [1, H]
    sum_node = jnp.sum(h, axis=0, keepdims=True)
    # classification layer
    final_output = sum_node @ fc_w + fc_b  # [1, C]
    return final_output

if __name__ == "__main__":
    import jax
    _d = setup_inputs()
    print(jax.jit(kernel)(*tuple(_d.values())))

</pallas_src>

<mosaic_0001>
#map = affine_map<(d0, d1) -> (0)>
module attributes {stable_mosaic.version = 14 : i64} {
  func.func @_build_t0_body(%arg0: i32, %arg1: i32, %arg2: memref<600000xf32, #tpu.memory_space<hbm>>, %arg3: memref<100000xi32, #tpu.memory_space<hbm>>, %arg4: memref<10000xf32, #tpu.memory_space<hbm>>, %arg5: memref<800000xf32, #tpu.memory_space<hbm>>, %arg6: memref<10000xf32, #tpu.memory_space<vmem>>, %arg7: memref<768xf32, #tpu.memory_space<vmem>>, %arg8: memref<128xi32, #tpu.memory_space<vmem>>, %arg9: memref<1024xf32, #tpu.memory_space<vmem>>) attributes {dimension_semantics = [#tpu.dimension_semantics<core_parallel>, #tpu.dimension_semantics<subcore_parallel>], iteration_bounds = array<i64: 2, 16>, scalar_prefetch = 0 : i64, scratch_operands = 4 : i64, tpu.core_type = #tpu.core_type<sc_vector_subcore>, window_params = [{transform_indices = #map}, {transform_indices = #map}, {transform_indices = #map}, {transform_indices = #map}]} {
    %mul3A = arith.constant 2 : i32
    %mul3A_0 = arith.muli %arg1, %mul3A : i32
    %add3A = arith.addi %mul3A_0, %arg0 : i32
    "tpu.region"() ({
      %run_scoped3A = tpu.sem_alloc : memref<!tpu.dma_semaphore, #tpu.memory_space<semaphore_mem>>
      tpu.enqueue_dma source(%arg4 : memref<10000xf32, #tpu.memory_space<hbm>>) target(%arg6 : memref<10000xf32, #tpu.memory_space<vmem>>) target_semaphore(%run_scoped3A : memref<!tpu.dma_semaphore, #tpu.memory_space<semaphore_mem>>)
      tpu.wait_dma2 semaphore(%run_scoped3A : memref<!tpu.dma_semaphore, #tpu.memory_space<semaphore_mem>>) src(%arg4 : memref<10000xf32, #tpu.memory_space<hbm>>) dst(%arg6 : memref<10000xf32, #tpu.memory_space<vmem>>)
      tpu.yield
    }) : () -> ()
    %iota3A = tpu.iota {dimensions = array<i32: 0>} : vector<16xi32>
    %broadcast_in_dim3A = arith.constant 6 : i32
    %broadcast_in_dim3A_1 = vector.broadcast %broadcast_in_dim3A : i32 to vector<16xi32>
    %broadcast_in_dim3A_2 = arith.constant 8 : i32
    %broadcast_in_dim3A_3 = vector.broadcast %broadcast_in_dim3A_2 : i32 to vector<16xi32>
    %scan3A = arith.constant 0 : i32
    %scan3A_4 = arith.constant 0 : i32
    %scan3A_5 = arith.constant 25 : i32
    %scan3A_6 = arith.addi %scan3A_4, %scan3A_5 : i32
    %scan3A_7 = arith.constant 1 : i32
    scf.for %scan3A_11 = %scan3A_4 to %scan3A_6 step %scan3A_7  : i32 {
      %mul3A_12 = arith.constant 32 : i32
      %mul3A_13 = arith.muli %scan3A_11, %mul3A_12 : i32
      %add3A_14 = arith.addi %add3A, %mul3A_13 : i32
      %lt3A = arith.constant 781 : i32
      %lt3A_15 = arith.cmpi slt, %add3A_14, %lt3A : i32
      %convert_element_type3A_16 = arith.extui %lt3A_15 : i1 to i32
      %cond3A_17 = arith.constant 0 : i32
      %cond3A_18 = arith.cmpi ne, %convert_element_type3A_16, %cond3A_17 : i32
      scf.if %cond3A_18 {
        %mul3A_19 = arith.constant 128 : i32
        %mul3A_20 = arith.muli %add3A_14, %mul3A_19 : i32
        %mul3A_21 = arith.constant 6 : i32
        %mul3A_22 = arith.muli %mul3A_20, %mul3A_21 : i32
        "tpu.region"() ({
          %run_scoped3A = tpu.sem_alloc : memref<!tpu.dma_semaphore, #tpu.memory_space<semaphore_mem>>
          %dma_start3A = arith.constant 0 : i32
          %dma_start3A_581 = tpu.memref_slice %arg7[%dma_start3A] : memref<768xf32, #tpu.memory_space<vmem>> -> memref<768xf32, #tpu.memory_space<vmem>>
          %dma_start3A_582 = tpu.memref_slice %arg2[%mul3A_22] : memref<600000xf32, #tpu.memory_space<hbm>> -> memref<768xf32, #tpu.memory_space<hbm>>
          %dma_start3A_583 = arith.constant 0 : i32
          %dma_start3A_584 = tpu.memref_slice %arg7[%dma_start3A_583] : memref<768xf32, #tpu.memory_space<vmem>> -> memref<768xf32, #tpu.memory_space<vmem>>
          %dma_start3A_585 = tpu.memref_slice %arg2[%mul3A_22] : memref<600000xf32, #tpu.memory_space<hbm>> -> memref<768xf32, #tpu.memory_space<hbm>>
          tpu.enqueue_dma source(%dma_start3A_585 : memref<768xf32, #tpu.memory_space<hbm>>) target(%dma_start3A_584 : memref<768xf32, #tpu.memory_space<vmem>>) target_semaphore(%run_scoped3A : memref<!tpu.dma_semaphore, #tpu.memory_space<semaphore_mem>>)
          %dma_wait3A = arith.constant 0 : i32
          %dma_wait3A_586 = tpu.memref_slice %arg7[%dma_wait3A] : memref<768xf32, #tpu.memory_space<vmem>> -> memref<768xf32, #tpu.memory_space<vmem>>
          %dma_wait3A_587 = tpu.memref_slice %arg2[%mul3A_22] : memref<600000xf32, #tpu.memory_space<hbm>> -> memref<768xf32, #tpu.memory_space<hbm>>
          %dma_wait3A_588 = arith.constant 0 : i32
          %dma_wait3A_589 = tpu.memref_slice %arg7[%dma_wait3A_588] : memref<768xf32, #tpu.memory_space<vmem>> -> memref<768xf32, #tpu.memory_space<vmem>>
          %dma_wait3A_590 = tpu.memref_slice %arg2[%mul3A_22] : memref<600000xf32, #tpu.memory_space<hbm>> -> memref<768xf32, #tpu.memory_space<hbm>>
          tpu.wait_dma2 semaphore(%run_scoped3A : memref<!tpu.dma_semaphore, #tpu.memory_space<semaphore_mem>>) src(%dma_wait3A_590 : memref<768xf32, #tpu.memory_space<hbm>>) dst(%dma_wait3A_589 : memref<768xf32, #tpu.memory_space<vmem>>)
          tpu.yield
        }) : () -> ()
        "tpu.region"() ({
          %run_scoped3A = tpu.sem_alloc : memref<!tpu.dma_semaphore, #tpu.memory_space<semaphore_mem>>
          %dma_start3A = arith.constant 0 : i32
          %dma_start3A_581 = tpu.memref_slice %arg8[%dma_start3A] : memref<128xi32, #tpu.memory_space<vmem>> -> memref<128xi32, #tpu.memory_space<vmem>>
          %dma_start3A_582 = tpu.memref_slice %arg3[%mul3A_20] : memref<100000xi32, #tpu.memory_space<hbm>> -> memref<128xi32, #tpu.memory_space<hbm>>
          %dma_start3A_583 = arith.constant 0 : i32
          %dma_start3A_584 = tpu.memref_slice %arg8[%dma_start3A_583] : memref<128xi32, #tpu.memory_space<vmem>> -> memref<128xi32, #tpu.memory_space<vmem>>
          %dma_start3A_585 = tpu.memref_slice %arg3[%mul3A_20] : memref<100000xi32, #tpu.memory_space<hbm>> -> memref<128xi32, #tpu.memory_space<hbm>>
          tpu.enqueue_dma source(%dma_start3A_585 : memref<128xi32, #tpu.memory_space<hbm>>) target(%dma_start3A_584 : memref<128xi32, #tpu.memory_space<vmem>>) target_semaphore(%run_scoped3A : memref<!tpu.dma_semaphore, #tpu.memory_space<semaphore_mem>>)
          %dma_wait3A = arith.constant 0 : i32
          %dma_wait3A_586 = tpu.memref_slice %arg8[%dma_wait3A] : memref<128xi32, #tpu.memory_space<vmem>> -> memref<128xi32, #tpu.memory_space<vmem>>
          %dma_wait3A_587 = tpu.memref_slice %arg3[%mul3A_20] : memref<100000xi32, #tpu.memory_space<hbm>> -> memref<128xi32, #tpu.memory_space<hbm>>
          %dma_wait3A_588 = arith.constant 0 : i32
          %dma_wait3A_589 = tpu.memref_slice %arg8[%dma_wait3A_588] : memref<128xi32, #tpu.memory_space<vmem>> -> memref<128xi32, #tpu.memory_space<vmem>>
          %dma_wait3A_590 = tpu.memref_slice %arg3[%mul3A_20] : memref<100000xi32, #tpu.memory_space<hbm>> -> memref<128xi32, #tpu.memory_space<hbm>>
          tpu.wait_dma2 semaphore(%run_scoped3A : memref<!tpu.dma_semaphore, #tpu.memory_space<semaphore_mem>>) src(%dma_wait3A_590 : memref<128xi32, #tpu.memory_space<hbm>>) dst(%dma_wait3A_589 : memref<128xi32, #tpu.memory_space<vmem>>)
          tpu.yield
        }) : () -> ()
        %get3A = arith.constant 0 : index
        %get3A_23 = tpu.vector_load %arg7[%get3A] {strides = array<i32>} : memref<768xf32, #tpu.memory_space<vmem>>, vector<16xf32>,
        %add3A_24 = arith.constant 0 : i32
        %add3A_25 = vector.broadcast %add3A_24 : i32 to vector<16xi32>
        %add3A_26 = arith.addi %add3A_25, %iota3A : vector<16xi32>
        %div3A = arith.divsi %add3A_26, %broadcast_in_dim3A_1 : vector<16xi32>
        %mul3A_27 = arith.muli %div3A, %broadcast_in_dim3A_3 : vector<16xi32>
        %rem3A = arith.remsi %add3A_26, %broadcast_in_dim3A_1 : vector<16xi32>
        %add3A_28 = arith.addi %mul3A_27, %rem3A : vector<16xi32>
        tpu.vector_store_idx %arg9[%add3A_28], %get3A_23 : memref<1024xf32, #tpu.memory_space<vmem>>[vector<16xi32>], vector<16xf32>,
        %get3A_29 = arith.constant 16 : index
        %get3A_30 = tpu.vector_load %arg7[%get3A_29] {strides = array<i32>} : memref<768xf32, #tpu.memory_space<vmem>>, vector<16xf32>,
        %add3A_31 = arith.constant 16 : i32
        %add3A_32 = vector.broadcast %add3A_31 : i32 to vector<16xi32>
        %add3A_33 = arith.addi %add3A_32, %iota3A : vector<16xi32>
        %div3A_34 = arith.divsi %add3A_33, %broadcast_in_dim3A_1 : vector<16xi32>
        %mul3A_35 = arith.muli %div3A_34, %broadcast_in_dim3A_3 : vector<16xi32>
        %rem3A_36 = arith.remsi %add3A_33, %broadcast_in_dim3A_1 : vector<16xi32>
        %add3A_37 = arith.addi %mul3A_35, %rem3A_36 : vector<16xi32>
        tpu.vector_store_idx %arg9[%add3A_37], %get3A_30 : memref<1024xf32, #tpu.memory_space<vmem>>[vector<16xi32>], vector<16xf32>,
        %get3A_38 = arith.constant 32 : index
        %get3A_39 = tpu.vector_load %arg7[%get3A_38] {strides = array<i32>} : memref<768xf32, #tpu.memory_space<vmem>>, vector<16xf32>,
        %add3A_40 = arith.constant 32 : i32
        %add3A_41 = vector.broadcast %add3A_40 : i32 to vector<16xi32>
        %add3A_42 = arith.addi %add3A_41, %iota3A : vector<16xi32>
        %div3A_43 = arith.divsi %add3A_42, %broadcast_in_dim3A_1 : vector<16xi32>
        %mul3A_44 = arith.muli %div3A_43, %broadcast_in_dim3A_3 : vector<16xi32>
        %rem3A_45 = arith.remsi %add3A_42, %broadcast_in_dim3A_1 : vector<16xi32>
        %add3A_46 = arith.addi %mul3A_44, %rem3A_45 : vector<16xi32>
        tpu.vector_store_idx %arg9[%add3A_46], %get3A_39 : memref<1024xf32, #tpu.memory_space<vmem>>[vector<16xi32>], vector<16xf32>,
        %get3A_47 = arith.constant 48 : index
        %get3A_48 = tpu.vector_load %arg7[%get3A_47] {strides = array<i32>} : memref<768xf32, #tpu.memory_space<vmem>>, vector<16xf32>,
        %add3A_49 = arith.constant 48 : i32
        %add3A_50 = vector.broadcast %add3A_49 : i32 to vector<16xi32>
        %add3A_51 = arith.addi %add3A_50, %iota3A : vector<16xi32>
        %div3A_52 = arith.divsi %add3A_51, %broadcast_in_dim3A_1 : vector<16xi32>
        %mul3A_53 = arith.muli %div3A_52, %broadcast_in_dim3A_3 : vector<16xi32>
        %rem3A_54 = arith.remsi %add3A_51, %broadcast_in_dim3A_1 : vector<16xi32>
        %add3A_55 = arith.addi %mul3A_53, %rem3A_54 : vector<16xi32>
        tpu.vector_store_idx %arg9[%add3A_55], %get3A_48 : memref<1024xf32, #tpu.memory_space<vmem>>[vector<16xi32>], vector<16xf32>,
        %get3A_56 = arith.constant 64 : index
        %get3A_57 = tpu.vector_load %arg7[%get3A_56] {strides = array<i32>} : memref<768xf32, #tpu.memory_space<vmem>>, vector<16xf32>,
        %add3A_58 = arith.constant 64 : i32
        %add3A_59 = vector.broadcast %add3A_58 : i32 to vector<16xi32>
        %add3A_60 = arith.addi %add3A_59, %iota3A : vector<16xi32>
        %div3A_61 = arith.divsi %add3A_60, %broadcast_in_dim3A_1 : vector<16xi32>
        %mul3A_62 = arith.muli %div3A_61, %broadcast_in_dim3A_3 : vector<16xi32>
        %rem3A_63 = arith.remsi %add3A_60, %broadcast_in_dim3A_1 : vector<16xi32>
        %add3A_64 = arith.addi %mul3A_62, %rem3A_63 : vector<16xi32>
        tpu.vector_store_idx %arg9[%add3A_64], %get3A_57 : memref<1024xf32, #tpu.memory_space<vmem>>[vector<16xi32>], vector<16xf32>,
        %get3A_65 = arith.constant 80 : index
        %get3A_66 = tpu.vector_load %arg7[%get3A_65] {strides = array<i32>} : memref<768xf32, #tpu.memory_space<vmem>>, vector<16xf32>,
        %add3A_67 = arith.constant 80 : i32
        %add3A_68 = vector.broadcast %add3A_67 : i32 to vector<16xi32>
        %add3A_69 = arith.addi %add3A_68, %iota3A : vector<16xi32>
        %div3A_70 = arith.divsi %add3A_69, %broadcast_in_dim3A_1 : vector<16xi32>
        %mul3A_71 = arith.muli %div3A_70, %broadcast_in_dim3A_3 : vector<16xi32>
        %rem3A_72 = arith.remsi %add3A_69, %broadcast_in_dim3A_1 : vector<16xi32>
        %add3A_73 = arith.addi %mul3A_71, %rem3A_72 : vector<16xi32>
        tpu.vector_store_idx %arg9[%add3A_73], %get3A_66 : memref<1024xf32, #tpu.memory_space<vmem>>[vector<16xi32>], vector<16xf32>,
        %get3A_74 = arith.constant 96 : index
        %get3A_75 = tpu.vector_load %arg7[%get3A_74] {strides = array<i32>} : memref<768xf32, #tpu.memory_space<vmem>>, vector<16xf32>,
        %add3A_76 = arith.constant 96 : i32
        %add3A_77 = vector.broadcast %add3A_76 : i32 to vector<16xi32>
        %add3A_78 = arith.addi %add3A_77, %iota3A : vector<16xi32>
        %div3A_79 = arith.divsi %add3A_78, %broadcast_in_dim3A_1 : vector<16xi32>
        %mul3A_80 = arith.muli %div3A_79, %broadcast_in_dim3A_3 : vector<16xi32>
        %rem3A_81 = arith.remsi %add3A_78, %broadcast_in_dim3A_1 : vector<16xi32>
        %add3A_82 = arith.addi %mul3A_80, %rem3A_81 : vector<16xi32>
        tpu.vector_store_idx %arg9[%add3A_82], %get3A_75 : memref<1024xf32, #tpu.memory_space<vmem>>[vector<16xi32>], vector<16xf32>,
        %get3A_83 = arith.constant 112 : index
        %get3A_84 = tpu.vector_load %arg7[%get3A_83] {strides = array<i32>} : memref<768xf32, #tpu.memory_space<vmem>>, vector<16xf32>,
        %add3A_85 = arith.constant 112 : i32
        %add3A_86 = vector.broadcast %add3A_85 : i32 to vector<16xi32>
        %add3A_87 = arith.addi %add3A_86, %iota3A : vector<16xi32>
        %div3A_88 = arith.divsi %add3A_87, %broadcast_in_dim3A_1 : vector<16xi32>
        %mul3A_89 = arith.muli %div3A_88, %broadcast_in_dim3A_3 : vector<16xi32>
        %rem3A_90 = arith.remsi %add3A_87, %broadcast_in_dim3A_1 : vector<16xi32>
        %add3A_91 = arith.addi %mul3A_89, %rem3A_90 : vector<16xi32>
        tpu.vector_store_idx %arg9[%add3A_91], %get3A_84 : memref<1024xf32, #tpu.memory_space<vmem>>[vector<16xi32>], vector<16xf32>,
        %get3A_92 = arith.constant 128 : index
        %get3A_93 = tpu.vector_load %arg7[%get3A_92] {strides = array<i32>} : memref<768xf32, #tpu.memory_space<vmem>>, vector<16xf32>,
        %add3A_94 = arith.constant 128 : i32
        %add3A_95 = vector.broadcast %add3A_94 : i32 to vector<16xi32>
        %add3A_96 = arith.addi %add3A_95, %iota3A : vector<16xi32>
        %div3A_97 = arith.divsi %add3A_96, %broadcast_in_dim3A_1 : vector<16xi32>
        %mul3A_98 = arith.muli %div3A_97, %broadcast_in_dim3A_3 : vector<16xi32>
        %rem3A_99 = arith.remsi %add3A_96, %broadcast_in_dim3A_1 : vector<16xi32>
        %add3A_100 = arith.addi %mul3A_98, %rem3A_99 : vector<16xi32>
        tpu.vector_store_idx %arg9[%add3A_100], %get3A_93 : memref<1024xf32, #tpu.memory_space<vmem>>[vector<16xi32>], vector<16xf32>,
        %get3A_101 = arith.constant 144 : index
        %get3A_102 = tpu.vector_load %arg7[%get3A_101] {strides = array<i32>} : memref<768xf32, #tpu.memory_space<vmem>>, vector<16xf32>,
        %add3A_103 = arith.constant 144 : i32
        %add3A_104 = vector.broadcast %add3A_103 : i32 to vector<16xi32>
        %add3A_105 = arith.addi %add3A_104, %iota3A : vector<16xi32>
        %div3A_106 = arith.divsi %add3A_105, %broadcast_in_dim3A_1 : vector<16xi32>
        %mul3A_107 = arith.muli %div3A_106, %broadcast_in_dim3A_3 : vector<16xi32>
        %rem3A_108 = arith.remsi %add3A_105, %broadcast_in_dim3A_1 : vector<16xi32>
        %add3A_109 = arith.addi %mul3A_107, %rem3A_108 : vector<16xi32>
        tpu.vector_store_idx %arg9[%add3A_109], %get3A_102 : memref<1024xf32, #tpu.memory_space<vmem>>[vector<16xi32>], vector<16xf32>,
        %get3A_110 = arith.constant 160 : index
        %get3A_111 = tpu.vector_load %arg7[%get3A_110] {strides = array<i32>} : memref<768xf32, #tpu.memory_space<vmem>>, vector<16xf32>,
        %add3A_112 = arith.constant 160 : i32
        %add3A_113 = vector.broadcast %add3A_112 : i32 to vector<16xi32>
        %add3A_114 = arith.addi %add3A_113, %iota3A : vector<16xi32>
        %div3A_115 = arith.divsi %add3A_114, %broadcast_in_dim3A_1 : vector<16xi32>
        %mul3A_116 = arith.muli %div3A_115, %broadcast_in_dim3A_3 : vector<16xi32>
        %rem3A_117 = arith.remsi %add3A_114, %broadcast_in_dim3A_1 : vector<16xi32>
        %add3A_118 = arith.addi %mul3A_116, %rem3A_117 : vector<16xi32>
        tpu.vector_store_idx %arg9[%add3A_118], %get3A_111 : memref<1024xf32, #tpu.memory_space<vmem>>[vector<16xi32>], vector<16xf32>,
        %get3A_119 = arith.constant 176 : index
        %get3A_120 = tpu.vector_load %arg7[%get3A_119] {strides = array<i32>} : memref<768xf32, #tpu.memory_space<vmem>>, vector<16xf32>,
        %add3A_121 = arith.constant 176 : i32
        %add3A_122 = vector.broadcast %add3A_121 : i32 to vector<16xi32>
        %add3A_123 = arith.addi %add3A_122, %iota3A : vector<16xi32>
        %div3A_124 = arith.divsi %add3A_123, %broadcast_in_dim3A_1 : vector<16xi32>
        %mul3A_125 = arith.muli %div3A_124, %broadcast_in_dim3A_3 : vector<16xi32>
        %rem3A_126 = arith.remsi %add3A_123, %broadcast_in_dim3A_1 : vector<16xi32>
        %add3A_127 = arith.addi %mul3A_125, %rem3A_126 : vector<16xi32>
        tpu.vector_store_idx %arg9[%add3A_127], %get3A_120 : memref<1024xf32, #tpu.memory_space<vmem>>[vector<16xi32>], vector<16xf32>,
        %get3A_128 = arith.constant 192 : index
        %get3A_129 = tpu.vector_load %arg7[%get3A_128] {strides = array<i32>} : memref<768xf32, #tpu.memory_space<vmem>>, vector<16xf32>,
        %add3A_130 = arith.constant 192 : i32
        %add3A_131 = vector.broadcast %add3A_130 : i32 to vector<16xi32>
        %add3A_132 = arith.addi %add3A_131, %iota3A : vector<16xi32>
        %div3A_133 = arith.divsi %add3A_132, %broadcast_in_dim3A_1 : vector<16xi32>
        %mul3A_134 = arith.muli %div3A_133, %broadcast_in_dim3A_3 : vector<16xi32>
        %rem3A_135 = arith.remsi %add3A_132, %broadcast_in_dim3A_1 : vector<16xi32>
        %add3A_136 = arith.addi %mul3A_134, %rem3A_135 : vector<16xi32>
        tpu.vector_store_idx %arg9[%add3A_136], %get3A_129 : memref<1024xf32, #tpu.memory_space<vmem>>[vector<16xi32>], vector<16xf32>,
        %get3A_137 = arith.constant 208 : index
        %get3A_138 = tpu.vector_load %arg7[%get3A_137] {strides = array<i32>} : memref<768xf32, #tpu.memory_space<vmem>>, vector<16xf32>,
        %add3A_139 = arith.constant 208 : i32
        %add3A_140 = vector.broadcast %add3A_139 : i32 to vector<16xi32>
        %add3A_141 = arith.addi %add3A_140, %iota3A : vector<16xi32>
        %div3A_142 = arith.divsi %add3A_141, %broadcast_in_dim3A_1 : vector<16xi32>
        %mul3A_143 = arith.muli %div3A_142, %broadcast_in_dim3A_3 : vector<16xi32>
        %rem3A_144 = arith.remsi %add3A_141, %broadcast_in_dim3A_1 : vector<16xi32>
        %add3A_145 = arith.addi %mul3A_143, %rem3A_144 : vector<16xi32>
        tpu.vector_store_idx %arg9[%add3A_145], %get3A_138 : memref<1024xf32, #tpu.memory_space<vmem>>[vector<16xi32>], vector<16xf32>,
        %get3A_146 = arith.constant 224 : index
        %get3A_147 = tpu.vector_load %arg7[%get3A_146] {strides = array<i32>} : memref<768xf32, #tpu.memory_space<vmem>>, vector<16xf32>,
        %add3A_148 = arith.constant 224 : i32
        %add3A_149 = vector.broadcast %add3A_148 : i32 to vector<16xi32>
        %add3A_150 = arith.addi %add3A_149, %iota3A : vector<16xi32>
        %div3A_151 = arith.divsi %add3A_150, %broadcast_in_dim3A_1 : vector<16xi32>
        %mul3A_152 = arith.muli %div3A_151, %broadcast_in_dim3A_3 : vector<16xi32>
        %rem3A_153 = arith.remsi %add3A_150, %broadcast_in_dim3A_1 : vector<16xi32>
        %add3A_154 = arith.addi %mul3A_152, %rem3A_153 : vector<16xi32>
        tpu.vector_store_idx %arg9[%add3A_154], %get3A_147 : memref<1024xf32, #tpu.memory_space<vmem>>[vector<16xi32>], vector<16xf32>,
        %get3A_155 = arith.constant 240 : index
        %get3A_156 = tpu.vector_load %arg7[%get3A_155] {strides = array<i32>} : memref<768xf32, #tpu.memory_space<vmem>>, vector<16xf32>,
        %add3A_157 = arith.constant 240 : i32
        %add3A_158 = vector.broadcast %add3A_157 : i32 to vector<16xi32>
        %add3A_159 = arith.addi %add3A_158, %iota3A : vector<16xi32>
        %div3A_160 = arith.divsi %add3A_159, %broadcast_in_dim3A_1 : vector<16xi32>
        %mul3A_161 = arith.muli %div3A_160, %broadcast_in_dim3A_3 : vector<16xi32>
        %rem3A_162 = arith.remsi %add3A_159, %broadcast_in_dim3A_1 : vector<16xi32>
        %add3A_163 = arith.addi %mul3A_161, %rem3A_162 : vector<16xi32>
        tpu.vector_store_idx %arg9[%add3A_163], %get3A_156 : memref<1024xf32, #tpu.memory_space<vmem>>[vector<16xi32>], vector<16xf32>,
        %get3A_164 = arith.constant 256 : index
        %get3A_165 = tpu.vector_load %arg7[%get3A_164] {strides = array<i32>} : memref<768xf32, #tpu.memory_space<vmem>>, vector<16xf32>,
        %add3A_166 = arith.constant 256 : i32
        %add3A_167 = vector.broadcast %add3A_166 : i32 to vector<16xi32>
        %add3A_168 = arith.addi %add3A_167, %iota3A : vector<16xi32>
        %div3A_169 = arith.divsi %add3A_168, %broadcast_in_dim3A_1 : vector<16xi32>
        %mul3A_170 = arith.muli %div3A_169, %broadcast_in_dim3A_3 : vector<16xi32>
        %rem3A_171 = arith.remsi %add3A_168, %broadcast_in_dim3A_1 : vector<16xi32>
        %add3A_172 = arith.addi %mul3A_170, %rem3A_171 : vector<16xi32>
        tpu.vector_store_idx %arg9[%add3A_172], %get3A_165 : memref<1024xf32, #tpu.memory_space<vmem>>[vector<16xi32>], vector<16xf32>,
        %get3A_173 = arith.constant 272 : index
        %get3A_174 = tpu.vector_load %arg7[%get3A_173] {strides = array<i32>} : memref<768xf32, #tpu.memory_space<vmem>>, vector<16xf32>,
        %add3A_175 = arith.constant 272 : i32
        %add3A_176 = vector.broadcast %add3A_175 : i32 to vector<16xi32>
        %add3A_177 = arith.addi %add3A_176, %iota3A : vector<16xi32>
        %div3A_178 = arith.divsi %add3A_177, %broadcast_in_dim3A_1 : vector<16xi32>
        %mul3A_179 = arith.muli %div3A_178, %broadcast_in_dim3A_3 : vector<16xi32>
        %rem3A_180 = arith.remsi %add3A_177, %broadcast_in_dim3A_1 : vector<16xi32>
        %add3A_181 = arith.addi %mul3A_179, %rem3A_180 : vector<16xi32>
        tpu.vector_store_idx %arg9[%add3A_181], %get3A_174 : memref<1024xf32, #tpu.memory_space<vmem>>[vector<16xi32>], vector<16xf32>,
        %get3A_182 = arith.constant 288 : index
        %get3A_183 = tpu.vector_load %arg7[%get3A_182] {strides = array<i32>} : memref<768xf32, #tpu.memory_space<vmem>>, vector<16xf32>,
        %add3A_184 = arith.constant 288 : i32
        %add3A_185 = vector.broadcast %add3A_184 : i32 to vector<16xi32>
        %add3A_186 = arith.addi %add3A_185, %iota3A : vector<16xi32>
        %div3A_187 = arith.divsi %add3A_186, %broadcast_in_dim3A_1 : vector<16xi32>
        %mul3A_188 = arith.muli %div3A_187, %broadcast_in_dim3A_3 : vector<16xi32>
        %rem3A_189 = arith.remsi %add3A_186, %broadcast_in_dim3A_1 : vector<16xi32>
        %add3A_190 = arith.addi %mul3A_188, %rem3A_189 : vector<16xi32>
        tpu.vector_store_idx %arg9[%add3A_190], %get3A_183 : memref<1024xf32, #tpu.memory_space<vmem>>[vector<16xi32>], vector<16xf32>,
        %get3A_191 = arith.constant 304 : index
        %get3A_192 = tpu.vector_load %arg7[%get3A_191] {strides = array<i32>} : memref<768xf32, #tpu.memory_space<vmem>>, vector<16xf32>,
        %add3A_193 = arith.constant 304 : i32
        %add3A_194 = vector.broadcast %add3A_193 : i32 to vector<16xi32>
        %add3A_195 = arith.addi %add3A_194, %iota3A : vector<16xi32>
        %div3A_196 = arith.divsi %add3A_195, %broadcast_in_dim3A_1 : vector<16xi32>
        %mul3A_197 = arith.muli %div3A_196, %broadcast_in_dim3A_3 : vector<16xi32>
        %rem3A_198 = arith.remsi %add3A_195, %broadcast_in_dim3A_1 : vector<16xi32>
        %add3A_199 = arith.addi %mul3A_197, %rem3A_198 : vector<16xi32>
        tpu.vector_store_idx %arg9[%add3A_199], %get3A_192 : memref<1024xf32, #tpu.memory_space<vmem>>[vector<16xi32>], vector<16xf32>,
        %get3A_200 = arith.constant 320 : index
        %get3A_201 = tpu.vector_load %arg7[%get3A_200] {strides = array<i32>} : memref<768xf32, #tpu.memory_space<vmem>>, vector<16xf32>,
        %add3A_202 = arith.constant 320 : i32
        %add3A_203 = vector.broadcast %add3A_202 : i32 to vector<16xi32>
        %add3A_204 = arith.addi %add3A_203, %iota3A : vector<16xi32>
        %div3A_205 = arith.divsi %add3A_204, %broadcast_in_dim3A_1 : vector<16xi32>
        %mul3A_206 = arith.muli %div3A_205, %broadcast_in_dim3A_3 : vector<16xi32>
        %rem3A_207 = arith.remsi %add3A_204, %broadcast_in_dim3A_1 : vector<16xi32>
        %add3A_208 = arith.addi %mul3A_206, %rem3A_207 : vector<16xi32>
        tpu.vector_store_idx %arg9[%add3A_208], %get3A_201 : memref<1024xf32, #tpu.memory_space<vmem>>[vector<16xi32>], vector<16xf32>,
        %get3A_209 = arith.constant 336 : index
        %get3A_210 = tpu.vector_load %arg7[%get3A_209] {strides = array<i32>} : memref<768xf32, #tpu.memory_space<vmem>>, vector<16xf32>,
        %add3A_211 = arith.constant 336 : i32
        %add3A_212 = vector.broadcast %add3A_211 : i32 to vector<16xi32>
        %add3A_213 = arith.addi %add3A_212, %iota3A : vector<16xi32>
        %div3A_214 = arith.divsi %add3A_213, %broadcast_in_dim3A_1 : vector<16xi32>
        %mul3A_215 = arith.muli %div3A_214, %broadcast_in_dim3A_3 : vector<16xi32>
        %rem3A_216 = arith.remsi %add3A_213, %broadcast_in_dim3A_1 : vector<16xi32>
        %add3A_217 = arith.addi %mul3A_215, %rem3A_216 : vector<16xi32>
        tpu.vector_store_idx %arg9[%add3A_217], %get3A_210 : memref<1024xf32, #tpu.memory_space<vmem>>[vector<16xi32>], vector<16xf32>,
        %get3A_218 = arith.constant 352 : index
        %get3A_219 = tpu.vector_load %arg7[%get3A_218] {strides = array<i32>} : memref<768xf32, #tpu.memory_space<vmem>>, vector<16xf32>,
        %add3A_220 = arith.constant 352 : i32
        %add3A_221 = vector.broadcast %add3A_220 : i32 to vector<16xi32>
        %add3A_222 = arith.addi %add3A_221, %iota3A : vector<16xi32>
        %div3A_223 = arith.divsi %add3A_222, %broadcast_in_dim3A_1 : vector<16xi32>
        %mul3A_224 = arith.muli %div3A_223, %broadcast_in_dim3A_3 : vector<16xi32>
        %rem3A_225 = arith.remsi %add3A_222, %broadcast_in_dim3A_1 : vector<16xi32>
        %add3A_226 = arith.addi %mul3A_224, %rem3A_225 : vector<16xi32>
        tpu.vector_store_idx %arg9[%add3A_226], %get3A_219 : memref<1024xf32, #tpu.memory_space<vmem>>[vector<16xi32>], vector<16xf32>,
        %get3A_227 = arith.constant 368 : index
        %get3A_228 = tpu.vector_load %arg7[%get3A_227] {strides = array<i32>} : memref<768xf32, #tpu.memory_space<vmem>>, vector<16xf32>,
        %add3A_229 = arith.constant 368 : i32
        %add3A_230 = vector.broadcast %add3A_229 : i32 to vector<16xi32>
        %add3A_231 = arith.addi %add3A_230, %iota3A : vector<16xi32>
        %div3A_232 = arith.divsi %add3A_231, %broadcast_in_dim3A_1 : vector<16xi32>
        %mul3A_233 = arith.muli %div3A_232, %broadcast_in_dim3A_3 : vector<16xi32>
        %rem3A_234 = arith.remsi %add3A_231, %broadcast_in_dim3A_1 : vector<16xi32>
        %add3A_235 = arith.addi %mul3A_233, %rem3A_234 : vector<16xi32>
        tpu.vector_store_idx %arg9[%add3A_235], %get3A_228 : memref<1024xf32, #tpu.memory_space<vmem>>[vector<16xi32>], vector<16xf32>,
        %get3A_236 = arith.constant 384 : index
        %get3A_237 = tpu.vector_load %arg7[%get3A_236] {strides = array<i32>} : memref<768xf32, #tpu.memory_space<vmem>>, vector<16xf32>,
        %add3A_238 = arith.constant 384 : i32
        %add3A_239 = vector.broadcast %add3A_238 : i32 to vector<16xi32>
        %add3A_240 = arith.addi %add3A_239, %iota3A : vector<16xi32>
        %div3A_241 = arith.divsi %add3A_240, %broadcast_in_dim3A_1 : vector<16xi32>
        %mul3A_242 = arith.muli %div3A_241, %broadcast_in_dim3A_3 : vector<16xi32>
        %rem3A_243 = arith.remsi %add3A_240, %broadcast_in_dim3A_1 : vector<16xi32>
        %add3A_244 = arith.addi %mul3A_242, %rem3A_243 : vector<16xi32>
        tpu.vector_store_idx %arg9[%add3A_244], %get3A_237 : memref<1024xf32, #tpu.memory_space<vmem>>[vector<16xi32>], vector<16xf32>,
        %get3A_245 = arith.constant 400 : index
        %get3A_246 = tpu.vector_load %arg7[%get3A_245] {strides = array<i32>} : memref<768xf32, #tpu.memory_space<vmem>>, vector<16xf32>,
        %add3A_247 = arith.constant 400 : i32
        %add3A_248 = vector.broadcast %add3A_247 : i32 to vector<16xi32>
        %add3A_249 = arith.addi %add3A_248, %iota3A : vector<16xi32>
        %div3A_250 = arith.divsi %add3A_249, %broadcast_in_dim3A_1 : vector<16xi32>
        %mul3A_251 = arith.muli %div3A_250, %broadcast_in_dim3A_3 : vector<16xi32>
        %rem3A_252 = arith.remsi %add3A_249, %broadcast_in_dim3A_1 : vector<16xi32>
        %add3A_253 = arith.addi %mul3A_251, %rem3A_252 : vector<16xi32>
        tpu.vector_store_idx %arg9[%add3A_253], %get3A_246 : memref<1024xf32, #tpu.memory_space<vmem>>[vector<16xi32>], vector<16xf32>,
        %get3A_254 = arith.constant 416 : index
        %get3A_255 = tpu.vector_load %arg7[%get3A_254] {strides = array<i32>} : memref<768xf32, #tpu.memory_space<vmem>>, vector<16xf32>,
        %add3A_256 = arith.constant 416 : i32
        %add3A_257 = vector.broadcast %add3A_256 : i32 to vector<16xi32>
        %add3A_258 = arith.addi %add3A_257, %iota3A : vector<16xi32>
        %div3A_259 = arith.divsi %add3A_258, %broadcast_in_dim3A_1 : vector<16xi32>
        %mul3A_260 = arith.muli %div3A_259, %broadcast_in_dim3A_3 : vector<16xi32>
        %rem3A_261 = arith.remsi %add3A_258, %broadcast_in_dim3A_1 : vector<16xi32>
        %add3A_262 = arith.addi %mul3A_260, %rem3A_261 : vector<16xi32>
        tpu.vector_store_idx %arg9[%add3A_262], %get3A_255 : memref<1024xf32, #tpu.memory_space<vmem>>[vector<16xi32>], vector<16xf32>,
        %get3A_263 = arith.constant 432 : index
        %get3A_264 = tpu.vector_load %arg7[%get3A_263] {strides = array<i32>} : memref<768xf32, #tpu.memory_space<vmem>>, vector<16xf32>,
        %add3A_265 = arith.constant 432 : i32
        %add3A_266 = vector.broadcast %add3A_265 : i32 to vector<16xi32>
        %add3A_267 = arith.addi %add3A_266, %iota3A : vector<16xi32>
        %div3A_268 = arith.divsi %add3A_267, %broadcast_in_dim3A_1 : vector<16xi32>
        %mul3A_269 = arith.muli %div3A_268, %broadcast_in_dim3A_3 : vector<16xi32>
        %rem3A_270 = arith.remsi %add3A_267, %broadcast_in_dim3A_1 : vector<16xi32>
        %add3A_271 = arith.addi %mul3A_269, %rem3A_270 : vector<16xi32>
        tpu.vector_store_idx %arg9[%add3A_271], %get3A_264 : memref<1024xf32, #tpu.memory_space<vmem>>[vector<16xi32>], vector<16xf32>,
        %get3A_272 = arith.constant 448 : index
        %get3A_273 = tpu.vector_load %arg7[%get3A_272] {strides = array<i32>} : memref<768xf32, #tpu.memory_space<vmem>>, vector<16xf32>,
        %add3A_274 = arith.constant 448 : i32
        %add3A_275 = vector.broadcast %add3A_274 : i32 to vector<16xi32>
        %add3A_276 = arith.addi %add3A_275, %iota3A : vector<16xi32>
        %div3A_277 = arith.divsi %add3A_276, %broadcast_in_dim3A_1 : vector<16xi32>
        %mul3A_278 = arith.muli %div3A_277, %broadcast_in_dim3A_3 : vector<16xi32>
        %rem3A_279 = arith.remsi %add3A_276, %broadcast_in_dim3A_1 : vector<16xi32>
        %add3A_280 = arith.addi %mul3A_278, %rem3A_279 : vector<16xi32>
        tpu.vector_store_idx %arg9[%add3A_280], %get3A_273 : memref<1024xf32, #tpu.memory_space<vmem>>[vector<16xi32>], vector<16xf32>,
        %get3A_281 = arith.constant 464 : index
        %get3A_282 = tpu.vector_load %arg7[%get3A_281] {strides = array<i32>} : memref<768xf32, #tpu.memory_space<vmem>>, vector<16xf32>,
        %add3A_283 = arith.constant 464 : i32
        %add3A_284 = vector.broadcast %add3A_283 : i32 to vector<16xi32>
        %add3A_285 = arith.addi %add3A_284, %iota3A : vector<16xi32>
        %div3A_286 = arith.divsi %add3A_285, %broadcast_in_dim3A_1 : vector<16xi32>
        %mul3A_287 = arith.muli %div3A_286, %broadcast_in_dim3A_3 : vector<16xi32>
        %rem3A_288 = arith.remsi %add3A_285, %broadcast_in_dim3A_1 : vector<16xi32>
        %add3A_289 = arith.addi %mul3A_287, %rem3A_288 : vector<16xi32>
        tpu.vector_store_idx %arg9[%add3A_289], %get3A_282 : memref<1024xf32, #tpu.memory_space<vmem>>[vector<16xi32>], vector<16xf32>,
        %get3A_290 = arith.constant 480 : index
        %get3A_291 = tpu.vector_load %arg7[%get3A_290] {strides = array<i32>} : memref<768xf32, #tpu.memory_space<vmem>>, vector<16xf32>,
        %add3A_292 = arith.constant 480 : i32
        %add3A_293 = vector.broadcast %add3A_292 : i32 to vector<16xi32>
        %add3A_294 = arith.addi %add3A_293, %iota3A : vector<16xi32>
        %div3A_295 = arith.divsi %add3A_294, %broadcast_in_dim3A_1 : vector<16xi32>
        %mul3A_296 = arith.muli %div3A_295, %broadcast_in_dim3A_3 : vector<16xi32>
        %rem3A_297 = arith.remsi %add3A_294, %broadcast_in_dim3A_1 : vector<16xi32>
        %add3A_298 = arith.addi %mul3A_296, %rem3A_297 : vector<16xi32>
        tpu.vector_store_idx %arg9[%add3A_298], %get3A_291 : memref<1024xf32, #tpu.memory_space<vmem>>[vector<16xi32>], vector<16xf32>,
        %get3A_299 = arith.constant 496 : index
        %get3A_300 = tpu.vector_load %arg7[%get3A_299] {strides = array<i32>} : memref<768xf32, #tpu.memory_space<vmem>>, vector<16xf32>,
        %add3A_301 = arith.constant 496 : i32
        %add3A_302 = vector.broadcast %add3A_301 : i32 to vector<16xi32>
        %add3A_303 = arith.addi %add3A_302, %iota3A : vector<16xi32>
        %div3A_304 = arith.divsi %add3A_303, %broadcast_in_dim3A_1 : vector<16xi32>
        %mul3A_305 = arith.muli %div3A_304, %broadcast_in_dim3A_3 : vector<16xi32>
        %rem3A_306 = arith.remsi %add3A_303, %broadcast_in_dim3A_1 : vector<16xi32>
        %add3A_307 = arith.addi %mul3A_305, %rem3A_306 : vector<16xi32>
        tpu.vector_store_idx %arg9[%add3A_307], %get3A_300 : memref<1024xf32, #tpu.memory_space<vmem>>[vector<16xi32>], vector<16xf32>,
        %get3A_308 = arith.constant 512 : index
        %get3A_309 = tpu.vector_load %arg7[%get3A_308] {strides = array<i32>} : memref<768xf32, #tpu.memory_space<vmem>>, vector<16xf32>,
        %add3A_310 = arith.constant 512 : i32
        %add3A_311 = vector.broadcast %add3A_310 : i32 to vector<16xi32>
        %add3A_312 = arith.addi %add3A_311, %iota3A : vector<16xi32>
        %div3A_313 = arith.divsi %add3A_312, %broadcast_in_dim3A_1 : vector<16xi32>
        %mul3A_314 = arith.muli %div3A_313, %broadcast_in_dim3A_3 : vector<16xi32>
        %rem3A_315 = arith.remsi %add3A_312, %broadcast_in_dim3A_1 : vector<16xi32>
        %add3A_316 = arith.addi %mul3A_314, %rem3A_315 : vector<16xi32>
        tpu.vector_store_idx %arg9[%add3A_316], %get3A_309 : memref<1024xf32, #tpu.memory_space<vmem>>[vector<16xi32>], vector<16xf32>,
        %get3A_317 = arith.constant 528 : index
        %get3A_318 = tpu.vector_load %arg7[%get3A_317] {strides = array<i32>} : memref<768xf32, #tpu.memory_space<vmem>>, vector<16xf32>,
        %add3A_319 = arith.constant 528 : i32
        %add3A_320 = vector.broadcast %add3A_319 : i32 to vector<16xi32>
        %add3A_321 = arith.addi %add3A_320, %iota3A : vector<16xi32>
        %div3A_322 = arith.divsi %add3A_321, %broadcast_in_dim3A_1 : vector<16xi32>
        %mul3A_323 = arith.muli %div3A_322, %broadcast_in_dim3A_3 : vector<16xi32>
        %rem3A_324 = arith.remsi %add3A_321, %broadcast_in_dim3A_1 : vector<16xi32>
        %add3A_325 = arith.addi %mul3A_323, %rem3A_324 : vector<16xi32>
        tpu.vector_store_idx %arg9[%add3A_325], %get3A_318 : memref<1024xf32, #tpu.memory_space<vmem>>[vector<16xi32>], vector<16xf32>,
        %get3A_326 = arith.constant 544 : index
        %get3A_327 = tpu.vector_load %arg7[%get3A_326] {strides = array<i32>} : memref<768xf32, #tpu.memory_space<vmem>>, vector<16xf32>,
        %add3A_328 = arith.constant 544 : i32
        %add3A_329 = vector.broadcast %add3A_328 : i32 to vector<16xi32>
        %add3A_330 = arith.addi %add3A_329, %iota3A : vector<16xi32>
        %div3A_331 = arith.divsi %add3A_330, %broadcast_in_dim3A_1 : vector<16xi32>
        %mul3A_332 = arith.muli %div3A_331, %broadcast_in_dim3A_3 : vector<16xi32>
        %rem3A_333 = arith.remsi %add3A_330, %broadcast_in_dim3A_1 : vector<16xi32>
        %add3A_334 = arith.addi %mul3A_332, %rem3A_333 : vector<16xi32>
        tpu.vector_store_idx %arg9[%add3A_334], %get3A_327 : memref<1024xf32, #tpu.memory_space<vmem>>[vector<16xi32>], vector<16xf32>,
        %get3A_335 = arith.constant 560 : index
        %get3A_336 = tpu.vector_load %arg7[%get3A_335] {strides = array<i32>} : memref<768xf32, #tpu.memory_space<vmem>>, vector<16xf32>,
        %add3A_337 = arith.constant 560 : i32
        %add3A_338 = vector.broadcast %add3A_337 : i32 to vector<16xi32>
        %add3A_339 = arith.addi %add3A_338, %iota3A : vector<16xi32>
        %div3A_340 = arith.divsi %add3A_339, %broadcast_in_dim3A_1 : vector<16xi32>
        %mul3A_341 = arith.muli %div3A_340, %broadcast_in_dim3A_3 : vector<16xi32>
        %rem3A_342 = arith.remsi %add3A_339, %broadcast_in_dim3A_1 : vector<16xi32>
        %add3A_343 = arith.addi %mul3A_341, %rem3A_342 : vector<16xi32>
        tpu.vector_store_idx %arg9[%add3A_343], %get3A_336 : memref<1024xf32, #tpu.memory_space<vmem>>[vector<16xi32>], vector<16xf32>,
        %get3A_344 = arith.constant 576 : index
        %get3A_345 = tpu.vector_load %arg7[%get3A_344] {strides = array<i32>} : memref<768xf32, #tpu.memory_space<vmem>>, vector<16xf32>,
        %add3A_346 = arith.constant 576 : i32
        %add3A_347 = vector.broadcast %add3A_346 : i32 to vector<16xi32>
        %add3A_348 = arith.addi %add3A_347, %iota3A : vector<16xi32>
        %div3A_349 = arith.divsi %add3A_348, %broadcast_in_dim3A_1 : vector<16xi32>
        %mul3A_350 = arith.muli %div3A_349, %broadcast_in_dim3A_3 : vector<16xi32>
        %rem3A_351 = arith.remsi %add3A_348, %broadcast_in_dim3A_1 : vector<16xi32>
        %add3A_352 = arith.addi %mul3A_350, %rem3A_351 : vector<16xi32>
        tpu.vector_store_idx %arg9[%add3A_352], %get3A_345 : memref<1024xf32, #tpu.memory_space<vmem>>[vector<16xi32>], vector<16xf32>,
        %get3A_353 = arith.constant 592 : index
        %get3A_354 = tpu.vector_load %arg7[%get3A_353] {strides = array<i32>} : memref<768xf32, #tpu.memory_space<vmem>>, vector<16xf32>,
        %add3A_355 = arith.constant 592 : i32
        %add3A_356 = vector.broadcast %add3A_355 : i32 to vector<16xi32>
        %add3A_357 = arith.addi %add3A_356, %iota3A : vector<16xi32>
        %div3A_358 = arith.divsi %add3A_357, %broadcast_in_dim3A_1 : vector<16xi32>
        %mul3A_359 = arith.muli %div3A_358, %broadcast_in_dim3A_3 : vector<16xi32>
        %rem3A_360 = arith.remsi %add3A_357, %broadcast_in_dim3A_1 : vector<16xi32>
        %add3A_361 = arith.addi %mul3A_359, %rem3A_360 : vector<16xi32>
        tpu.vector_store_idx %arg9[%add3A_361], %get3A_354 : memref<1024xf32, #tpu.memory_space<vmem>>[vector<16xi32>], vector<16xf32>,
        %get3A_362 = arith.constant 608 : index
        %get3A_363 = tpu.vector_load %arg7[%get3A_362] {strides = array<i32>} : memref<768xf32, #tpu.memory_space<vmem>>, vector<16xf32>,
        %add3A_364 = arith.constant 608 : i32
        %add3A_365 = vector.broadcast %add3A_364 : i32 to vector<16xi32>
        %add3A_366 = arith.addi %add3A_365, %iota3A : vector<16xi32>
        %div3A_367 = arith.divsi %add3A_366, %broadcast_in_dim3A_1 : vector<16xi32>
        %mul3A_368 = arith.muli %div3A_367, %broadcast_in_dim3A_3 : vector<16xi32>
        %rem3A_369 = arith.remsi %add3A_366, %broadcast_in_dim3A_1 : vector<16xi32>
        %add3A_370 = arith.addi %mul3A_368, %rem3A_369 : vector<16xi32>
        tpu.vector_store_idx %arg9[%add3A_370], %get3A_363 : memref<1024xf32, #tpu.memory_space<vmem>>[vector<16xi32>], vector<16xf32>,
        %get3A_371 = arith.constant 624 : index
        %get3A_372 = tpu.vector_load %arg7[%get3A_371] {strides = array<i32>} : memref<768xf32, #tpu.memory_space<vmem>>, vector<16xf32>,
        %add3A_373 = arith.constant 624 : i32
        %add3A_374 = vector.broadcast %add3A_373 : i32 to vector<16xi32>
        %add3A_375 = arith.addi %add3A_374, %iota3A : vector<16xi32>
        %div3A_376 = arith.divsi %add3A_375, %broadcast_in_dim3A_1 : vector<16xi32>
        %mul3A_377 = arith.muli %div3A_376, %broadcast_in_dim3A_3 : vector<16xi32>
        %rem3A_378 = arith.remsi %add3A_375, %broadcast_in_dim3A_1 : vector<16xi32>
        %add3A_379 = arith.addi %mul3A_377, %rem3A_378 : vector<16xi32>
        tpu.vector_store_idx %arg9[%add3A_379], %get3A_372 : memref<1024xf32, #tpu.memory_space<vmem>>[vector<16xi32>], vector<16xf32>,
        %get3A_380 = arith.constant 640 : index
        %get3A_381 = tpu.vector_load %arg7[%get3A_380] {strides = array<i32>} : memref<768xf32, #tpu.memory_space<vmem>>, vector<16xf32>,
        %add3A_382 = arith.constant 640 : i32
        %add3A_383 = vector.broadcast %add3A_382 : i32 to vector<16xi32>
        %add3A_384 = arith.addi %add3A_383, %iota3A : vector<16xi32>
        %div3A_385 = arith.divsi %add3A_384, %broadcast_in_dim3A_1 : vector<16xi32>
        %mul3A_386 = arith.muli %div3A_385, %broadcast_in_dim3A_3 : vector<16xi32>
        %rem3A_387 = arith.remsi %add3A_384, %broadcast_in_dim3A_1 : vector<16xi32>
        %add3A_388 = arith.addi %mul3A_386, %rem3A_387 : vector<16xi32>
        tpu.vector_store_idx %arg9[%add3A_388], %get3A_381 : memref<1024xf32, #tpu.memory_space<vmem>>[vector<16xi32>], vector<16xf32>,
        %get3A_389 = arith.constant 656 : index
        %get3A_390 = tpu.vector_load %arg7[%get3A_389] {strides = array<i32>} : memref<768xf32, #tpu.memory_space<vmem>>, vector<16xf32>,
        %add3A_391 = arith.constant 656 : i32
        %add3A_392 = vector.broadcast %add3A_391 : i32 to vector<16xi32>
        %add3A_393 = arith.addi %add3A_392, %iota3A : vector<16xi32>
        %div3A_394 = arith.divsi %add3A_393, %broadcast_in_dim3A_1 : vector<16xi32>
        %mul3A_395 = arith.muli %div3A_394, %broadcast_in_dim3A_3 : vector<16xi32>
        %rem3A_396 = arith.remsi %add3A_393, %broadcast_in_dim3A_1 : vector<16xi32>
        %add3A_397 = arith.addi %mul3A_395, %rem3A_396 : vector<16xi32>
        tpu.vector_store_idx %arg9[%add3A_397], %get3A_390 : memref<1024xf32, #tpu.memory_space<vmem>>[vector<16xi32>], vector<16xf32>,
        %get3A_398 = arith.constant 672 : index
        %get3A_399 = tpu.vector_load %arg7[%get3A_398] {strides = array<i32>} : memref<768xf32, #tpu.memory_space<vmem>>, vector<16xf32>,
        %add3A_400 = arith.constant 672 : i32
        %add3A_401 = vector.broadcast %add3A_400 : i32 to vector<16xi32>
        %add3A_402 = arith.addi %add3A_401, %iota3A : vector<16xi32>
        %div3A_403 = arith.divsi %add3A_402, %broadcast_in_dim3A_1 : vector<16xi32>
        %mul3A_404 = arith.muli %div3A_403, %broadcast_in_dim3A_3 : vector<16xi32>
        %rem3A_405 = arith.remsi %add3A_402, %broadcast_in_dim3A_1 : vector<16xi32>
        %add3A_406 = arith.addi %mul3A_404, %rem3A_405 : vector<16xi32>
        tpu.vector_store_idx %arg9[%add3A_406], %get3A_399 : memref<1024xf32, #tpu.memory_space<vmem>>[vector<16xi32>], vector<16xf32>,
        %get3A_407 = arith.constant 688 : index
        %get3A_408 = tpu.vector_load %arg7[%get3A_407] {strides = array<i32>} : memref<768xf32, #tpu.memory_space<vmem>>, vector<16xf32>,
        %add3A_409 = arith.constant 688 : i32
        %add3A_410 = vector.broadcast %add3A_409 : i32 to vector<16xi32>
        %add3A_411 = arith.addi %add3A_410, %iota3A : vector<16xi32>
        %div3A_412 = arith.divsi %add3A_411, %broadcast_in_dim3A_1 : vector<16xi32>
        %mul3A_413 = arith.muli %div3A_412, %broadcast_in_dim3A_3 : vector<16xi32>
        %rem3A_414 = arith.remsi %add3A_411, %broadcast_in_dim3A_1 : vector<16xi32>
        %add3A_415 = arith.addi %mul3A_413, %rem3A_414 : vector<16xi32>
        tpu.vector_store_idx %arg9[%add3A_415], %get3A_408 : memref<1024xf32, #tpu.memory_space<vmem>>[vector<16xi32>], vector<16xf32>,
        %get3A_416 = arith.constant 704 : index
        %get3A_417 = tpu.vector_load %arg7[%get3A_416] {strides = array<i32>} : memref<768xf32, #tpu.memory_space<vmem>>, vector<16xf32>,
        %add3A_418 = arith.constant 704 : i32
        %add3A_419 = vector.broadcast %add3A_418 : i32 to vector<16xi32>
        %add3A_420 = arith.addi %add3A_419, %iota3A : vector<16xi32>
        %div3A_421 = arith.divsi %add3A_420, %broadcast_in_dim3A_1 : vector<16xi32>
        %mul3A_422 = arith.muli %div3A_421, %broadcast_in_dim3A_3 : vector<16xi32>
        %rem3A_423 = arith.remsi %add3A_420, %broadcast_in_dim3A_1 : vector<16xi32>
        %add3A_424 = arith.addi %mul3A_422, %rem3A_423 : vector<16xi32>
        tpu.vector_store_idx %arg9[%add3A_424], %get3A_417 : memref<1024xf32, #tpu.memory_space<vmem>>[vector<16xi32>], vector<16xf32>,
        %get3A_425 = arith.constant 720 : index
        %get3A_426 = tpu.vector_load %arg7[%get3A_425] {strides = array<i32>} : memref<768xf32, #tpu.memory_space<vmem>>, vector<16xf32>,
        %add3A_427 = arith.constant 720 : i32
        %add3A_428 = vector.broadcast %add3A_427 : i32 to vector<16xi32>
        %add3A_429 = arith.addi %add3A_428, %iota3A : vector<16xi32>
        %div3A_430 = arith.divsi %add3A_429, %broadcast_in_dim3A_1 : vector<16xi32>
        %mul3A_431 = arith.muli %div3A_430, %broadcast_in_dim3A_3 : vector<16xi32>
        %rem3A_432 = arith.remsi %add3A_429, %broadcast_in_dim3A_1 : vector<16xi32>
        %add3A_433 = arith.addi %mul3A_431, %rem3A_432 : vector<16xi32>
        tpu.vector_store_idx %arg9[%add3A_433], %get3A_426 : memref<1024xf32, #tpu.memory_space<vmem>>[vector<16xi32>], vector<16xf32>,
        %get3A_434 = arith.constant 736 : index
        %get3A_435 = tpu.vector_load %arg7[%get3A_434] {strides = array<i32>} : memref<768xf32, #tpu.memory_space<vmem>>, vector<16xf32>,
        %add3A_436 = arith.constant 736 : i32
        %add3A_437 = vector.broadcast %add3A_436 : i32 to vector<16xi32>
        %add3A_438 = arith.addi %add3A_437, %iota3A : vector<16xi32>
        %div3A_439 = arith.divsi %add3A_438, %broadcast_in_dim3A_1 : vector<16xi32>
        %mul3A_440 = arith.muli %div3A_439, %broadcast_in_dim3A_3 : vector<16xi32>
        %rem3A_441 = arith.remsi %add3A_438, %broadcast_in_dim3A_1 : vector<16xi32>
        %add3A_442 = arith.addi %mul3A_440, %rem3A_441 : vector<16xi32>
        tpu.vector_store_idx %arg9[%add3A_442], %get3A_435 : memref<1024xf32, #tpu.memory_space<vmem>>[vector<16xi32>], vector<16xf32>,
        %get3A_443 = arith.constant 752 : index
        %get3A_444 = tpu.vector_load %arg7[%get3A_443] {strides = array<i32>} : memref<768xf32, #tpu.memory_space<vmem>>, vector<16xf32>,
        %add3A_445 = arith.constant 752 : i32
        %add3A_446 = vector.broadcast %add3A_445 : i32 to vector<16xi32>
        %add3A_447 = arith.addi %add3A_446, %iota3A : vector<16xi32>
        %div3A_448 = arith.divsi %add3A_447, %broadcast_in_dim3A_1 : vector<16xi32>
        %mul3A_449 = arith.muli %div3A_448, %broadcast_in_dim3A_3 : vector<16xi32>
        %rem3A_450 = arith.remsi %add3A_447, %broadcast_in_dim3A_1 : vector<16xi32>
        %add3A_451 = arith.addi %mul3A_449, %rem3A_450 : vector<16xi32>
        tpu.vector_store_idx %arg9[%add3A_451], %get3A_444 : memref<1024xf32, #tpu.memory_space<vmem>>[vector<16xi32>], vector<16xf32>,
        %get3A_452 = arith.constant 0 : index
        %get3A_453 = tpu.vector_load %arg8[%get3A_452] {strides = array<i32>} : memref<128xi32, #tpu.memory_space<vmem>>, vector<16xi32>,
        %gather3A = tpu.vector_load_idx %arg6[%get3A_453] : memref<10000xf32, #tpu.memory_space<vmem>>[vector<16xi32>], vector<16xf32>,
        %add3A_454 = arith.constant 0 : i32
        %add3A_455 = vector.broadcast %add3A_454 : i32 to vector<16xi32>
        %add3A_456 = arith.addi %add3A_455, %iota3A : vector<16xi32>
        %mul3A_457 = arith.muli %add3A_456, %broadcast_in_dim3A_3 : vector<16xi32>
        %add3A_458 = arith.constant 6 : i32
        %add3A_459 = vector.broadcast %add3A_458 : i32 to vector<16xi32>
        %add3A_460 = arith.addi %mul3A_457, %add3A_459 : vector<16xi32>
        tpu.vector_store_idx %arg9[%add3A_460], %gather3A : memref<1024xf32, #tpu.memory_space<vmem>>[vector<16xi32>], vector<16xf32>,
        %mul3A_461 = arith.muli %add3A_456, %broadcast_in_dim3A_3 : vector<16xi32>
        %add3A_462 = arith.constant 7 : i32
        %add3A_463 = vector.broadcast %add3A_462 : i32 to vector<16xi32>
        %add3A_464 = arith.addi %mul3A_461, %add3A_463 : vector<16xi32>
        %broadcast_in_dim3A_465 = arith.constant 0.000000e+00 : f32
        %broadcast_in_dim3A_466 = vector.broadcast %broadcast_in_dim3A_465 : f32 to vector<16xf32>
        tpu.vector_store_idx %arg9[%add3A_464], %broadcast_in_dim3A_466 : memref<1024xf32, #tpu.memory_space<vmem>>[vector<16xi32>], vector<16xf32>,
        %get3A_467 = arith.constant 16 : index
        %get3A_468 = tpu.vector_load %arg8[%get3A_467] {strides = array<i32>} : memref<128xi32, #tpu.memory_space<vmem>>, vector<16xi32>,
        %gather3A_469 = tpu.vector_load_idx %arg6[%get3A_468] : memref<10000xf32, #tpu.memory_space<vmem>>[vector<16xi32>], vector<16xf32>,
        %add3A_470 = arith.constant 16 : i32
        %add3A_471 = vector.broadcast %add3A_470 : i32 to vector<16xi32>
        %add3A_472 = arith.addi %add3A_471, %iota3A : vector<16xi32>
        %mul3A_473 = arith.muli %add3A_472, %broadcast_in_dim3A_3 : vector<16xi32>
        %add3A_474 = arith.constant 6 : i32
        %add3A_475 = vector.broadcast %add3A_474 : i32 to vector<16xi32>
        %add3A_476 = arith.addi %mul3A_473, %add3A_475 : vector<16xi32>
        tpu.vector_store_idx %arg9[%add3A_476], %gather3A_469 : memref<1024xf32, #tpu.memory_space<vmem>>[vector<16xi32>], vector<16xf32>,
        %mul3A_477 = arith.muli %add3A_472, %broadcast_in_dim3A_3 : vector<16xi32>
        %add3A_478 = arith.constant 7 : i32
        %add3A_479 = vector.broadcast %add3A_478 : i32 to vector<16xi32>
        %add3A_480 = arith.addi %mul3A_477, %add3A_479 : vector<16xi32>
        %broadcast_in_dim3A_481 = arith.constant 0.000000e+00 : f32
        %broadcast_in_dim3A_482 = vector.broadcast %broadcast_in_dim3A_481 : f32 to vector<16xf32>
        tpu.vector_store_idx %arg9[%add3A_480], %broadcast_in_dim3A_482 : memref<1024xf32, #tpu.memory_space<vmem>>[vector<16xi32>], vector<16xf32>,
        %get3A_483 = arith.constant 32 : index
        %get3A_484 = tpu.vector_load %arg8[%get3A_483] {strides = array<i32>} : memref<128xi32, #tpu.memory_space<vmem>>, vector<16xi32>,
        %gather3A_485 = tpu.vector_load_idx %arg6[%get3A_484] : memref<10000xf32, #tpu.memory_space<vmem>>[vector<16xi32>], vector<16xf32>,
        %add3A_486 = arith.constant 32 : i32
        %add3A_487 = vector.broadcast %add3A_486 : i32 to vector<16xi32>
        %add3A_488 = arith.addi %add3A_487, %iota3A : vector<16xi32>
        %mul3A_489 = arith.muli %add3A_488, %broadcast_in_dim3A_3 : vector<16xi32>
        %add3A_490 = arith.constant 6 : i32
        %add3A_491 = vector.broadcast %add3A_490 : i32 to vector<16xi32>
        %add3A_492 = arith.addi %mul3A_489, %add3A_491 : vector<16xi32>
        tpu.vector_store_idx %arg9[%add3A_492], %gather3A_485 : memref<1024xf32, #tpu.memory_space<vmem>>[vector<16xi32>], vector<16xf32>,
        %mul3A_493 = arith.muli %add3A_488, %broadcast_in_dim3A_3 : vector<16xi32>
        %add3A_494 = arith.constant 7 : i32
        %add3A_495 = vector.broadcast %add3A_494 : i32 to vector<16xi32>
        %add3A_496 = arith.addi %mul3A_493, %add3A_495 : vector<16xi32>
        %broadcast_in_dim3A_497 = arith.constant 0.000000e+00 : f32
        %broadcast_in_dim3A_498 = vector.broadcast %broadcast_in_dim3A_497 : f32 to vector<16xf32>
        tpu.vector_store_idx %arg9[%add3A_496], %broadcast_in_dim3A_498 : memref<1024xf32, #tpu.memory_space<vmem>>[vector<16xi32>], vector<16xf32>,
        %get3A_499 = arith.constant 48 : index
        %get3A_500 = tpu.vector_load %arg8[%get3A_499] {strides = array<i32>} : memref<128xi32, #tpu.memory_space<vmem>>, vector<16xi32>,
        %gather3A_501 = tpu.vector_load_idx %arg6[%get3A_500] : memref<10000xf32, #tpu.memory_space<vmem>>[vector<16xi32>], vector<16xf32>,
        %add3A_502 = arith.constant 48 : i32
        %add3A_503 = vector.broadcast %add3A_502 : i32 to vector<16xi32>
        %add3A_504 = arith.addi %add3A_503, %iota3A : vector<16xi32>
        %mul3A_505 = arith.muli %add3A_504, %broadcast_in_dim3A_3 : vector<16xi32>
        %add3A_506 = arith.constant 6 : i32
        %add3A_507 = vector.broadcast %add3A_506 : i32 to vector<16xi32>
        %add3A_508 = arith.addi %mul3A_505, %add3A_507 : vector<16xi32>
        tpu.vector_store_idx %arg9[%add3A_508], %gather3A_501 : memref<1024xf32, #tpu.memory_space<vmem>>[vector<16xi32>], vector<16xf32>,
        %mul3A_509 = arith.muli %add3A_504, %broadcast_in_dim3A_3 : vector<16xi32>
        %add3A_510 = arith.constant 7 : i32
        %add3A_511 = vector.broadcast %add3A_510 : i32 to vector<16xi32>
        %add3A_512 = arith.addi %mul3A_509, %add3A_511 : vector<16xi32>
        %broadcast_in_dim3A_513 = arith.constant 0.000000e+00 : f32
        %broadcast_in_dim3A_514 = vector.broadcast %broadcast_in_dim3A_513 : f32 to vector<16xf32>
        tpu.vector_store_idx %arg9[%add3A_512], %broadcast_in_dim3A_514 : memref<1024xf32, #tpu.memory_space<vmem>>[vector<16xi32>], vector<16xf32>,
        %get3A_515 = arith.constant 64 : index
        %get3A_516 = tpu.vector_load %arg8[%get3A_515] {strides = array<i32>} : memref<128xi32, #tpu.memory_space<vmem>>, vector<16xi32>,
        %gather3A_517 = tpu.vector_load_idx %arg6[%get3A_516] : memref<10000xf32, #tpu.memory_space<vmem>>[vector<16xi32>], vector<16xf32>,
        %add3A_518 = arith.constant 64 : i32
        %add3A_519 = vector.broadcast %add3A_518 : i32 to vector<16xi32>
        %add3A_520 = arith.addi %add3A_519, %iota3A : vector<16xi32>
        %mul3A_521 = arith.muli %add3A_520, %broadcast_in_dim3A_3 : vector<16xi32>
        %add3A_522 = arith.constant 6 : i32
        %add3A_523 = vector.broadcast %add3A_522 : i32 to vector<16xi32>
        %add3A_524 = arith.addi %mul3A_521, %add3A_523 : vector<16xi32>
        tpu.vector_store_idx %arg9[%add3A_524], %gather3A_517 : memref<1024xf32, #tpu.memory_space<vmem>>[vector<16xi32>], vector<16xf32>,
        %mul3A_525 = arith.muli %add3A_520, %broadcast_in_dim3A_3 : vector<16xi32>
        %add3A_526 = arith.constant 7 : i32
        %add3A_527 = vector.broadcast %add3A_526 : i32 to vector<16xi32>
        %add3A_528 = arith.addi %mul3A_525, %add3A_527 : vector<16xi32>
        %broadcast_in_dim3A_529 = arith.constant 0.000000e+00 : f32
        %broadcast_in_dim3A_530 = vector.broadcast %broadcast_in_dim3A_529 : f32 to vector<16xf32>
        tpu.vector_store_idx %arg9[%add3A_528], %broadcast_in_dim3A_530 : memref<1024xf32, #tpu.memory_space<vmem>>[vector<16xi32>], vector<16xf32>,
        %get3A_531 = arith.constant 80 : index
        %get3A_532 = tpu.vector_load %arg8[%get3A_531] {strides = array<i32>} : memref<128xi32, #tpu.memory_space<vmem>>, vector<16xi32>,
        %gather3A_533 = tpu.vector_load_idx %arg6[%get3A_532] : memref<10000xf32, #tpu.memory_space<vmem>>[vector<16xi32>], vector<16xf32>,
        %add3A_534 = arith.constant 80 : i32
        %add3A_535 = vector.broadcast %add3A_534 : i32 to vector<16xi32>
        %add3A_536 = arith.addi %add3A_535, %iota3A : vector<16xi32>
        %mul3A_537 = arith.muli %add3A_536, %broadcast_in_dim3A_3 : vector<16xi32>
        %add3A_538 = arith.constant 6 : i32
        %add3A_539 = vector.broadcast %add3A_538 : i32 to vector<16xi32>
        %add3A_540 = arith.addi %mul3A_537, %add3A_539 : vector<16xi32>
        tpu.vector_store_idx %arg9[%add3A_540], %gather3A_533 : memref<1024xf32, #tpu.memory_space<vmem>>[vector<16xi32>], vector<16xf32>,
        %mul3A_541 = arith.muli %add3A_536, %broadcast_in_dim3A_3 : vector<16xi32>
        %add3A_542 = arith.constant 7 : i32
        %add3A_543 = vector.broadcast %add3A_542 : i32 to vector<16xi32>
        %add3A_544 = arith.addi %mul3A_541, %add3A_543 : vector<16xi32>
        %broadcast_in_dim3A_545 = arith.constant 0.000000e+00 : f32
        %broadcast_in_dim3A_546 = vector.broadcast %broadcast_in_dim3A_545 : f32 to vector<16xf32>
        tpu.vector_store_idx %arg9[%add3A_544], %broadcast_in_dim3A_546 : memref<1024xf32, #tpu.memory_space<vmem>>[vector<16xi32>], vector<16xf32>,
        %get3A_547 = arith.constant 96 : index
        %get3A_548 = tpu.vector_load %arg8[%get3A_547] {strides = array<i32>} : memref<128xi32, #tpu.memory_space<vmem>>, vector<16xi32>,
        %gather3A_549 = tpu.vector_load_idx %arg6[%get3A_548] : memref<10000xf32, #tpu.memory_space<vmem>>[vector<16xi32>], vector<16xf32>,
        %add3A_550 = arith.constant 96 : i32
        %add3A_551 = vector.broadcast %add3A_550 : i32 to vector<16xi32>
        %add3A_552 = arith.addi %add3A_551, %iota3A : vector<16xi32>
        %mul3A_553 = arith.muli %add3A_552, %broadcast_in_dim3A_3 : vector<16xi32>
        %add3A_554 = arith.constant 6 : i32
        %add3A_555 = vector.broadcast %add3A_554 : i32 to vector<16xi32>
        %add3A_556 = arith.addi %mul3A_553, %add3A_555 : vector<16xi32>
        tpu.vector_store_idx %arg9[%add3A_556], %gather3A_549 : memref<1024xf32, #tpu.memory_space<vmem>>[vector<16xi32>], vector<16xf32>,
        %mul3A_557 = arith.muli %add3A_552, %broadcast_in_dim3A_3 : vector<16xi32>
        %add3A_558 = arith.constant 7 : i32
        %add3A_559 = vector.broadcast %add3A_558 : i32 to vector<16xi32>
        %add3A_560 = arith.addi %mul3A_557, %add3A_559 : vector<16xi32>
        %broadcast_in_dim3A_561 = arith.constant 0.000000e+00 : f32
        %broadcast_in_dim3A_562 = vector.broadcast %broadcast_in_dim3A_561 : f32 to vector<16xf32>
        tpu.vector_store_idx %arg9[%add3A_560], %broadcast_in_dim3A_562 : memref<1024xf32, #tpu.memory_space<vmem>>[vector<16xi32>], vector<16xf32>,
        %get3A_563 = arith.constant 112 : index
        %get3A_564 = tpu.vector_load %arg8[%get3A_563] {strides = array<i32>} : memref<128xi32, #tpu.memory_space<vmem>>, vector<16xi32>,
        %gather3A_565 = tpu.vector_load_idx %arg6[%get3A_564] : memref<10000xf32, #tpu.memory_space<vmem>>[vector<16xi32>], vector<16xf32>,
        %add3A_566 = arith.constant 112 : i32
        %add3A_567 = vector.broadcast %add3A_566 : i32 to vector<16xi32>
        %add3A_568 = arith.addi %add3A_567, %iota3A : vector<16xi32>
        %mul3A_569 = arith.muli %add3A_568, %broadcast_in_dim3A_3 : vector<16xi32>
        %add3A_570 = arith.constant 6 : i32
        %add3A_571 = vector.broadcast %add3A_570 : i32 to vector<16xi32>
        %add3A_572 = arith.addi %mul3A_569, %add3A_571 : vector<16xi32>
        tpu.vector_store_idx %arg9[%add3A_572], %gather3A_565 : memref<1024xf32, #tpu.memory_space<vmem>>[vector<16xi32>], vector<16xf32>,
        %mul3A_573 = arith.muli %add3A_568, %broadcast_in_dim3A_3 : vector<16xi32>
        %add3A_574 = arith.constant 7 : i32
        %add3A_575 = vector.broadcast %add3A_574 : i32 to vector<16xi32>
        %add3A_576 = arith.addi %mul3A_573, %add3A_575 : vector<16xi32>
        %broadcast_in_dim3A_577 = arith.constant 0.000000e+00 : f32
        %broadcast_in_dim3A_578 = vector.broadcast %broadcast_in_dim3A_577 : f32 to vector<16xf32>
        tpu.vector_store_idx %arg9[%add3A_576], %broadcast_in_dim3A_578 : memref<1024xf32, #tpu.memory_space<vmem>>[vector<16xi32>], vector<16xf32>,
        %mul3A_579 = arith.constant 8 : i32
        %mul3A_580 = arith.muli %mul3A_20, %mul3A_579 : i32
        "tpu.region"() ({
          %run_scoped3A = tpu.sem_alloc : memref<!tpu.dma_semaphore, #tpu.memory_space<semaphore_mem>>
          %dma_start3A = arith.constant 0 : i32
          %dma_start3A_581 = tpu.memref_slice %arg9[%dma_start3A] : memref<1024xf32, #tpu.memory_space<vmem>> -> memref<1024xf32, #tpu.memory_space<vmem>>
          %dma_start3A_582 = tpu.memref_slice %arg5[%mul3A_580] : memref<800000xf32, #tpu.memory_space<hbm>> -> memref<1024xf32, #tpu.memory_space<hbm>>
          %dma_start3A_583 = tpu.memref_slice %arg5[%mul3A_580] : memref<800000xf32, #tpu.memory_space<hbm>> -> memref<1024xf32, #tpu.memory_space<hbm>>
          %dma_start3A_584 = arith.constant 0 : i32
          %dma_start3A_585 = tpu.memref_slice %arg9[%dma_start3A_584] : memref<1024xf32, #tpu.memory_space<vmem>> -> memref<1024xf32, #tpu.memory_space<vmem>>
          tpu.enqueue_dma source(%dma_start3A_585 : memref<1024xf32, #tpu.memory_space<vmem>>) target(%dma_start3A_583 : memref<1024xf32, #tpu.memory_space<hbm>>) target_semaphore(%run_scoped3A : memref<!tpu.dma_semaphore, #tpu.memory_space<semaphore_mem>>)
          %dma_wait3A = arith.constant 0 : i32
          %dma_wait3A_586 = tpu.memref_slice %arg9[%dma_wait3A] : memref<1024xf32, #tpu.memory_space<vmem>> -> memref<1024xf32, #tpu.memory_space<vmem>>
          %dma_wait3A_587 = tpu.memref_slice %arg5[%mul3A_580] : memref<800000xf32, #tpu.memory_space<hbm>> -> memref<1024xf32, #tpu.memory_space<hbm>>
          %dma_wait3A_588 = tpu.memref_slice %arg5[%mul3A_580] : memref<800000xf32, #tpu.memory_space<hbm>> -> memref<1024xf32, #tpu.memory_space<hbm>>
          %dma_wait3A_589 = arith.constant 0 : i32
          %dma_wait3A_590 = tpu.memref_slice %arg9[%dma_wait3A_589] : memref<1024xf32, #tpu.memory_space<vmem>> -> memref<1024xf32, #tpu.memory_space<vmem>>
          tpu.wait_dma2 semaphore(%run_scoped3A : memref<!tpu.dma_semaphore, #tpu.memory_space<semaphore_mem>>) src(%dma_wait3A_590 : memref<1024xf32, #tpu.memory_space<vmem>>) dst(%dma_wait3A_588 : memref<1024xf32, #tpu.memory_space<hbm>>)
          tpu.yield
        }) : () -> ()
      } else {
      }
    }
    %scan3A_8 = arith.constant 25 : i32
    %eq3A = arith.constant 13 : i32
    %eq3A_9 = arith.cmpi eq, %add3A, %eq3A : i32
    %convert_element_type3A = arith.extui %eq3A_9 : i1 to i32
    %cond3A = arith.constant 0 : i32
    %cond3A_10 = arith.cmpi ne, %convert_element_type3A, %cond3A : i32
    scf.if %cond3A_10 {
      "tpu.region"() ({
        %run_scoped3A = tpu.sem_alloc : memref<!tpu.dma_semaphore, #tpu.memory_space<semaphore_mem>>
        %dma_start3A = arith.constant 0 : i32
        %dma_start3A_147 = tpu.memref_slice %arg7[%dma_start3A] : memref<768xf32, #tpu.memory_space<vmem>> -> memref<192xf32, #tpu.memory_space<vmem>>
        %dma_start3A_148 = arith.constant 599808 : i32
        %dma_start3A_149 = tpu.memref_slice %arg2[%dma_start3A_148] : memref<600000xf32, #tpu.memory_space<hbm>> -> memref<192xf32, #tpu.memory_space<hbm>>
        %dma_start3A_150 = arith.constant 0 : i32
        %dma_start3A_151 = tpu.memref_slice %arg7[%dma_start3A_150] : memref<768xf32, #tpu.memory_space<vmem>> -> memref<192xf32, #tpu.memory_space<vmem>>
        %dma_start3A_152 = arith.constant 599808 : i32
        %dma_start3A_153 = tpu.memref_slice %arg2[%dma_start3A_152] : memref<600000xf32, #tpu.memory_space<hbm>> -> memref<192xf32, #tpu.memory_space<hbm>>
        tpu.enqueue_dma source(%dma_start3A_153 : memref<192xf32, #tpu.memory_space<hbm>>) target(%dma_start3A_151 : memref<192xf32, #tpu.memory_space<vmem>>) target_semaphore(%run_scoped3A : memref<!tpu.dma_semaphore, #tpu.memory_space<semaphore_mem>>)
        %dma_wait3A = arith.constant 0 : i32
        %dma_wait3A_154 = tpu.memref_slice %arg7[%dma_wait3A] : memref<768xf32, #tpu.memory_space<vmem>> -> memref<192xf32, #tpu.memory_space<vmem>>
        %dma_wait3A_155 = arith.constant 599808 : i32
        %dma_wait3A_156 = tpu.memref_slice %arg2[%dma_wait3A_155] : memref<600000xf32, #tpu.memory_space<hbm>> -> memref<192xf32, #tpu.memory_space<hbm>>
        %dma_wait3A_157 = arith.constant 0 : i32
        %dma_wait3A_158 = tpu.memref_slice %arg7[%dma_wait3A_157] : memref<768xf32, #tpu.memory_space<vmem>> -> memref<192xf32, #tpu.memory_space<vmem>>
        %dma_wait3A_159 = arith.constant 599808 : i32
        %dma_wait3A_160 = tpu.memref_slice %arg2[%dma_wait3A_159] : memref<600000xf32, #tpu.memory_space<hbm>> -> memref<192xf32, #tpu.memory_space<hbm>>
        tpu.wait_dma2 semaphore(%run_scoped3A : memref<!tpu.dma_semaphore, #tpu.memory_space<semaphore_mem>>) src(%dma_wait3A_160 : memref<192xf32, #tpu.memory_space<hbm>>) dst(%dma_wait3A_158 : memref<192xf32, #tpu.memory_space<vmem>>)
        tpu.yield
      }) : () -> ()
      "tpu.region"() ({
        %run_scoped3A = tpu.sem_alloc : memref<!tpu.dma_semaphore, #tpu.memory_space<semaphore_mem>>
        %dma_start3A = arith.constant 0 : i32
        %dma_start3A_147 = tpu.memref_slice %arg8[%dma_start3A] : memref<128xi32, #tpu.memory_space<vmem>> -> memref<32xi32, #tpu.memory_space<vmem>>
        %dma_start3A_148 = arith.constant 99968 : i32
        %dma_start3A_149 = tpu.memref_slice %arg3[%dma_start3A_148] : memref<100000xi32, #tpu.memory_space<hbm>> -> memref<32xi32, #tpu.memory_space<hbm>>
        %dma_start3A_150 = arith.constant 0 : i32
        %dma_start3A_151 = tpu.memref_slice %arg8[%dma_start3A_150] : memref<128xi32, #tpu.memory_space<vmem>> -> memref<32xi32, #tpu.memory_space<vmem>>
        %dma_start3A_152 = arith.constant 99968 : i32
        %dma_start3A_153 = tpu.memref_slice %arg3[%dma_start3A_152] : memref<100000xi32, #tpu.memory_space<hbm>> -> memref<32xi32, #tpu.memory_space<hbm>>
        tpu.enqueue_dma source(%dma_start3A_153 : memref<32xi32, #tpu.memory_space<hbm>>) target(%dma_start3A_151 : memref<32xi32, #tpu.memory_space<vmem>>) target_semaphore(%run_scoped3A : memref<!tpu.dma_semaphore, #tpu.memory_space<semaphore_mem>>)
        %dma_wait3A = arith.constant 0 : i32
        %dma_wait3A_154 = tpu.memref_slice %arg8[%dma_wait3A] : memref<128xi32, #tpu.memory_space<vmem>> -> memref<32xi32, #tpu.memory_space<vmem>>
        %dma_wait3A_155 = arith.constant 99968 : i32
        %dma_wait3A_156 = tpu.memref_slice %arg3[%dma_wait3A_155] : memref<100000xi32, #tpu.memory_space<hbm>> -> memref<32xi32, #tpu.memory_space<hbm>>
        %dma_wait3A_157 = arith.constant 0 : i32
        %dma_wait3A_158 = tpu.memref_slice %arg8[%dma_wait3A_157] : memref<128xi32, #tpu.memory_space<vmem>> -> memref<32xi32, #tpu.memory_space<vmem>>
        %dma_wait3A_159 = arith.constant 99968 : i32
        %dma_wait3A_160 = tpu.memref_slice %arg3[%dma_wait3A_159] : memref<100000xi32, #tpu.memory_space<hbm>> -> memref<32xi32, #tpu.memory_space<hbm>>
        tpu.wait_dma2 semaphore(%run_scoped3A : memref<!tpu.dma_semaphore, #tpu.memory_space<semaphore_mem>>) src(%dma_wait3A_160 : memref<32xi32, #tpu.memory_space<hbm>>) dst(%dma_wait3A_158 : memref<32xi32, #tpu.memory_space<vmem>>)
        tpu.yield
      }) : () -> ()
      %get3A = arith.constant 0 : index
      %get3A_11 = tpu.vector_load %arg7[%get3A] {strides = array<i32>} : memref<768xf32, #tpu.memory_space<vmem>>, vector<16xf32>,
      %add3A_12 = arith.constant 0 : i32
      %add3A_13 = vector.broadcast %add3A_12 : i32 to vector<16xi32>
      %add3A_14 = arith.addi %add3A_13, %iota3A : vector<16xi32>
      %div3A = arith.divsi %add3A_14, %broadcast_in_dim3A_1 : vector<16xi32>
      %mul3A_15 = arith.muli %div3A, %broadcast_in_dim3A_3 : vector<16xi32>
      %rem3A = arith.remsi %add3A_14, %broadcast_in_dim3A_1 : vector<16xi32>
      %add3A_16 = arith.addi %mul3A_15, %rem3A : vector<16xi32>
      tpu.vector_store_idx %arg9[%add3A_16], %get3A_11 : memref<1024xf32, #tpu.memory_space<vmem>>[vector<16xi32>], vector<16xf32>,
      %get3A_17 = arith.constant 16 : index
      %get3A_18 = tpu.vector_load %arg7[%get3A_17] {strides = array<i32>} : memref<768xf32, #tpu.memory_space<vmem>>, vector<16xf32>,
      %add3A_19 = arith.constant 16 : i32
      %add3A_20 = vector.broadcast %add3A_19 : i32 to vector<16xi32>
      %add3A_21 = arith.addi %add3A_20, %iota3A : vector<16xi32>
      %div3A_22 = arith.divsi %add3A_21, %broadcast_in_dim3A_1 : vector<16xi32>
      %mul3A_23 = arith.muli %div3A_22, %broadcast_in_dim3A_3 : vector<16xi32>
      %rem3A_24 = arith.remsi %add3A_21, %broadcast_in_dim3A_1 : vector<16xi32>
      %add3A_25 = arith.addi %mul3A_23, %rem3A_24 : vector<16xi32>
      tpu.vector_store_idx %arg9[%add3A_25], %get3A_18 : memref<1024xf32, #tpu.memory_space<vmem>>[vector<16xi32>], vector<16xf32>,
      %get3A_26 = arith.constant 32 : index
      %get3A_27 = tpu.vector_load %arg7[%get3A_26] {strides = array<i32>} : memref<768xf32, #tpu.memory_space<vmem>>, vector<16xf32>,
      %add3A_28 = arith.constant 32 : i32
      %add3A_29 = vector.broadcast %add3A_28 : i32 to vector<16xi32>
      %add3A_30 = arith.addi %add3A_29, %iota3A : vector<16xi32>
      %div3A_31 = arith.divsi %add3A_30, %broadcast_in_dim3A_1 : vector<16xi32>
      %mul3A_32 = arith.muli %div3A_31, %broadcast_in_dim3A_3 : vector<16xi32>
      %rem3A_33 = arith.remsi %add3A_30, %broadcast_in_dim3A_1 : vector<16xi32>
      %add3A_34 = arith.addi %mul3A_32, %rem3A_33 : vector<16xi32>
      tpu.vector_store_idx %arg9[%add3A_34], %get3A_27 : memref<1024xf32, #tpu.memory_space<vmem>>[vector<16xi32>], vector<16xf32>,
      %get3A_35 = arith.constant 48 : index
      %get3A_36 = tpu.vector_load %arg7[%get3A_35] {strides = array<i32>} : memref<768xf32, #tpu.memory_space<vmem>>, vector<16xf32>,
      %add3A_37 = arith.constant 48 : i32
      %add3A_38 = vector.broadcast %add3A_37 : i32 to vector<16xi32>
      %add3A_39 = arith.addi %add3A_38, %iota3A : vector<16xi32>
      %div3A_40 = arith.divsi %add3A_39, %broadcast_in_dim3A_1 : vector<16xi32>
      %mul3A_41 = arith.muli %div3A_40, %broadcast_in_dim3A_3 : vector<16xi32>
      %rem3A_42 = arith.remsi %add3A_39, %broadcast_in_dim3A_1 : vector<16xi32>
      %add3A_43 = arith.addi %mul3A_41, %rem3A_42 : vector<16xi32>
      tpu.vector_store_idx %arg9[%add3A_43], %get3A_36 : memref<1024xf32, #tpu.memory_space<vmem>>[vector<16xi32>], vector<16xf32>,
      %get3A_44 = arith.constant 64 : index
      %get3A_45 = tpu.vector_load %arg7[%get3A_44] {strides = array<i32>} : memref<768xf32, #tpu.memory_space<vmem>>, vector<16xf32>,
      %add3A_46 = arith.constant 64 : i32
      %add3A_47 = vector.broadcast %add3A_46 : i32 to vector<16xi32>
      %add3A_48 = arith.addi %add3A_47, %iota3A : vector<16xi32>
      %div3A_49 = arith.divsi %add3A_48, %broadcast_in_dim3A_1 : vector<16xi32>
      %mul3A_50 = arith.muli %div3A_49, %broadcast_in_dim3A_3 : vector<16xi32>
      %rem3A_51 = arith.remsi %add3A_48, %broadcast_in_dim3A_1 : vector<16xi32>
      %add3A_52 = arith.addi %mul3A_50, %rem3A_51 : vector<16xi32>
      tpu.vector_store_idx %arg9[%add3A_52], %get3A_45 : memref<1024xf32, #tpu.memory_space<vmem>>[vector<16xi32>], vector<16xf32>,
      %get3A_53 = arith.constant 80 : index
      %get3A_54 = tpu.vector_load %arg7[%get3A_53] {strides = array<i32>} : memref<768xf32, #tpu.memory_space<vmem>>, vector<16xf32>,
      %add3A_55 = arith.constant 80 : i32
      %add3A_56 = vector.broadcast %add3A_55 : i32 to vector<16xi32>
      %add3A_57 = arith.addi %add3A_56, %iota3A : vector<16xi32>
      %div3A_58 = arith.divsi %add3A_57, %broadcast_in_dim3A_1 : vector<16xi32>
      %mul3A_59 = arith.muli %div3A_58, %broadcast_in_dim3A_3 : vector<16xi32>
      %rem3A_60 = arith.remsi %add3A_57, %broadcast_in_dim3A_1 : vector<16xi32>
      %add3A_61 = arith.addi %mul3A_59, %rem3A_60 : vector<16xi32>
      tpu.vector_store_idx %arg9[%add3A_61], %get3A_54 : memref<1024xf32, #tpu.memory_space<vmem>>[vector<16xi32>], vector<16xf32>,
      %get3A_62 = arith.constant 96 : index
      %get3A_63 = tpu.vector_load %arg7[%get3A_62] {strides = array<i32>} : memref<768xf32, #tpu.memory_space<vmem>>, vector<16xf32>,
      %add3A_64 = arith.constant 96 : i32
      %add3A_65 = vector.broadcast %add3A_64 : i32 to vector<16xi32>
      %add3A_66 = arith.addi %add3A_65, %iota3A : vector<16xi32>
      %div3A_67 = arith.divsi %add3A_66, %broadcast_in_dim3A_1 : vector<16xi32>
      %mul3A_68 = arith.muli %div3A_67, %broadcast_in_dim3A_3 : vector<16xi32>
      %rem3A_69 = arith.remsi %add3A_66, %broadcast_in_dim3A_1 : vector<16xi32>
      %add3A_70 = arith.addi %mul3A_68, %rem3A_69 : vector<16xi32>
      tpu.vector_store_idx %arg9[%add3A_70], %get3A_63 : memref<1024xf32, #tpu.memory_space<vmem>>[vector<16xi32>], vector<16xf32>,
      %get3A_71 = arith.constant 112 : index
      %get3A_72 = tpu.vector_load %arg7[%get3A_71] {strides = array<i32>} : memref<768xf32, #tpu.memory_space<vmem>>, vector<16xf32>,
      %add3A_73 = arith.constant 112 : i32
      %add3A_74 = vector.broadcast %add3A_73 : i32 to vector<16xi32>
      %add3A_75 = arith.addi %add3A_74, %iota3A : vector<16xi32>
      %div3A_76 = arith.divsi %add3A_75, %broadcast_in_dim3A_1 : vector<16xi32>
      %mul3A_77 = arith.muli %div3A_76, %broadcast_in_dim3A_3 : vector<16xi32>
      %rem3A_78 = arith.remsi %add3A_75, %broadcast_in_dim3A_1 : vector<16xi32>
      %add3A_79 = arith.addi %mul3A_77, %rem3A_78 : vector<16xi32>
      tpu.vector_store_idx %arg9[%add3A_79], %get3A_72 : memref<1024xf32, #tpu.memory_space<vmem>>[vector<16xi32>], vector<16xf32>,
      %get3A_80 = arith.constant 128 : index
      %get3A_81 = tpu.vector_load %arg7[%get3A_80] {strides = array<i32>} : memref<768xf32, #tpu.memory_space<vmem>>, vector<16xf32>,
      %add3A_82 = arith.constant 128 : i32
      %add3A_83 = vector.broadcast %add3A_82 : i32 to vector<16xi32>
      %add3A_84 = arith.addi %add3A_83, %iota3A : vector<16xi32>
      %div3A_85 = arith.divsi %add3A_84, %broadcast_in_dim3A_1 : vector<16xi32>
      %mul3A_86 = arith.muli %div3A_85, %broadcast_in_dim3A_3 : vector<16xi32>
      %rem3A_87 = arith.remsi %add3A_84, %broadcast_in_dim3A_1 : vector<16xi32>
      %add3A_88 = arith.addi %mul3A_86, %rem3A_87 : vector<16xi32>
      tpu.vector_store_idx %arg9[%add3A_88], %get3A_81 : memref<1024xf32, #tpu.memory_space<vmem>>[vector<16xi32>], vector<16xf32>,
      %get3A_89 = arith.constant 144 : index
      %get3A_90 = tpu.vector_load %arg7[%get3A_89] {strides = array<i32>} : memref<768xf32, #tpu.memory_space<vmem>>, vector<16xf32>,
      %add3A_91 = arith.constant 144 : i32
      %add3A_92 = vector.broadcast %add3A_91 : i32 to vector<16xi32>
      %add3A_93 = arith.addi %add3A_92, %iota3A : vector<16xi32>
      %div3A_94 = arith.divsi %add3A_93, %broadcast_in_dim3A_1 : vector<16xi32>
      %mul3A_95 = arith.muli %div3A_94, %broadcast_in_dim3A_3 : vector<16xi32>
      %rem3A_96 = arith.remsi %add3A_93, %broadcast_in_dim3A_1 : vector<16xi32>
      %add3A_97 = arith.addi %mul3A_95, %rem3A_96 : vector<16xi32>
      tpu.vector_store_idx %arg9[%add3A_97], %get3A_90 : memref<1024xf32, #tpu.memory_space<vmem>>[vector<16xi32>], vector<16xf32>,
      %get3A_98 = arith.constant 160 : index
      %get3A_99 = tpu.vector_load %arg7[%get3A_98] {strides = array<i32>} : memref<768xf32, #tpu.memory_space<vmem>>, vector<16xf32>,
      %add3A_100 = arith.constant 160 : i32
      %add3A_101 = vector.broadcast %add3A_100 : i32 to vector<16xi32>
      %add3A_102 = arith.addi %add3A_101, %iota3A : vector<16xi32>
      %div3A_103 = arith.divsi %add3A_102, %broadcast_in_dim3A_1 : vector<16xi32>
      %mul3A_104 = arith.muli %div3A_103, %broadcast_in_dim3A_3 : vector<16xi32>
      %rem3A_105 = arith.remsi %add3A_102, %broadcast_in_dim3A_1 : vector<16xi32>
      %add3A_106 = arith.addi %mul3A_104, %rem3A_105 : vector<16xi32>
      tpu.vector_store_idx %arg9[%add3A_106], %get3A_99 : memref<1024xf32, #tpu.memory_space<vmem>>[vector<16xi32>], vector<16xf32>,
      %get3A_107 = arith.constant 176 : index
      %get3A_108 = tpu.vector_load %arg7[%get3A_107] {strides = array<i32>} : memref<768xf32, #tpu.memory_space<vmem>>, vector<16xf32>,
      %add3A_109 = arith.constant 176 : i32
      %add3A_110 = vector.broadcast %add3A_109 : i32 to vector<16xi32>
      %add3A_111 = arith.addi %add3A_110, %iota3A : vector<16xi32>
      %div3A_112 = arith.divsi %add3A_111, %broadcast_in_dim3A_1 : vector<16xi32>
      %mul3A_113 = arith.muli %div3A_112, %broadcast_in_dim3A_3 : vector<16xi32>
      %rem3A_114 = arith.remsi %add3A_111, %broadcast_in_dim3A_1 : vector<16xi32>
      %add3A_115 = arith.addi %mul3A_113, %rem3A_114 : vector<16xi32>
      tpu.vector_store_idx %arg9[%add3A_115], %get3A_108 : memref<1024xf32, #tpu.memory_space<vmem>>[vector<16xi32>], vector<16xf32>,
      %get3A_116 = arith.constant 0 : index
      %get3A_117 = tpu.vector_load %arg8[%get3A_116] {strides = array<i32>} : memref<128xi32, #tpu.memory_space<vmem>>, vector<16xi32>,
      %gather3A = tpu.vector_load_idx %arg6[%get3A_117] : memref<10000xf32, #tpu.memory_space<vmem>>[vector<16xi32>], vector<16xf32>,
      %add3A_118 = arith.constant 0 : i32
      %add3A_119 = vector.broadcast %add3A_118 : i32 to vector<16xi32>
      %add3A_120 = arith.addi %add3A_119, %iota3A : vector<16xi32>
      %mul3A_121 = arith.muli %add3A_120, %broadcast_in_dim3A_3 : vector<16xi32>
      %add3A_122 = arith.constant 6 : i32
      %add3A_123 = vector.broadcast %add3A_122 : i32 to vector<16xi32>
      %add3A_124 = arith.addi %mul3A_121, %add3A_123 : vector<16xi32>
      tpu.vector_store_idx %arg9[%add3A_124], %gather3A : memref<1024xf32, #tpu.memory_space<vmem>>[vector<16xi32>], vector<16xf32>,
      %mul3A_125 = arith.muli %add3A_120, %broadcast_in_dim3A_3 : vector<16xi32>
      %add3A_126 = arith.constant 7 : i32
      %add3A_127 = vector.broadcast %add3A_126 : i32 to vector<16xi32>
      %add3A_128 = arith.addi %mul3A_125, %add3A_127 : vector<16xi32>
      %broadcast_in_dim3A_129 = arith.constant 0.000000e+00 : f32
      %broadcast_in_dim3A_130 = vector.broadcast %broadcast_in_dim3A_129 : f32 to vector<16xf32>
      tpu.vector_store_idx %arg9[%add3A_128], %broadcast_in_dim3A_130 : memref<1024xf32, #tpu.memory_space<vmem>>[vector<16xi32>], vector<16xf32>,
      %get3A_131 = arith.constant 16 : index
      %get3A_132 = tpu.vector_load %arg8[%get3A_131] {strides = array<i32>} : memref<128xi32, #tpu.memory_space<vmem>>, vector<16xi32>,
      %gather3A_133 = tpu.vector_load_idx %arg6[%get3A_132] : memref<10000xf32, #tpu.memory_space<vmem>>[vector<16xi32>], vector<16xf32>,
      %add3A_134 = arith.constant 16 : i32
      %add3A_135 = vector.broadcast %add3A_134 : i32 to vector<16xi32>
      %add3A_136 = arith.addi %add3A_135, %iota3A : vector<16xi32>
      %mul3A_137 = arith.muli %add3A_136, %broadcast_in_dim3A_3 : vector<16xi32>
      %add3A_138 = arith.constant 6 : i32
      %add3A_139 = vector.broadcast %add3A_138 : i32 to vector<16xi32>
      %add3A_140 = arith.addi %mul3A_137, %add3A_139 : vector<16xi32>
      tpu.vector_store_idx %arg9[%add3A_140], %gather3A_133 : memref<1024xf32, #tpu.memory_space<vmem>>[vector<16xi32>], vector<16xf32>,
      %mul3A_141 = arith.muli %add3A_136, %broadcast_in_dim3A_3 : vector<16xi32>
      %add3A_142 = arith.constant 7 : i32
      %add3A_143 = vector.broadcast %add3A_142 : i32 to vector<16xi32>
      %add3A_144 = arith.addi %mul3A_141, %add3A_143 : vector<16xi32>
      %broadcast_in_dim3A_145 = arith.constant 0.000000e+00 : f32
      %broadcast_in_dim3A_146 = vector.broadcast %broadcast_in_dim3A_145 : f32 to vector<16xf32>
      tpu.vector_store_idx %arg9[%add3A_144], %broadcast_in_dim3A_146 : memref<1024xf32, #tpu.memory_space<vmem>>[vector<16xi32>], vector<16xf32>,
      "tpu.region"() ({
        %run_scoped3A = tpu.sem_alloc : memref<!tpu.dma_semaphore, #tpu.memory_space<semaphore_mem>>
        %dma_start3A = arith.constant 0 : i32
        %dma_start3A_147 = tpu.memref_slice %arg9[%dma_start3A] : memref<1024xf32, #tpu.memory_space<vmem>> -> memref<256xf32, #tpu.memory_space<vmem>>
        %dma_start3A_148 = arith.constant 799744 : i32
        %dma_start3A_149 = tpu.memref_slice %arg5[%dma_start3A_148] : memref<800000xf32, #tpu.memory_space<hbm>> -> memref<256xf32, #tpu.memory_space<hbm>>
        %dma_start3A_150 = arith.constant 799744 : i32
        %dma_start3A_151 = tpu.memref_slice %arg5[%dma_start3A_150] : memref<800000xf32, #tpu.memory_space<hbm>> -> memref<256xf32, #tpu.memory_space<hbm>>
        %dma_start3A_152 = arith.constant 0 : i32
        %dma_start3A_153 = tpu.memref_slice %arg9[%dma_start3A_152] : memref<1024xf32, #tpu.memory_space<vmem>> -> memref<256xf32, #tpu.memory_space<vmem>>
        tpu.enqueue_dma source(%dma_start3A_153 : memref<256xf32, #tpu.memory_space<vmem>>) target(%dma_start3A_151 : memref<256xf32, #tpu.memory_space<hbm>>) target_semaphore(%run_scoped3A : memref<!tpu.dma_semaphore, #tpu.memory_space<semaphore_mem>>)
        %dma_wait3A = arith.constant 0 : i32
        %dma_wait3A_154 = tpu.memref_slice %arg9[%dma_wait3A] : memref<1024xf32, #tpu.memory_space<vmem>> -> memref<256xf32, #tpu.memory_space<vmem>>
        %dma_wait3A_155 = arith.constant 799744 : i32
        %dma_wait3A_156 = tpu.memref_slice %arg5[%dma_wait3A_155] : memref<800000xf32, #tpu.memory_space<hbm>> -> memref<256xf32, #tpu.memory_space<hbm>>
        %dma_wait3A_157 = arith.constant 799744 : i32
        %dma_wait3A_158 = tpu.memref_slice %arg5[%dma_wait3A_157] : memref<800000xf32, #tpu.memory_space<hbm>> -> memref<256xf32, #tpu.memory_space<hbm>>
        %dma_wait3A_159 = arith.constant 0 : i32
        %dma_wait3A_160 = tpu.memref_slice %arg9[%dma_wait3A_159] : memref<1024xf32, #tpu.memory_space<vmem>> -> memref<256xf32, #tpu.memory_space<vmem>>
        tpu.wait_dma2 semaphore(%run_scoped3A : memref<!tpu.dma_semaphore, #tpu.memory_space<semaphore_mem>>) src(%dma_wait3A_160 : memref<256xf32, #tpu.memory_space<vmem>>) dst(%dma_wait3A_158 : memref<256xf32, #tpu.memory_space<hbm>>)
        tpu.yield
      }) : () -> ()
    } else {
    }
    return
  }
}

#map = affine_map<(d0, d1) -> (0)>
#map1 = affine_map<(d0, d1) -> (0, 0)>
#map2 = affine_map<(d0, d1) -> (0, 0, 0)>
module attributes {stable_mosaic.version = 14 : i64} {
  func.func @_edge1_body(%arg0: i32, %arg1: i32, %arg2: memref<1600000xi32, #tpu.memory_space<hbm>>, %arg3: memref<1600000xi32, #tpu.memory_space<hbm>>, %arg4: memref<100000x16xf32, #tpu.memory_space<hbm>>, %arg5: memref<100352x16xf32, #tpu.memory_space<hbm>>, %arg6: memref<2x100352x16xf32, #tpu.memory_space<hbm>>, %arg7: memref<128xi32, #tpu.memory_space<vmem>>, %arg8: memref<128xi32, #tpu.memory_space<vmem>>, %arg9: memref<128x16xf32, #tpu.memory_space<vmem>>, %arg10: memref<100352x16xf32, #tpu.memory_space<vmem_shared>>, %arg11: memref<!tpu.dma_semaphore, #tpu.memory_space<semaphore_mem>>) attributes {dimension_semantics = [#tpu.dimension_semantics<core_parallel>, #tpu.dimension_semantics<subcore_parallel>], iteration_bounds = array<i64: 2, 16>, scalar_prefetch = 0 : i64, scratch_operands = 5 : i64, tpu.core_type = #tpu.core_type<sc_vector_subcore>, window_params = [{transform_indices = #map}, {transform_indices = #map}, {transform_indices = #map1}, {transform_indices = #map1}, {transform_indices = #map2}]} {
    %mul3A = arith.constant 2 : i32
    %mul3A_0 = arith.muli %arg1, %mul3A : i32
    %add3A = arith.addi %mul3A_0, %arg0 : i32
    %mul3A_1 = arith.constant 6272 : i32
    %mul3A_2 = arith.muli %arg1, %mul3A_1 : i32
    "tpu.region"() ({
      %run_scoped3A = tpu.sem_alloc : memref<!tpu.dma_semaphore, #tpu.memory_space<semaphore_mem>>
      %dma_start3A = arith.constant 0 : i32
      %dma_start3A_9 = tpu.memref_slice %arg10[%mul3A_2, %dma_start3A] : memref<100352x16xf32, #tpu.memory_space<vmem_shared>> -> memref<6272x16xf32, #tpu.memory_space<vmem_shared>>
      %dma_start3A_10 = arith.constant 0 : i32
      %dma_start3A_11 = tpu.memref_slice %arg5[%mul3A_2, %dma_start3A_10] : memref<100352x16xf32, #tpu.memory_space<hbm>> -> memref<6272x16xf32, #tpu.memory_space<hbm>>
      tpu.enqueue_dma source(%dma_start3A_11 : memref<6272x16xf32, #tpu.memory_space<hbm>>) target(%dma_start3A_9 : memref<6272x16xf32, #tpu.memory_space<vmem_shared>>) target_semaphore(%run_scoped3A : memref<!tpu.dma_semaphore, #tpu.memory_space<semaphore_mem>>)
      %dma_wait3A = arith.constant 0 : i32
      %dma_wait3A_12 = tpu.memref_slice %arg10[%mul3A_2, %dma_wait3A] : memref<100352x16xf32, #tpu.memory_space<vmem_shared>> -> memref<6272x16xf32, #tpu.memory_space<vmem_shared>>
      %dma_wait3A_13 = arith.constant 0 : i32
      %dma_wait3A_14 = tpu.memref_slice %arg5[%mul3A_2, %dma_wait3A_13] : memref<100352x16xf32, #tpu.memory_space<hbm>> -> memref<6272x16xf32, #tpu.memory_space<hbm>>
      tpu.wait_dma2 semaphore(%run_scoped3A : memref<!tpu.dma_semaphore, #tpu.memory_space<semaphore_mem>>) src(%dma_wait3A_14 : memref<6272x16xf32, #tpu.memory_space<hbm>>) dst(%dma_wait3A_12 : memref<6272x16xf32, #tpu.memory_space<vmem_shared>>)
      tpu.yield
    }) : () -> ()
    %barrier3A = arith.constant 0 : index
    tpu.barrier barrier_id(%barrier3A)
    %scan3A = arith.constant 0 : i32
    %scan3A_3 = arith.constant 0 : i32
    %scan3A_4 = arith.constant 391 : i32
    %scan3A_5 = arith.addi %scan3A_3, %scan3A_4 : i32
    %scan3A_6 = arith.constant 1 : i32
    scf.for %scan3A_9 = %scan3A_3 to %scan3A_5 step %scan3A_6  : i32 {
      %mul3A_10 = arith.constant 32 : i32
      %mul3A_11 = arith.muli %scan3A_9, %mul3A_10 : i32
      %add3A_12 = arith.addi %add3A, %mul3A_11 : i32
      %lt3A = arith.constant 12500 : i32
      %lt3A_13 = arith.cmpi slt, %add3A_12, %lt3A : i32
      %convert_element_type3A = arith.extui %lt3A_13 : i1 to i32
      %cond3A = arith.constant 0 : i32
      %cond3A_14 = arith.cmpi ne, %convert_element_type3A, %cond3A : i32
      scf.if %cond3A_14 {
        %mul3A_15 = arith.constant 128 : i32
        %mul3A_16 = arith.muli %add3A_12, %mul3A_15 : i32
        "tpu.region"() ({
          %run_scoped3A = tpu.sem_alloc : memref<!tpu.dma_semaphore, #tpu.memory_space<semaphore_mem>>
          %dma_start3A_21 = tpu.memref_slice %arg2[%mul3A_16] : memref<1600000xi32, #tpu.memory_space<hbm>> -> memref<128xi32, #tpu.memory_space<hbm>>
          %dma_start3A_22 = tpu.memref_slice %arg2[%mul3A_16] : memref<1600000xi32, #tpu.memory_space<hbm>> -> memref<128xi32, #tpu.memory_space<hbm>>
          tpu.enqueue_dma source(%dma_start3A_22 : memref<128xi32, #tpu.memory_space<hbm>>) target(%arg7 : memref<128xi32, #tpu.memory_space<vmem>>) target_semaphore(%run_scoped3A : memref<!tpu.dma_semaphore, #tpu.memory_space<semaphore_mem>>)
          %dma_wait3A_23 = tpu.memref_slice %arg2[%mul3A_16] : memref<1600000xi32, #tpu.memory_space<hbm>> -> memref<128xi32, #tpu.memory_space<hbm>>
          %dma_wait3A_24 = tpu.memref_slice %arg2[%mul3A_16] : memref<1600000xi32, #tpu.memory_space<hbm>> -> memref<128xi32, #tpu.memory_space<hbm>>
          tpu.wait_dma2 semaphore(%run_scoped3A : memref<!tpu.dma_semaphore, #tpu.memory_space<semaphore_mem>>) src(%dma_wait3A_24 : memref<128xi32, #tpu.memory_space<hbm>>) dst(%arg7 : memref<128xi32, #tpu.memory_space<vmem>>)
          tpu.yield
        }) : () -> ()
        "tpu.region"() ({
          %run_scoped3A = tpu.sem_alloc : memref<!tpu.dma_semaphore, #tpu.memory_space<semaphore_mem>>
          %dma_start3A_21 = tpu.memref_slice %arg3[%mul3A_16] : memref<1600000xi32, #tpu.memory_space<hbm>> -> memref<128xi32, #tpu.memory_space<hbm>>
          %dma_start3A_22 = tpu.memref_slice %arg3[%mul3A_16] : memref<1600000xi32, #tpu.memory_space<hbm>> -> memref<128xi32, #tpu.memory_space<hbm>>
          tpu.enqueue_dma source(%dma_start3A_22 : memref<128xi32, #tpu.memory_space<hbm>>) target(%arg8 : memref<128xi32, #tpu.memory_space<vmem>>) target_semaphore(%run_scoped3A : memref<!tpu.dma_semaphore, #tpu.memory_space<semaphore_mem>>)
          %dma_wait3A_23 = tpu.memref_slice %arg3[%mul3A_16] : memref<1600000xi32, #tpu.memory_space<hbm>> -> memref<128xi32, #tpu.memory_space<hbm>>
          %dma_wait3A_24 = tpu.memref_slice %arg3[%mul3A_16] : memref<1600000xi32, #tpu.memory_space<hbm>> -> memref<128xi32, #tpu.memory_space<hbm>>
          tpu.wait_dma2 semaphore(%run_scoped3A : memref<!tpu.dma_semaphore, #tpu.memory_space<semaphore_mem>>) src(%dma_wait3A_24 : memref<128xi32, #tpu.memory_space<hbm>>) dst(%arg8 : memref<128xi32, #tpu.memory_space<vmem>>)
          tpu.yield
        }) : () -> ()
        %dma_start3A = arith.constant 0 : i32
        %dma_start3A_17 = arith.constant 0 : i32
        %dma_start3A_18 = tpu.memref_slice %arg4[%dma_start3A, %dma_start3A_17] : memref<100000x16xf32, #tpu.memory_space<hbm>> -> memref<100000x16xf32, #tpu.memory_space<hbm>>
        tpu.enqueue_indirect_dma source(%dma_start3A_18 : memref<100000x16xf32, #tpu.memory_space<hbm>>) target(%arg9 : memref<128x16xf32, #tpu.memory_space<vmem>>) offsets(%arg7 : memref<128xi32, #tpu.memory_space<vmem>>) semaphore(%arg11 : memref<!tpu.dma_semaphore, #tpu.memory_space<semaphore_mem>>)
        %dma_wait3A = arith.constant 0 : i32
        %dma_wait3A_19 = arith.constant 0 : i32
        %dma_wait3A_20 = tpu.memref_slice %arg4[%dma_wait3A, %dma_wait3A_19] : memref<100000x16xf32, #tpu.memory_space<hbm>> -> memref<100000x16xf32, #tpu.memory_space<hbm>>
        tpu.wait_indirect_dma semaphore(%arg11 : memref<!tpu.dma_semaphore, #tpu.memory_space<semaphore_mem>>) src(%dma_wait3A_20 : memref<100000x16xf32, #tpu.memory_space<hbm>>) dst(%arg9 : memref<128x16xf32, #tpu.memory_space<vmem>>)
        "tpu.region"() ({
          %run_scoped3A = tpu.sem_alloc : memref<!tpu.dma_semaphore, #tpu.memory_space<semaphore_mem>>
          %dma_start3A_21 = arith.constant 0 : i32
          %dma_start3A_22 = arith.constant 0 : i32
          %dma_start3A_23 = tpu.memref_slice %arg10[%dma_start3A_21, %dma_start3A_22] : memref<100352x16xf32, #tpu.memory_space<vmem_shared>> -> memref<100352x16xf32, #tpu.memory_space<vmem_shared>>
          tpu.enqueue_indirect_dma source(%arg9 : memref<128x16xf32, #tpu.memory_space<vmem>>) target(%dma_start3A_23 : memref<100352x16xf32, #tpu.memory_space<vmem_shared>>) offsets(%arg8 : memref<128xi32, #tpu.memory_space<vmem>>) semaphore(%run_scoped3A : memref<!tpu.dma_semaphore, #tpu.memory_space<semaphore_mem>>) {add = true}
          %dma_wait3A_24 = arith.constant 0 : i32
          %dma_wait3A_25 = arith.constant 0 : i32
          %dma_wait3A_26 = tpu.memref_slice %arg10[%dma_wait3A_24, %dma_wait3A_25] : memref<100352x16xf32, #tpu.memory_space<vmem_shared>> -> memref<100352x16xf32, #tpu.memory_space<vmem_shared>>
          tpu.wait_indirect_dma semaphore(%run_scoped3A : memref<!tpu.dma_semaphore, #tpu.memory_space<semaphore_mem>>) src(%arg9 : memref<128x16xf32, #tpu.memory_space<vmem>>) dst(%dma_wait3A_26 : memref<100352x16xf32, #tpu.memory_space<vmem_shared>>)
          tpu.yield
        }) : () -> ()
      } else {
      }
    }
    %scan3A_7 = arith.constant 391 : i32
    %barrier3A_8 = arith.constant 0 : index
    tpu.barrier barrier_id(%barrier3A_8)
    "tpu.region"() ({
      %run_scoped3A = tpu.sem_alloc : memref<!tpu.dma_semaphore, #tpu.memory_space<semaphore_mem>>
      %dma_start3A = arith.constant 0 : i32
      %dma_start3A_9 = tpu.memref_slice %arg6[%arg0, %mul3A_2, %dma_start3A] : memref<2x100352x16xf32, #tpu.memory_space<hbm>> -> memref<1x6272x16xf32, #tpu.memory_space<hbm>>
      %dma_start3A_10 = tpu.memref_squeeze %dma_start3A_9 : memref<1x6272x16xf32, #tpu.memory_space<hbm>> -> memref<6272x16xf32, #tpu.memory_space<hbm>>
      %dma_start3A_11 = arith.constant 0 : i32
      %dma_start3A_12 = tpu.memref_slice %arg10[%mul3A_2, %dma_start3A_11] : memref<100352x16xf32, #tpu.memory_space<vmem_shared>> -> memref<6272x16xf32, #tpu.memory_space<vmem_shared>>
      tpu.enqueue_dma source(%dma_start3A_12 : memref<6272x16xf32, #tpu.memory_space<vmem_shared>>) target(%dma_start3A_10 : memref<6272x16xf32, #tpu.memory_space<hbm>>) target_semaphore(%run_scoped3A : memref<!tpu.dma_semaphore, #tpu.memory_space<semaphore_mem>>)
      %dma_wait3A = arith.constant 0 : i32
      %dma_wait3A_13 = tpu.memref_slice %arg6[%arg0, %mul3A_2, %dma_wait3A] : memref<2x100352x16xf32, #tpu.memory_space<hbm>> -> memref<1x6272x16xf32, #tpu.memory_space<hbm>>
      %dma_wait3A_14 = tpu.memref_squeeze %dma_wait3A_13 : memref<1x6272x16xf32, #tpu.memory_space<hbm>> -> memref<6272x16xf32, #tpu.memory_space<hbm>>
      %dma_wait3A_15 = arith.constant 0 : i32
      %dma_wait3A_16 = tpu.memref_slice %arg10[%mul3A_2, %dma_wait3A_15] : memref<100352x16xf32, #tpu.memory_space<vmem_shared>> -> memref<6272x16xf32, #tpu.memory_space<vmem_shared>>
      tpu.wait_dma2 semaphore(%run_scoped3A : memref<!tpu.dma_semaphore, #tpu.memory_space<semaphore_mem>>) src(%dma_wait3A_16 : memref<6272x16xf32, #tpu.memory_space<vmem_shared>>) dst(%dma_wait3A_14 : memref<6272x16xf32, #tpu.memory_space<hbm>>)
      tpu.yield
    }) : () -> ()
    return
  }
}

#map = affine_map<(d0, d1) -> (0)>
#map1 = affine_map<(d0, d1) -> (0, 0)>
#map2 = affine_map<(d0, d1) -> (0, 0, 0)>
module attributes {stable_mosaic.version = 14 : i64} {
  func.func @_edge0_body(%arg0: i32, %arg1: i32, %arg2: memref<1600000xi32, #tpu.memory_space<hbm>>, %arg3: memref<1600000xi32, #tpu.memory_space<hbm>>, %arg4: memref<1600000xi32, #tpu.memory_space<hbm>>, %arg5: memref<1600000x4xf32, #tpu.memory_space<hbm>>, %arg6: memref<10000xf32, #tpu.memory_space<hbm>>, %arg7: memref<100000x8xf32, #tpu.memory_space<hbm>>, %arg8: memref<100352x8xf32, #tpu.memory_space<hbm>>, %arg9: memref<2x100352x8xf32, #tpu.memory_space<hbm>>, %arg10: memref<2x100352x8xf32, #tpu.memory_space<hbm>>, %arg11: memref<10000xf32, #tpu.memory_space<vmem>>, %arg12: memref<128xi32, #tpu.memory_space<vmem>>, %arg13: memref<128xi32, #tpu.memory_space<vmem>>, %arg14: memref<128xi32, #tpu.memory_space<vmem>>, %arg15: memref<128x4xf32, #tpu.memory_space<vmem>>, %arg16: memref<128x8xf32, #tpu.memory_space<vmem>>, %arg17: memref<128x8xf32, #tpu.memory_space<vmem>>, %arg18: memref<100352x8xf32, #tpu.memory_space<vmem_shared>>, %arg19: memref<100352x8xf32, #tpu.memory_space<vmem_shared>>, %arg20: memref<!tpu.dma_semaphore, #tpu.memory_space<semaphore_mem>>) attributes {dimension_semantics = [#tpu.dimension_semantics<core_parallel>, #tpu.dimension_semantics<subcore_parallel>], iteration_bounds = array<i64: 2, 16>, scalar_prefetch = 0 : i64, scratch_operands = 10 : i64, tpu.core_type = #tpu.core_type<sc_vector_subcore>, window_params = [{transform_indices = #map}, {transform_indices = #map}, {transform_indices = #map}, {transform_indices = #map1}, {transform_indices = #map}, {transform_indices = #map1}, {transform_indices = #map1}, {transform_indices = #map2}, {transform_indices = #map2}]} {
    %mul3A = arith.constant 2 : i32
    %mul3A_0 = arith.muli %arg1, %mul3A : i32
    %add3A = arith.addi %mul3A_0, %arg0 : i32
    "tpu.region"() ({
      %run_scoped3A = tpu.sem_alloc : memref<!tpu.dma_semaphore, #tpu.memory_space<semaphore_mem>>
      tpu.enqueue_dma source(%arg6 : memref<10000xf32, #tpu.memory_space<hbm>>) target(%arg11 : memref<10000xf32, #tpu.memory_space<vmem>>) target_semaphore(%run_scoped3A : memref<!tpu.dma_semaphore, #tpu.memory_space<semaphore_mem>>)
      tpu.wait_dma2 semaphore(%run_scoped3A : memref<!tpu.dma_semaphore, #tpu.memory_space<semaphore_mem>>) src(%arg6 : memref<10000xf32, #tpu.memory_space<hbm>>) dst(%arg11 : memref<10000xf32, #tpu.memory_space<vmem>>)
      tpu.yield
    }) : () -> ()
    %mul3A_1 = arith.constant 6272 : i32
    %mul3A_2 = arith.muli %arg1, %mul3A_1 : i32
    "tpu.region"() ({
      %run_scoped3A = tpu.sem_alloc : memref<!tpu.dma_semaphore, #tpu.memory_space<semaphore_mem>>
      %dma_start3A = arith.constant 0 : i32
      %dma_start3A_136 = tpu.memref_slice %arg18[%mul3A_2, %dma_start3A] : memref<100352x8xf32, #tpu.memory_space<vmem_shared>> -> memref<6272x8xf32, #tpu.memory_space<vmem_shared>>
      %dma_start3A_137 = arith.constant 0 : i32
      %dma_start3A_138 = tpu.memref_slice %arg8[%mul3A_2, %dma_start3A_137] : memref<100352x8xf32, #tpu.memory_space<hbm>> -> memref<6272x8xf32, #tpu.memory_space<hbm>>
      tpu.enqueue_dma source(%dma_start3A_138 : memref<6272x8xf32, #tpu.memory_space<hbm>>) target(%dma_start3A_136 : memref<6272x8xf32, #tpu.memory_space<vmem_shared>>) target_semaphore(%run_scoped3A : memref<!tpu.dma_semaphore, #tpu.memory_space<semaphore_mem>>)
      %dma_wait3A = arith.constant 0 : i32
      %dma_wait3A_139 = tpu.memref_slice %arg18[%mul3A_2, %dma_wait3A] : memref<100352x8xf32, #tpu.memory_space<vmem_shared>> -> memref<6272x8xf32, #tpu.memory_space<vmem_shared>>
      %dma_wait3A_140 = arith.constant 0 : i32
      %dma_wait3A_141 = tpu.memref_slice %arg8[%mul3A_2, %dma_wait3A_140] : memref<100352x8xf32, #tpu.memory_space<hbm>> -> memref<6272x8xf32, #tpu.memory_space<hbm>>
      tpu.wait_dma2 semaphore(%run_scoped3A : memref<!tpu.dma_semaphore, #tpu.memory_space<semaphore_mem>>) src(%dma_wait3A_141 : memref<6272x8xf32, #tpu.memory_space<hbm>>) dst(%dma_wait3A_139 : memref<6272x8xf32, #tpu.memory_space<vmem_shared>>)
      tpu.yield
    }) : () -> ()
    "tpu.region"() ({
      %run_scoped3A = tpu.sem_alloc : memref<!tpu.dma_semaphore, #tpu.memory_space<semaphore_mem>>
      %dma_start3A = arith.constant 0 : i32
      %dma_start3A_136 = tpu.memref_slice %arg19[%mul3A_2, %dma_start3A] : memref<100352x8xf32, #tpu.memory_space<vmem_shared>> -> memref<6272x8xf32, #tpu.memory_space<vmem_shared>>
      %dma_start3A_137 = arith.constant 0 : i32
      %dma_start3A_138 = tpu.memref_slice %arg8[%mul3A_2, %dma_start3A_137] : memref<100352x8xf32, #tpu.memory_space<hbm>> -> memref<6272x8xf32, #tpu.memory_space<hbm>>
      tpu.enqueue_dma source(%dma_start3A_138 : memref<6272x8xf32, #tpu.memory_space<hbm>>) target(%dma_start3A_136 : memref<6272x8xf32, #tpu.memory_space<vmem_shared>>) target_semaphore(%run_scoped3A : memref<!tpu.dma_semaphore, #tpu.memory_space<semaphore_mem>>)
      %dma_wait3A = arith.constant 0 : i32
      %dma_wait3A_139 = tpu.memref_slice %arg19[%mul3A_2, %dma_wait3A] : memref<100352x8xf32, #tpu.memory_space<vmem_shared>> -> memref<6272x8xf32, #tpu.memory_space<vmem_shared>>
      %dma_wait3A_140 = arith.constant 0 : i32
      %dma_wait3A_141 = tpu.memref_slice %arg8[%mul3A_2, %dma_wait3A_140] : memref<100352x8xf32, #tpu.memory_space<hbm>> -> memref<6272x8xf32, #tpu.memory_space<hbm>>
      tpu.wait_dma2 semaphore(%run_scoped3A : memref<!tpu.dma_semaphore, #tpu.memory_space<semaphore_mem>>) src(%dma_wait3A_141 : memref<6272x8xf32, #tpu.memory_space<hbm>>) dst(%dma_wait3A_139 : memref<6272x8xf32, #tpu.memory_space<vmem_shared>>)
      tpu.yield
    }) : () -> ()
    %iota3A = tpu.iota {dimensions = array<i32: 0>} : vector<16xi32>
    %broadcast_in_dim3A = arith.constant 4 : i32
    %broadcast_in_dim3A_3 = vector.broadcast %broadcast_in_dim3A : i32 to vector<16xi32>
    %broadcast_in_dim3A_4 = arith.constant 4 : i32
    %broadcast_in_dim3A_5 = vector.broadcast %broadcast_in_dim3A_4 : i32 to vector<16xi32>
    %broadcast_in_dim3A_6 = arith.constant 8 : i32
    %broadcast_in_dim3A_7 = vector.broadcast %broadcast_in_dim3A_6 : i32 to vector<16xi32>
    %broadcast_in_dim3A_8 = arith.constant 0.000000e+00 : f32
    %broadcast_in_dim3A_9 = vector.broadcast %broadcast_in_dim3A_8 : f32 to vector<16xf32>
    %add3A_10 = arith.constant 0 : i32
    %add3A_11 = vector.broadcast %add3A_10 : i32 to vector<16xi32>
    %add3A_12 = arith.addi %add3A_11, %iota3A : vector<16xi32>
    %broadcast_in_dim3A_13 = arith.constant 5 : i32
    %broadcast_in_dim3A_14 = vector.broadcast %broadcast_in_dim3A_13 : i32 to vector<16xi32>
    tpu.vector_store_idx %arg16[%add3A_12, %broadcast_in_dim3A_14], %broadcast_in_dim3A_9 : memref<128x8xf32, #tpu.memory_space<vmem>>[vector<16xi32>, vector<16xi32>], vector<16xf32>,
    %add3A_15 = arith.constant 0 : i32
    %add3A_16 = vector.broadcast %add3A_15 : i32 to vector<16xi32>
    %add3A_17 = arith.addi %add3A_16, %iota3A : vector<16xi32>
    %broadcast_in_dim3A_18 = arith.constant 6 : i32
    %broadcast_in_dim3A_19 = vector.broadcast %broadcast_in_dim3A_18 : i32 to vector<16xi32>
    tpu.vector_store_idx %arg16[%add3A_17, %broadcast_in_dim3A_19], %broadcast_in_dim3A_9 : memref<128x8xf32, #tpu.memory_space<vmem>>[vector<16xi32>, vector<16xi32>], vector<16xf32>,
    %add3A_20 = arith.constant 0 : i32
    %add3A_21 = vector.broadcast %add3A_20 : i32 to vector<16xi32>
    %add3A_22 = arith.addi %add3A_21, %iota3A : vector<16xi32>
    %broadcast_in_dim3A_23 = arith.constant 7 : i32
    %broadcast_in_dim3A_24 = vector.broadcast %broadcast_in_dim3A_23 : i32 to vector<16xi32>
    tpu.vector_store_idx %arg16[%add3A_22, %broadcast_in_dim3A_24], %broadcast_in_dim3A_9 : memref<128x8xf32, #tpu.memory_space<vmem>>[vector<16xi32>, vector<16xi32>], vector<16xf32>,
    %add3A_25 = arith.constant 16 : i32
    %add3A_26 = vector.broadcast %add3A_25 : i32 to vector<16xi32>
    %add3A_27 = arith.addi %add3A_26, %iota3A : vector<16xi32>
    %broadcast_in_dim3A_28 = arith.constant 5 : i32
    %broadcast_in_dim3A_29 = vector.broadcast %broadcast_in_dim3A_28 : i32 to vector<16xi32>
    tpu.vector_store_idx %arg16[%add3A_27, %broadcast_in_dim3A_29], %broadcast_in_dim3A_9 : memref<128x8xf32, #tpu.memory_space<vmem>>[vector<16xi32>, vector<16xi32>], vector<16xf32>,
    %add3A_30 = arith.constant 16 : i32
    %add3A_31 = vector.broadcast %add3A_30 : i32 to vector<16xi32>
    %add3A_32 = arith.addi %add3A_31, %iota3A : vector<16xi32>
    %broadcast_in_dim3A_33 = arith.constant 6 : i32
    %broadcast_in_dim3A_34 = vector.broadcast %broadcast_in_dim3A_33 : i32 to vector<16xi32>
    tpu.vector_store_idx %arg16[%add3A_32, %broadcast_in_dim3A_34], %broadcast_in_dim3A_9 : memref<128x8xf32, #tpu.memory_space<vmem>>[vector<16xi32>, vector<16xi32>], vector<16xf32>,
    %add3A_35 = arith.constant 16 : i32
    %add3A_36 = vector.broadcast %add3A_35 : i32 to vector<16xi32>
    %add3A_37 = arith.addi %add3A_36, %iota3A : vector<16xi32>
    %broadcast_in_dim3A_38 = arith.constant 7 : i32
    %broadcast_in_dim3A_39 = vector.broadcast %broadcast_in_dim3A_38 : i32 to vector<16xi32>
    tpu.vector_store_idx %arg16[%add3A_37, %broadcast_in_dim3A_39], %broadcast_in_dim3A_9 : memref<128x8xf32, #tpu.memory_space<vmem>>[vector<16xi32>, vector<16xi32>], vector<16xf32>,
    %add3A_40 = arith.constant 32 : i32
    %add3A_41 = vector.broadcast %add3A_40 : i32 to vector<16xi32>
    %add3A_42 = arith.addi %add3A_41, %iota3A : vector<16xi32>
    %broadcast_in_dim3A_43 = arith.constant 5 : i32
    %broadcast_in_dim3A_44 = vector.broadcast %broadcast_in_dim3A_43 : i32 to vector<16xi32>
    tpu.vector_store_idx %arg16[%add3A_42, %broadcast_in_dim3A_44], %broadcast_in_dim3A_9 : memref<128x8xf32, #tpu.memory_space<vmem>>[vector<16xi32>, vector<16xi32>], vector<16xf32>,
    %add3A_45 = arith.constant 32 : i32
    %add3A_46 = vector.broadcast %add3A_45 : i32 to vector<16xi32>
    %add3A_47 = arith.addi %add3A_46, %iota3A : vector<16xi32>
    %broadcast_in_dim3A_48 = arith.constant 6 : i32
    %broadcast_in_dim3A_49 = vector.broadcast %broadcast_in_dim3A_48 : i32 to vector<16xi32>
    tpu.vector_store_idx %arg16[%add3A_47, %broadcast_in_dim3A_49], %broadcast_in_dim3A_9 : memref<128x8xf32, #tpu.memory_space<vmem>>[vector<16xi32>, vector<16xi32>], vector<16xf32>,
    %add3A_50 = arith.constant 32 : i32
    %add3A_51 = vector.broadcast %add3A_50 : i32 to vector<16xi32>
    %add3A_52 = arith.addi %add3A_51, %iota3A : vector<16xi32>
    %broadcast_in_dim3A_53 = arith.constant 7 : i32
    %broadcast_in_dim3A_54 = vector.broadcast %broadcast_in_dim3A_53 : i32 to vector<16xi32>
    tpu.vector_store_idx %arg16[%add3A_52, %broadcast_in_dim3A_54], %broadcast_in_dim3A_9 : memref<128x8xf32, #tpu.memory_space<vmem>>[vector<16xi32>, vector<16xi32>], vector<16xf32>,
    %add3A_55 = arith.constant 48 : i32
    %add3A_56 = vector.broadcast %add3A_55 : i32 to vector<16xi32>
    %add3A_57 = arith.addi %add3A_56, %iota3A : vector<16xi32>
    %broadcast_in_dim3A_58 = arith.constant 5 : i32
    %broadcast_in_dim3A_59 = vector.broadcast %broadcast_in_dim3A_58 : i32 to vector<16xi32>
    tpu.vector_store_idx %arg16[%add3A_57, %broadcast_in_dim3A_59], %broadcast_in_dim3A_9 : memref<128x8xf32, #tpu.memory_space<vmem>>[vector<16xi32>, vector<16xi32>], vector<16xf32>,
    %add3A_60 = arith.constant 48 : i32
    %add3A_61 = vector.broadcast %add3A_60 : i32 to vector<16xi32>
    %add3A_62 = arith.addi %add3A_61, %iota3A : vector<16xi32>
    %broadcast_in_dim3A_63 = arith.constant 6 : i32
    %broadcast_in_dim3A_64 = vector.broadcast %broadcast_in_dim3A_63 : i32 to vector<16xi32>
    tpu.vector_store_idx %arg16[%add3A_62, %broadcast_in_dim3A_64], %broadcast_in_dim3A_9 : memref<128x8xf32, #tpu.memory_space<vmem>>[vector<16xi32>, vector<16xi32>], vector<16xf32>,
    %add3A_65 = arith.constant 48 : i32
    %add3A_66 = vector.broadcast %add3A_65 : i32 to vector<16xi32>
    %add3A_67 = arith.addi %add3A_66, %iota3A : vector<16xi32>
    %broadcast_in_dim3A_68 = arith.constant 7 : i32
    %broadcast_in_dim3A_69 = vector.broadcast %broadcast_in_dim3A_68 : i32 to vector<16xi32>
    tpu.vector_store_idx %arg16[%add3A_67, %broadcast_in_dim3A_69], %broadcast_in_dim3A_9 : memref<128x8xf32, #tpu.memory_space<vmem>>[vector<16xi32>, vector<16xi32>], vector<16xf32>,
    %add3A_70 = arith.constant 64 : i32
    %add3A_71 = vector.broadcast %add3A_70 : i32 to vector<16xi32>
    %add3A_72 = arith.addi %add3A_71, %iota3A : vector<16xi32>
    %broadcast_in_dim3A_73 = arith.constant 5 : i32
    %broadcast_in_dim3A_74 = vector.broadcast %broadcast_in_dim3A_73 : i32 to vector<16xi32>
    tpu.vector_store_idx %arg16[%add3A_72, %broadcast_in_dim3A_74], %broadcast_in_dim3A_9 : memref<128x8xf32, #tpu.memory_space<vmem>>[vector<16xi32>, vector<16xi32>], vector<16xf32>,
    %add3A_75 = arith.constant 64 : i32
    %add3A_76 = vector.broadcast %add3A_75 : i32 to vector<16xi32>
    %add3A_77 = arith.addi %add3A_76, %iota3A : vector<16xi32>
    %broadcast_in_dim3A_78 = arith.constant 6 : i32
    %broadcast_in_dim3A_79 = vector.broadcast %broadcast_in_dim3A_78 : i32 to vector<16xi32>
    tpu.vector_store_idx %arg16[%add3A_77, %broadcast_in_dim3A_79], %broadcast_in_dim3A_9 : memref<128x8xf32, #tpu.memory_space<vmem>>[vector<16xi32>, vector<16xi32>], vector<16xf32>,
    %add3A_80 = arith.constant 64 : i32
    %add3A_81 = vector.broadcast %add3A_80 : i32 to vector<16xi32>
    %add3A_82 = arith.addi %add3A_81, %iota3A : vector<16xi32>
    %broadcast_in_dim3A_83 = arith.constant 7 : i32
    %broadcast_in_dim3A_84 = vector.broadcast %broadcast_in_dim3A_83 : i32 to vector<16xi32>
    tpu.vector_store_idx %arg16[%add3A_82, %broadcast_in_dim3A_84], %broadcast_in_dim3A_9 : memref<128x8xf32, #tpu.memory_space<vmem>>[vector<16xi32>, vector<16xi32>], vector<16xf32>,
    %add3A_85 = arith.constant 80 : i32
    %add3A_86 = vector.broadcast %add3A_85 : i32 to vector<16xi32>
    %add3A_87 = arith.addi %add3A_86, %iota3A : vector<16xi32>
    %broadcast_in_dim3A_88 = arith.constant 5 : i32
    %broadcast_in_dim3A_89 = vector.broadcast %broadcast_in_dim3A_88 : i32 to vector<16xi32>
    tpu.vector_store_idx %arg16[%add3A_87, %broadcast_in_dim3A_89], %broadcast_in_dim3A_9 : memref<128x8xf32, #tpu.memory_space<vmem>>[vector<16xi32>, vector<16xi32>], vector<16xf32>,
    %add3A_90 = arith.constant 80 : i32
    %add3A_91 = vector.broadcast %add3A_90 : i32 to vector<16xi32>
    %add3A_92 = arith.addi %add3A_91, %iota3A : vector<16xi32>
    %broadcast_in_dim3A_93 = arith.constant 6 : i32
    %broadcast_in_dim3A_94 = vector.broadcast %broadcast_in_dim3A_93 : i32 to vector<16xi32>
    tpu.vector_store_idx %arg16[%add3A_92, %broadcast_in_dim3A_94], %broadcast_in_dim3A_9 : memref<128x8xf32, #tpu.memory_space<vmem>>[vector<16xi32>, vector<16xi32>], vector<16xf32>,
    %add3A_95 = arith.constant 80 : i32
    %add3A_96 = vector.broadcast %add3A_95 : i32 to vector<16xi32>
    %add3A_97 = arith.addi %add3A_96, %iota3A : vector<16xi32>
    %broadcast_in_dim3A_98 = arith.constant 7 : i32
    %broadcast_in_dim3A_99 = vector.broadcast %broadcast_in_dim3A_98 : i32 to vector<16xi32>
    tpu.vector_store_idx %arg16[%add3A_97, %broadcast_in_dim3A_99], %broadcast_in_dim3A_9 : memref<128x8xf32, #tpu.memory_space<vmem>>[vector<16xi32>, vector<16xi32>], vector<16xf32>,
    %add3A_100 = arith.constant 96 : i32
    %add3A_101 = vector.broadcast %add3A_100 : i32 to vector<16xi32>
    %add3A_102 = arith.addi %add3A_101, %iota3A : vector<16xi32>
    %broadcast_in_dim3A_103 = arith.constant 5 : i32
    %broadcast_in_dim3A_104 = vector.broadcast %broadcast_in_dim3A_103 : i32 to vector<16xi32>
    tpu.vector_store_idx %arg16[%add3A_102, %broadcast_in_dim3A_104], %broadcast_in_dim3A_9 : memref<128x8xf32, #tpu.memory_space<vmem>>[vector<16xi32>, vector<16xi32>], vector<16xf32>,
    %add3A_105 = arith.constant 96 : i32
    %add3A_106 = vector.broadcast %add3A_105 : i32 to vector<16xi32>
    %add3A_107 = arith.addi %add3A_106, %iota3A : vector<16xi32>
    %broadcast_in_dim3A_108 = arith.constant 6 : i32
    %broadcast_in_dim3A_109 = vector.broadcast %broadcast_in_dim3A_108 : i32 to vector<16xi32>
    tpu.vector_store_idx %arg16[%add3A_107, %broadcast_in_dim3A_109], %broadcast_in_dim3A_9 : memref<128x8xf32, #tpu.memory_space<vmem>>[vector<16xi32>, vector<16xi32>], vector<16xf32>,
    %add3A_110 = arith.constant 96 : i32
    %add3A_111 = vector.broadcast %add3A_110 : i32 to vector<16xi32>
    %add3A_112 = arith.addi %add3A_111, %iota3A : vector<16xi32>
    %broadcast_in_dim3A_113 = arith.constant 7 : i32
    %broadcast_in_dim3A_114 = vector.broadcast %broadcast_in_dim3A_113 : i32 to vector<16xi32>
    tpu.vector_store_idx %arg16[%add3A_112, %broadcast_in_dim3A_114], %broadcast_in_dim3A_9 : memref<128x8xf32, #tpu.memory_space<vmem>>[vector<16xi32>, vector<16xi32>], vector<16xf32>,
    %add3A_115 = arith.constant 112 : i32
    %add3A_116 = vector.broadcast %add3A_115 : i32 to vector<16xi32>
    %add3A_117 = arith.addi %add3A_116, %iota3A : vector<16xi32>
    %broadcast_in_dim3A_118 = arith.constant 5 : i32
    %broadcast_in_dim3A_119 = vector.broadcast %broadcast_in_dim3A_118 : i32 to vector<16xi32>
    tpu.vector_store_idx %arg16[%add3A_117, %broadcast_in_dim3A_119], %broadcast_in_dim3A_9 : memref<128x8xf32, #tpu.memory_space<vmem>>[vector<16xi32>, vector<16xi32>], vector<16xf32>,
    %add3A_120 = arith.constant 112 : i32
    %add3A_121 = vector.broadcast %add3A_120 : i32 to vector<16xi32>
    %add3A_122 = arith.addi %add3A_121, %iota3A : vector<16xi32>
    %broadcast_in_dim3A_123 = arith.constant 6 : i32
    %broadcast_in_dim3A_124 = vector.broadcast %broadcast_in_dim3A_123 : i32 to vector<16xi32>
    tpu.vector_store_idx %arg16[%add3A_122, %broadcast_in_dim3A_124], %broadcast_in_dim3A_9 : memref<128x8xf32, #tpu.memory_space<vmem>>[vector<16xi32>, vector<16xi32>], vector<16xf32>,
    %add3A_125 = arith.constant 112 : i32
    %add3A_126 = vector.broadcast %add3A_125 : i32 to vector<16xi32>
    %add3A_127 = arith.addi %add3A_126, %iota3A : vector<16xi32>
    %broadcast_in_dim3A_128 = arith.constant 7 : i32
    %broadcast_in_dim3A_129 = vector.broadcast %broadcast_in_dim3A_128 : i32 to vector<16xi32>
    tpu.vector_store_idx %arg16[%add3A_127, %broadcast_in_dim3A_129], %broadcast_in_dim3A_9 : memref<128x8xf32, #tpu.memory_space<vmem>>[vector<16xi32>, vector<16xi32>], vector<16xf32>,
    %barrier3A = arith.constant 0 : index
    tpu.barrier barrier_id(%barrier3A)
    %scan3A = arith.constant 0 : i32
    %scan3A_130 = arith.constant 0 : i32
    %scan3A_131 = arith.constant 391 : i32
    %scan3A_132 = arith.addi %scan3A_130, %scan3A_131 : i32
    %scan3A_133 = arith.constant 1 : i32
    scf.for %scan3A_136 = %scan3A_130 to %scan3A_132 step %scan3A_133  : i32 {
      %mul3A_137 = arith.constant 32 : i32
      %mul3A_138 = arith.muli %scan3A_136, %mul3A_137 : i32
      %add3A_139 = arith.addi %add3A, %mul3A_138 : i32
      %lt3A = arith.constant 12500 : i32
      %lt3A_140 = arith.cmpi slt, %add3A_139, %lt3A : i32
      %convert_element_type3A = arith.extui %lt3A_140 : i1 to i32
      %cond3A = arith.constant 0 : i32
      %cond3A_141 = arith.cmpi ne, %convert_element_type3A, %cond3A : i32
      scf.if %cond3A_141 {
        %mul3A_142 = arith.constant 128 : i32
        %mul3A_143 = arith.muli %add3A_139, %mul3A_142 : i32
        "tpu.region"() ({
          %run_scoped3A = tpu.sem_alloc : memref<!tpu.dma_semaphore, #tpu.memory_space<semaphore_mem>>
          %dma_start3A_194 = tpu.memref_slice %arg2[%mul3A_143] : memref<1600000xi32, #tpu.memory_space<hbm>> -> memref<128xi32, #tpu.memory_space<hbm>>
          %dma_start3A_195 = tpu.memref_slice %arg2[%mul3A_143] : memref<1600000xi32, #tpu.memory_space<hbm>> -> memref<128xi32, #tpu.memory_space<hbm>>
          tpu.enqueue_dma source(%dma_start3A_195 : memref<128xi32, #tpu.memory_space<hbm>>) target(%arg12 : memref<128xi32, #tpu.memory_space<vmem>>) target_semaphore(%run_scoped3A : memref<!tpu.dma_semaphore, #tpu.memory_space<semaphore_mem>>)
          %dma_wait3A_196 = tpu.memref_slice %arg2[%mul3A_143] : memref<1600000xi32, #tpu.memory_space<hbm>> -> memref<128xi32, #tpu.memory_space<hbm>>
          %dma_wait3A_197 = tpu.memref_slice %arg2[%mul3A_143] : memref<1600000xi32, #tpu.memory_space<hbm>> -> memref<128xi32, #tpu.memory_space<hbm>>
          tpu.wait_dma2 semaphore(%run_scoped3A : memref<!tpu.dma_semaphore, #tpu.memory_space<semaphore_mem>>) src(%dma_wait3A_197 : memref<128xi32, #tpu.memory_space<hbm>>) dst(%arg12 : memref<128xi32, #tpu.memory_space<vmem>>)
          tpu.yield
        }) : () -> ()
        "tpu.region"() ({
          %run_scoped3A = tpu.sem_alloc : memref<!tpu.dma_semaphore, #tpu.memory_space<semaphore_mem>>
          %dma_start3A_194 = tpu.memref_slice %arg3[%mul3A_143] : memref<1600000xi32, #tpu.memory_space<hbm>> -> memref<128xi32, #tpu.memory_space<hbm>>
          %dma_start3A_195 = tpu.memref_slice %arg3[%mul3A_143] : memref<1600000xi32, #tpu.memory_space<hbm>> -> memref<128xi32, #tpu.memory_space<hbm>>
          tpu.enqueue_dma source(%dma_start3A_195 : memref<128xi32, #tpu.memory_space<hbm>>) target(%arg13 : memref<128xi32, #tpu.memory_space<vmem>>) target_semaphore(%run_scoped3A : memref<!tpu.dma_semaphore, #tpu.memory_space<semaphore_mem>>)
          %dma_wait3A_196 = tpu.memref_slice %arg3[%mul3A_143] : memref<1600000xi32, #tpu.memory_space<hbm>> -> memref<128xi32, #tpu.memory_space<hbm>>
          %dma_wait3A_197 = tpu.memref_slice %arg3[%mul3A_143] : memref<1600000xi32, #tpu.memory_space<hbm>> -> memref<128xi32, #tpu.memory_space<hbm>>
          tpu.wait_dma2 semaphore(%run_scoped3A : memref<!tpu.dma_semaphore, #tpu.memory_space<semaphore_mem>>) src(%dma_wait3A_197 : memref<128xi32, #tpu.memory_space<hbm>>) dst(%arg13 : memref<128xi32, #tpu.memory_space<vmem>>)
          tpu.yield
        }) : () -> ()
        %dma_start3A = arith.constant 0 : i32
        %dma_start3A_144 = arith.constant 0 : i32
        %dma_start3A_145 = tpu.memref_slice %arg7[%dma_start3A, %dma_start3A_144] : memref<100000x8xf32, #tpu.memory_space<hbm>> -> memref<100000x8xf32, #tpu.memory_space<hbm>>
        tpu.enqueue_indirect_dma source(%dma_start3A_145 : memref<100000x8xf32, #tpu.memory_space<hbm>>) target(%arg17 : memref<128x8xf32, #tpu.memory_space<vmem>>) offsets(%arg12 : memref<128xi32, #tpu.memory_space<vmem>>) semaphore(%arg20 : memref<!tpu.dma_semaphore, #tpu.memory_space<semaphore_mem>>)
        "tpu.region"() ({
          %run_scoped3A = tpu.sem_alloc : memref<!tpu.dma_semaphore, #tpu.memory_space<semaphore_mem>>
          %dma_start3A_194 = tpu.memref_slice %arg4[%mul3A_143] : memref<1600000xi32, #tpu.memory_space<hbm>> -> memref<128xi32, #tpu.memory_space<hbm>>
          %dma_start3A_195 = tpu.memref_slice %arg4[%mul3A_143] : memref<1600000xi32, #tpu.memory_space<hbm>> -> memref<128xi32, #tpu.memory_space<hbm>>
          tpu.enqueue_dma source(%dma_start3A_195 : memref<128xi32, #tpu.memory_space<hbm>>) target(%arg14 : memref<128xi32, #tpu.memory_space<vmem>>) target_semaphore(%run_scoped3A : memref<!tpu.dma_semaphore, #tpu.memory_space<semaphore_mem>>)
          %dma_wait3A_196 = tpu.memref_slice %arg4[%mul3A_143] : memref<1600000xi32, #tpu.memory_space<hbm>> -> memref<128xi32, #tpu.memory_space<hbm>>
          %dma_wait3A_197 = tpu.memref_slice %arg4[%mul3A_143] : memref<1600000xi32, #tpu.memory_space<hbm>> -> memref<128xi32, #tpu.memory_space<hbm>>
          tpu.wait_dma2 semaphore(%run_scoped3A : memref<!tpu.dma_semaphore, #tpu.memory_space<semaphore_mem>>) src(%dma_wait3A_197 : memref<128xi32, #tpu.memory_space<hbm>>) dst(%arg14 : memref<128xi32, #tpu.memory_space<vmem>>)
          tpu.yield
        }) : () -> ()
        "tpu.region"() ({
          %run_scoped3A = tpu.sem_alloc : memref<!tpu.dma_semaphore, #tpu.memory_space<semaphore_mem>>
          %dma_start3A_194 = arith.constant 0 : i32
          %dma_start3A_195 = arith.constant 0 : i32
          %dma_start3A_196 = tpu.memref_slice %arg16[%dma_start3A_194, %dma_start3A_195] : memref<128x8xf32, #tpu.memory_space<vmem>> -> memref<128x4xf32, #tpu.memory_space<vmem>>
          %dma_start3A_197 = arith.constant 0 : i32
          %dma_start3A_198 = tpu.memref_slice %arg5[%mul3A_143, %dma_start3A_197] : memref<1600000x4xf32, #tpu.memory_space<hbm>> -> memref<128x4xf32, #tpu.memory_space<hbm>>
          %dma_start3A_199 = arith.constant 0 : i32
          %dma_start3A_200 = arith.constant 0 : i32
          %dma_start3A_201 = tpu.memref_slice %arg16[%dma_start3A_199, %dma_start3A_200] : memref<128x8xf32, #tpu.memory_space<vmem>> -> memref<128x4xf32, #tpu.memory_space<vmem>>
          %dma_start3A_202 = arith.constant 0 : i32
          %dma_start3A_203 = tpu.memref_slice %arg5[%mul3A_143, %dma_start3A_202] : memref<1600000x4xf32, #tpu.memory_space<hbm>> -> memref<128x4xf32, #tpu.memory_space<hbm>>
          tpu.enqueue_dma source(%dma_start3A_203 : memref<128x4xf32, #tpu.memory_space<hbm>>) target(%dma_start3A_201 : memref<128x4xf32, #tpu.memory_space<vmem>>) target_semaphore(%run_scoped3A : memref<!tpu.dma_semaphore, #tpu.memory_space<semaphore_mem>>)
          %dma_wait3A_204 = arith.constant 0 : i32
          %dma_wait3A_205 = arith.constant 0 : i32
          %dma_wait3A_206 = tpu.memref_slice %arg16[%dma_wait3A_204, %dma_wait3A_205] : memref<128x8xf32, #tpu.memory_space<vmem>> -> memref<128x4xf32, #tpu.memory_space<vmem>>
          %dma_wait3A_207 = arith.constant 0 : i32
          %dma_wait3A_208 = tpu.memref_slice %arg5[%mul3A_143, %dma_wait3A_207] : memref<1600000x4xf32, #tpu.memory_space<hbm>> -> memref<128x4xf32, #tpu.memory_space<hbm>>
          %dma_wait3A_209 = arith.constant 0 : i32
          %dma_wait3A_210 = arith.constant 0 : i32
          %dma_wait3A_211 = tpu.memref_slice %arg16[%dma_wait3A_209, %dma_wait3A_210] : memref<128x8xf32, #tpu.memory_space<vmem>> -> memref<128x4xf32, #tpu.memory_space<vmem>>
          %dma_wait3A_212 = arith.constant 0 : i32
          %dma_wait3A_213 = tpu.memref_slice %arg5[%mul3A_143, %dma_wait3A_212] : memref<1600000x4xf32, #tpu.memory_space<hbm>> -> memref<128x4xf32, #tpu.memory_space<hbm>>
          tpu.wait_dma2 semaphore(%run_scoped3A : memref<!tpu.dma_semaphore, #tpu.memory_space<semaphore_mem>>) src(%dma_wait3A_213 : memref<128x4xf32, #tpu.memory_space<hbm>>) dst(%dma_wait3A_211 : memref<128x4xf32, #tpu.memory_space<vmem>>)
          tpu.yield
        }) : () -> ()
        %get3A = arith.constant 0 : index
        %get3A_146 = tpu.vector_load %arg14[%get3A] {strides = array<i32>} : memref<128xi32, #tpu.memory_space<vmem>>, vector<16xi32>,
        %gather3A = tpu.vector_load_idx %arg11[%get3A_146] : memref<10000xf32, #tpu.memory_space<vmem>>[vector<16xi32>], vector<16xf32>,
        %add3A_147 = arith.constant 0 : i32
        %add3A_148 = vector.broadcast %add3A_147 : i32 to vector<16xi32>
        %add3A_149 = arith.addi %add3A_148, %iota3A : vector<16xi32>
        tpu.vector_store_idx %arg16[%add3A_149, %broadcast_in_dim3A_3], %gather3A : memref<128x8xf32, #tpu.memory_space<vmem>>[vector<16xi32>, vector<16xi32>], vector<16xf32>,
        %get3A_150 = arith.constant 16 : index
        %get3A_151 = tpu.vector_load %arg14[%get3A_150] {strides = array<i32>} : memref<128xi32, #tpu.memory_space<vmem>>, vector<16xi32>,
        %gather3A_152 = tpu.vector_load_idx %arg11[%get3A_151] : memref<10000xf32, #tpu.memory_space<vmem>>[vector<16xi32>], vector<16xf32>,
        %add3A_153 = arith.constant 16 : i32
        %add3A_154 = vector.broadcast %add3A_153 : i32 to vector<16xi32>
        %add3A_155 = arith.addi %add3A_154, %iota3A : vector<16xi32>
        tpu.vector_store_idx %arg16[%add3A_155, %broadcast_in_dim3A_3], %gather3A_152 : memref<128x8xf32, #tpu.memory_space<vmem>>[vector<16xi32>, vector<16xi32>], vector<16xf32>,
        %get3A_156 = arith.constant 32 : index
        %get3A_157 = tpu.vector_load %arg14[%get3A_156] {strides = array<i32>} : memref<128xi32, #tpu.memory_space<vmem>>, vector<16xi32>,
        %gather3A_158 = tpu.vector_load_idx %arg11[%get3A_157] : memref<10000xf32, #tpu.memory_space<vmem>>[vector<16xi32>], vector<16xf32>,
        %add3A_159 = arith.constant 32 : i32
        %add3A_160 = vector.broadcast %add3A_159 : i32 to vector<16xi32>
        %add3A_161 = arith.addi %add3A_160, %iota3A : vector<16xi32>
        tpu.vector_store_idx %arg16[%add3A_161, %broadcast_in_dim3A_3], %gather3A_158 : memref<128x8xf32, #tpu.memory_space<vmem>>[vector<16xi32>, vector<16xi32>], vector<16xf32>,
        %get3A_162 = arith.constant 48 : index
        %get3A_163 = tpu.vector_load %arg14[%get3A_162] {strides = array<i32>} : memref<128xi32, #tpu.memory_space<vmem>>, vector<16xi32>,
        %gather3A_164 = tpu.vector_load_idx %arg11[%get3A_163] : memref<10000xf32, #tpu.memory_space<vmem>>[vector<16xi32>], vector<16xf32>,
        %add3A_165 = arith.constant 48 : i32
        %add3A_166 = vector.broadcast %add3A_165 : i32 to vector<16xi32>
        %add3A_167 = arith.addi %add3A_166, %iota3A : vector<16xi32>
        tpu.vector_store_idx %arg16[%add3A_167, %broadcast_in_dim3A_3], %gather3A_164 : memref<128x8xf32, #tpu.memory_space<vmem>>[vector<16xi32>, vector<16xi32>], vector<16xf32>,
        %get3A_168 = arith.constant 64 : index
        %get3A_169 = tpu.vector_load %arg14[%get3A_168] {strides = array<i32>} : memref<128xi32, #tpu.memory_space<vmem>>, vector<16xi32>,
        %gather3A_170 = tpu.vector_load_idx %arg11[%get3A_169] : memref<10000xf32, #tpu.memory_space<vmem>>[vector<16xi32>], vector<16xf32>,
        %add3A_171 = arith.constant 64 : i32
        %add3A_172 = vector.broadcast %add3A_171 : i32 to vector<16xi32>
        %add3A_173 = arith.addi %add3A_172, %iota3A : vector<16xi32>
        tpu.vector_store_idx %arg16[%add3A_173, %broadcast_in_dim3A_3], %gather3A_170 : memref<128x8xf32, #tpu.memory_space<vmem>>[vector<16xi32>, vector<16xi32>], vector<16xf32>,
        %get3A_174 = arith.constant 80 : index
        %get3A_175 = tpu.vector_load %arg14[%get3A_174] {strides = array<i32>} : memref<128xi32, #tpu.memory_space<vmem>>, vector<16xi32>,
        %gather3A_176 = tpu.vector_load_idx %arg11[%get3A_175] : memref<10000xf32, #tpu.memory_space<vmem>>[vector<16xi32>], vector<16xf32>,
        %add3A_177 = arith.constant 80 : i32
        %add3A_178 = vector.broadcast %add3A_177 : i32 to vector<16xi32>
        %add3A_179 = arith.addi %add3A_178, %iota3A : vector<16xi32>
        tpu.vector_store_idx %arg16[%add3A_179, %broadcast_in_dim3A_3], %gather3A_176 : memref<128x8xf32, #tpu.memory_space<vmem>>[vector<16xi32>, vector<16xi32>], vector<16xf32>,
        %get3A_180 = arith.constant 96 : index
        %get3A_181 = tpu.vector_load %arg14[%get3A_180] {strides = array<i32>} : memref<128xi32, #tpu.memory_space<vmem>>, vector<16xi32>,
        %gather3A_182 = tpu.vector_load_idx %arg11[%get3A_181] : memref<10000xf32, #tpu.memory_space<vmem>>[vector<16xi32>], vector<16xf32>,
        %add3A_183 = arith.constant 96 : i32
        %add3A_184 = vector.broadcast %add3A_183 : i32 to vector<16xi32>
        %add3A_185 = arith.addi %add3A_184, %iota3A : vector<16xi32>
        tpu.vector_store_idx %arg16[%add3A_185, %broadcast_in_dim3A_3], %gather3A_182 : memref<128x8xf32, #tpu.memory_space<vmem>>[vector<16xi32>, vector<16xi32>], vector<16xf32>,
        %get3A_186 = arith.constant 112 : index
        %get3A_187 = tpu.vector_load %arg14[%get3A_186] {strides = array<i32>} : memref<128xi32, #tpu.memory_space<vmem>>, vector<16xi32>,
        %gather3A_188 = tpu.vector_load_idx %arg11[%get3A_187] : memref<10000xf32, #tpu.memory_space<vmem>>[vector<16xi32>], vector<16xf32>,
        %add3A_189 = arith.constant 112 : i32
        %add3A_190 = vector.broadcast %add3A_189 : i32 to vector<16xi32>
        %add3A_191 = arith.addi %add3A_190, %iota3A : vector<16xi32>
        tpu.vector_store_idx %arg16[%add3A_191, %broadcast_in_dim3A_3], %gather3A_188 : memref<128x8xf32, #tpu.memory_space<vmem>>[vector<16xi32>, vector<16xi32>], vector<16xf32>,
        %dma_wait3A = arith.constant 0 : i32
        %dma_wait3A_192 = arith.constant 0 : i32
        %dma_wait3A_193 = tpu.memref_slice %arg7[%dma_wait3A, %dma_wait3A_192] : memref<100000x8xf32, #tpu.memory_space<hbm>> -> memref<100000x8xf32, #tpu.memory_space<hbm>>
        tpu.wait_indirect_dma semaphore(%arg20 : memref<!tpu.dma_semaphore, #tpu.memory_space<semaphore_mem>>) src(%dma_wait3A_193 : memref<100000x8xf32, #tpu.memory_space<hbm>>) dst(%arg17 : memref<128x8xf32, #tpu.memory_space<vmem>>)
        "tpu.region"() ({
          %run_scoped3A = tpu.sem_alloc : memref<!tpu.dma_semaphore, #tpu.memory_space<semaphore_mem>>
          %dma_start3A_194 = arith.constant 0 : i32
          %dma_start3A_195 = arith.constant 0 : i32
          %dma_start3A_196 = tpu.memref_slice %arg18[%dma_start3A_194, %dma_start3A_195] : memref<100352x8xf32, #tpu.memory_space<vmem_shared>> -> memref<100352x8xf32, #tpu.memory_space<vmem_shared>>
          tpu.enqueue_indirect_dma source(%arg17 : memref<128x8xf32, #tpu.memory_space<vmem>>) target(%dma_start3A_196 : memref<100352x8xf32, #tpu.memory_space<vmem_shared>>) offsets(%arg13 : memref<128xi32, #tpu.memory_space<vmem>>) semaphore(%run_scoped3A : memref<!tpu.dma_semaphore, #tpu.memory_space<semaphore_mem>>) {add = true}
          %dma_wait3A_197 = arith.constant 0 : i32
          %dma_wait3A_198 = arith.constant 0 : i32
          %dma_wait3A_199 = tpu.memref_slice %arg18[%dma_wait3A_197, %dma_wait3A_198] : memref<100352x8xf32, #tpu.memory_space<vmem_shared>> -> memref<100352x8xf32, #tpu.memory_space<vmem_shared>>
          tpu.wait_indirect_dma semaphore(%run_scoped3A : memref<!tpu.dma_semaphore, #tpu.memory_space<semaphore_mem>>) src(%arg17 : memref<128x8xf32, #tpu.memory_space<vmem>>) dst(%dma_wait3A_199 : memref<100352x8xf32, #tpu.memory_space<vmem_shared>>)
          tpu.yield
        }) : () -> ()
        "tpu.region"() ({
          %run_scoped3A = tpu.sem_alloc : memref<!tpu.dma_semaphore, #tpu.memory_space<semaphore_mem>>
          %dma_start3A_194 = arith.constant 0 : i32
          %dma_start3A_195 = arith.constant 0 : i32
          %dma_start3A_196 = tpu.memref_slice %arg19[%dma_start3A_194, %dma_start3A_195] : memref<100352x8xf32, #tpu.memory_space<vmem_shared>> -> memref<100352x8xf32, #tpu.memory_space<vmem_shared>>
          tpu.enqueue_indirect_dma source(%arg16 : memref<128x8xf32, #tpu.memory_space<vmem>>) target(%dma_start3A_196 : memref<100352x8xf32, #tpu.memory_space<vmem_shared>>) offsets(%arg13 : memref<128xi32, #tpu.memory_space<vmem>>) semaphore(%run_scoped3A : memref<!tpu.dma_semaphore, #tpu.memory_space<semaphore_mem>>) {add = true}
          %dma_wait3A_197 = arith.constant 0 : i32
          %dma_wait3A_198 = arith.constant 0 : i32
          %dma_wait3A_199 = tpu.memref_slice %arg19[%dma_wait3A_197, %dma_wait3A_198] : memref<100352x8xf32, #tpu.memory_space<vmem_shared>> -> memref<100352x8xf32, #tpu.memory_space<vmem_shared>>
          tpu.wait_indirect_dma semaphore(%run_scoped3A : memref<!tpu.dma_semaphore, #tpu.memory_space<semaphore_mem>>) src(%arg16 : memref<128x8xf32, #tpu.memory_space<vmem>>) dst(%dma_wait3A_199 : memref<100352x8xf32, #tpu.memory_space<vmem_shared>>)
          tpu.yield
        }) : () -> ()
      } else {
      }
    }
    %scan3A_134 = arith.constant 391 : i32
    %barrier3A_135 = arith.constant 0 : index
    tpu.barrier barrier_id(%barrier3A_135)
    "tpu.region"() ({
      %run_scoped3A = tpu.sem_alloc : memref<!tpu.dma_semaphore, #tpu.memory_space<semaphore_mem>>
      %dma_start3A = arith.constant 0 : i32
      %dma_start3A_136 = tpu.memref_slice %arg9[%arg0, %mul3A_2, %dma_start3A] : memref<2x100352x8xf32, #tpu.memory_space<hbm>> -> memref<1x6272x8xf32, #tpu.memory_space<hbm>>
      %dma_start3A_137 = tpu.memref_squeeze %dma_start3A_136 : memref<1x6272x8xf32, #tpu.memory_space<hbm>> -> memref<6272x8xf32, #tpu.memory_space<hbm>>
      %dma_start3A_138 = arith.constant 0 : i32
      %dma_start3A_139 = tpu.memref_slice %arg18[%mul3A_2, %dma_start3A_138] : memref<100352x8xf32, #tpu.memory_space<vmem_shared>> -> memref<6272x8xf32, #tpu.memory_space<vmem_shared>>
      tpu.enqueue_dma source(%dma_start3A_139 : memref<6272x8xf32, #tpu.memory_space<vmem_shared>>) target(%dma_start3A_137 : memref<6272x8xf32, #tpu.memory_space<hbm>>) target_semaphore(%run_scoped3A : memref<!tpu.dma_semaphore, #tpu.memory_space<semaphore_mem>>)
      %dma_wait3A = arith.constant 0 : i32
      %dma_wait3A_140 = tpu.memref_slice %arg9[%arg0, %mul3A_2, %dma_wait3A] : memref<2x100352x8xf32, #tpu.memory_space<hbm>> -> memref<1x6272x8xf32, #tpu.memory_space<hbm>>
      %dma_wait3A_141 = tpu.memref_squeeze %dma_wait3A_140 : memref<1x6272x8xf32, #tpu.memory_space<hbm>> -> memref<6272x8xf32, #tpu.memory_space<hbm>>
      %dma_wait3A_142 = arith.constant 0 : i32
      %dma_wait3A_143 = tpu.memref_slice %arg18[%mul3A_2, %dma_wait3A_142] : memref<100352x8xf32, #tpu.memory_space<vmem_shared>> -> memref<6272x8xf32, #tpu.memory_space<vmem_shared>>
      tpu.wait_dma2 semaphore(%run_scoped3A : memref<!tpu.dma_semaphore, #tpu.memory_space<semaphore_mem>>) src(%dma_wait3A_143 : memref<6272x8xf32, #tpu.memory_space<vmem_shared>>) dst(%dma_wait3A_141 : memref<6272x8xf32, #tpu.memory_space<hbm>>)
      tpu.yield
    }) : () -> ()
    "tpu.region"() ({
      %run_scoped3A = tpu.sem_alloc : memref<!tpu.dma_semaphore, #tpu.memory_space<semaphore_mem>>
      %dma_start3A = arith.constant 0 : i32
      %dma_start3A_136 = tpu.memref_slice %arg10[%arg0, %mul3A_2, %dma_start3A] : memref<2x100352x8xf32, #tpu.memory_space<hbm>> -> memref<1x6272x8xf32, #tpu.memory_space<hbm>>
      %dma_start3A_137 = tpu.memref_squeeze %dma_start3A_136 : memref<1x6272x8xf32, #tpu.memory_space<hbm>> -> memref<6272x8xf32, #tpu.memory_space<hbm>>
      %dma_start3A_138 = arith.constant 0 : i32
      %dma_start3A_139 = tpu.memref_slice %arg19[%mul3A_2, %dma_start3A_138] : memref<100352x8xf32, #tpu.memory_space<vmem_shared>> -> memref<6272x8xf32, #tpu.memory_space<vmem_shared>>
      tpu.enqueue_dma source(%dma_start3A_139 : memref<6272x8xf32, #tpu.memory_space<vmem_shared>>) target(%dma_start3A_137 : memref<6272x8xf32, #tpu.memory_space<hbm>>) target_semaphore(%run_scoped3A : memref<!tpu.dma_semaphore, #tpu.memory_space<semaphore_mem>>)
      %dma_wait3A = arith.constant 0 : i32
      %dma_wait3A_140 = tpu.memref_slice %arg10[%arg0, %mul3A_2, %dma_wait3A] : memref<2x100352x8xf32, #tpu.memory_space<hbm>> -> memref<1x6272x8xf32, #tpu.memory_space<hbm>>
      %dma_wait3A_141 = tpu.memref_squeeze %dma_wait3A_140 : memref<1x6272x8xf32, #tpu.memory_space<hbm>> -> memref<6272x8xf32, #tpu.memory_space<hbm>>
      %dma_wait3A_142 = arith.constant 0 : i32
      %dma_wait3A_143 = tpu.memref_slice %arg19[%mul3A_2, %dma_wait3A_142] : memref<100352x8xf32, #tpu.memory_space<vmem_shared>> -> memref<6272x8xf32, #tpu.memory_space<vmem_shared>>
      tpu.wait_dma2 semaphore(%run_scoped3A : memref<!tpu.dma_semaphore, #tpu.memory_space<semaphore_mem>>) src(%dma_wait3A_143 : memref<6272x8xf32, #tpu.memory_space<vmem_shared>>) dst(%dma_wait3A_141 : memref<6272x8xf32, #tpu.memory_space<hbm>>)
      tpu.yield
    }) : () -> ()
    return
  }
}

module attributes {stable_mosaic.version = 14 : i64} {
  func.func @_tca_body(%arg0: i32, %arg1: memref<4000x8xf32, #tpu.memory_space<vmem>>, %arg2: memref<2x4000x8xf32, #tpu.memory_space<vmem>>, %arg3: memref<2x4000x8xf32, #tpu.memory_space<vmem>>, %arg4: memref<8x16xf32, #tpu.memory_space<vmem>>, %arg5: memref<8x16xf32, #tpu.memory_space<vmem>>, %arg6: memref<8x16xf32, #tpu.memory_space<vmem>>, %arg7: memref<1x16xf32, #tpu.memory_space<vmem>>, %arg8: memref<4000x16xf32, #tpu.memory_space<vmem>>) attributes {dimension_semantics = [#tpu.dimension_semantics<arbitrary>], iteration_bounds = array<i64: 25>, scalar_prefetch = 0 : i64, scratch_operands = 0 : i64, tpu.core_type = #tpu.core_type<tc>, window_params = [{transform_indices = @transform_0, window_bounds = array<i64: 4000, 8>}, {transform_indices = @transform_1, window_bounds = array<i64: 2, 4000, 8>}, {transform_indices = @transform_2, window_bounds = array<i64: 2, 4000, 8>}, {pipeline_mode = #tpu.pipeline_mode<synchronous>, transform_indices = @transform_3, window_bounds = array<i64: 8, 16>}, {pipeline_mode = #tpu.pipeline_mode<synchronous>, transform_indices = @transform_4, window_bounds = array<i64: 8, 16>}, {pipeline_mode = #tpu.pipeline_mode<synchronous>, transform_indices = @transform_5, window_bounds = array<i64: 8, 16>}, {pipeline_mode = #tpu.pipeline_mode<synchronous>, transform_indices = @transform_6, window_bounds = array<i64: 1, 16>}, {transform_indices = @transform_7, window_bounds = array<i64: 4000, 16>}]} {
    %get3A = arith.constant 0 : index
    %get3A_0 = arith.constant 0 : index
    %get3A_1 = vector.load %arg1[%get3A, %get3A_0] : memref<4000x8xf32, #tpu.memory_space<vmem>>, vector<4000x8xf32>
    %get3A_2 = arith.constant 0 : index
    %get3A_3 = arith.constant 0 : index
    %get3A_4 = arith.constant 0 : index
    %get3A_5 = vector.load %arg2[%get3A_2, %get3A_3, %get3A_4] : memref<2x4000x8xf32, #tpu.memory_space<vmem>>, vector<1x4000x8xf32>
    %get3A_6 = vector.shape_cast %get3A_5 : vector<1x4000x8xf32> to vector<4000x8xf32>
    %get3A_7 = arith.constant 1 : index
    %get3A_8 = arith.constant 0 : index
    %get3A_9 = arith.constant 0 : index
    %get3A_10 = vector.load %arg2[%get3A_7, %get3A_8, %get3A_9] : memref<2x4000x8xf32, #tpu.memory_space<vmem>>, vector<1x4000x8xf32>
    %get3A_11 = vector.shape_cast %get3A_10 : vector<1x4000x8xf32> to vector<4000x8xf32>
    %add3A = arith.addf %get3A_6, %get3A_11 : vector<4000x8xf32>
    %get3A_12 = arith.constant 0 : index
    %get3A_13 = arith.constant 0 : index
    %get3A_14 = arith.constant 0 : index
    %get3A_15 = vector.load %arg3[%get3A_12, %get3A_13, %get3A_14] : memref<2x4000x8xf32, #tpu.memory_space<vmem>>, vector<1x4000x8xf32>
    %get3A_16 = vector.shape_cast %get3A_15 : vector<1x4000x8xf32> to vector<4000x8xf32>
    %get3A_17 = arith.constant 1 : index
    %get3A_18 = arith.constant 0 : index
    %get3A_19 = arith.constant 0 : index
    %get3A_20 = vector.load %arg3[%get3A_17, %get3A_18, %get3A_19] : memref<2x4000x8xf32, #tpu.memory_space<vmem>>, vector<1x4000x8xf32>
    %get3A_21 = vector.shape_cast %get3A_20 : vector<1x4000x8xf32> to vector<4000x8xf32>
    %add3A_22 = arith.addf %get3A_16, %get3A_21 : vector<4000x8xf32>
    %get3A_23 = arith.constant 0 : index
    %get3A_24 = arith.constant 0 : index
    %get3A_25 = vector.load %arg4[%get3A_23, %get3A_24] : memref<8x16xf32, #tpu.memory_space<vmem>>, vector<8x16xf32>
    %dot_general3A = arith.constant dense<0.000000e+00> : vector<4000x16xf32>
    %dot_general3A_26 = tpu.matmul %get3A_1, %get3A_25, %dot_general3A {dimension_numbers = #tpu.dot_dimension_numbers<[1], [0], [0], [1], [0, 0, 1, 1], [], []>, transpose_lhs_hint = false} : vector<4000x8xf32>, vector<8x16xf32>, vector<4000x16xf32> -> vector<4000x16xf32>
    %get3A_27 = arith.constant 0 : index
    %get3A_28 = arith.constant 0 : index
    %get3A_29 = vector.load %arg5[%get3A_27, %get3A_28] : memref<8x16xf32, #tpu.memory_space<vmem>>, vector<8x16xf32>
    %dot_general3A_30 = arith.constant dense<0.000000e+00> : vector<4000x16xf32>
    %dot_general3A_31 = tpu.matmul %add3A, %get3A_29, %dot_general3A_30 {dimension_numbers = #tpu.dot_dimension_numbers<[1], [0], [0], [1], [0, 0, 1, 1], [], []>, transpose_lhs_hint = false} : vector<4000x8xf32>, vector<8x16xf32>, vector<4000x16xf32> -> vector<4000x16xf32>
    %add3A_32 = arith.addf %dot_general3A_26, %dot_general3A_31 : vector<4000x16xf32>
    %get3A_33 = arith.constant 0 : index
    %get3A_34 = arith.constant 0 : index
    %get3A_35 = vector.load %arg6[%get3A_33, %get3A_34] : memref<8x16xf32, #tpu.memory_space<vmem>>, vector<8x16xf32>
    %dot_general3A_36 = arith.constant dense<0.000000e+00> : vector<4000x16xf32>
    %dot_general3A_37 = tpu.matmul %add3A_22, %get3A_35, %dot_general3A_36 {dimension_numbers = #tpu.dot_dimension_numbers<[1], [0], [0], [1], [0, 0, 1, 1], [], []>, transpose_lhs_hint = false} : vector<4000x8xf32>, vector<8x16xf32>, vector<4000x16xf32> -> vector<4000x16xf32>
    %add3A_38 = arith.addf %add3A_32, %dot_general3A_37 : vector<4000x16xf32>
    %get3A_39 = arith.constant 0 : index
    %get3A_40 = arith.constant 0 : index
    %get3A_41 = vector.load %arg7[%get3A_39, %get3A_40] : memref<1x16xf32, #tpu.memory_space<vmem>>, vector<1x16xf32>
    %add3A_42 = vector.broadcast %get3A_41 : vector<1x16xf32> to vector<4000x16xf32>
    %add3A_43 = arith.addf %add3A_38, %add3A_42 : vector<4000x16xf32>
    %max3A = arith.constant 0.000000e+00 : f32
    %max3A_44 = vector.broadcast %max3A : f32 to vector<4000x16xf32>
    %max3A_45 = arith.maximumf %add3A_43, %max3A_44 : vector<4000x16xf32>
    %swap3A = arith.constant 0 : index
    %swap3A_46 = arith.constant 0 : index
    %swap3A_47 = vector.load %arg8[%swap3A, %swap3A_46] : memref<4000x16xf32, #tpu.memory_space<vmem>>, vector<4000x16xf32>
    tpu.vector_store %arg8[%swap3A, %swap3A_46], %max3A_45 {strides = array<i32>} : memref<4000x16xf32, #tpu.memory_space<vmem>>, vector<4000x16xf32>,
    return
  }
  func.func @transform_0(%arg0: i32) -> (i32, i32) {
    %c0_i32 = arith.constant 0 : i32
    %c0_i32_0 = arith.constant 0 : i32
    return %arg0, %c0_i32 : i32, i32
  }
  func.func @transform_1(%arg0: i32) -> (i32, i32, i32) {
    %c0_i32 = arith.constant 0 : i32
    %c0_i32_0 = arith.constant 0 : i32
    %c0_i32_1 = arith.constant 0 : i32
    return %c0_i32, %arg0, %c0_i32_0 : i32, i32, i32
  }
  func.func @transform_2(%arg0: i32) -> (i32, i32, i32) {
    %c0_i32 = arith.constant 0 : i32
    %c0_i32_0 = arith.constant 0 : i32
    %c0_i32_1 = arith.constant 0 : i32
    return %c0_i32, %arg0, %c0_i32_0 : i32, i32, i32
  }
  func.func @transform_3(%arg0: i32) -> (i32, i32) {
    %c0_i32 = arith.constant 0 : i32
    %c0_i32_0 = arith.constant 0 : i32
    %c0_i32_1 = arith.constant 0 : i32
    return %c0_i32, %c0_i32_0 : i32, i32
  }
  func.func @transform_4(%arg0: i32) -> (i32, i32) {
    %c0_i32 = arith.constant 0 : i32
    %c0_i32_0 = arith.constant 0 : i32
    %c0_i32_1 = arith.constant 0 : i32
    return %c0_i32, %c0_i32_0 : i32, i32
  }
  func.func @transform_5(%arg0: i32) -> (i32, i32) {
    %c0_i32 = arith.constant 0 : i32
    %c0_i32_0 = arith.constant 0 : i32
    %c0_i32_1 = arith.constant 0 : i32
    return %c0_i32, %c0_i32_0 : i32, i32
  }
  func.func @transform_6(%arg0: i32) -> (i32, i32) {
    %c0_i32 = arith.constant 0 : i32
    %c0_i32_0 = arith.constant 0 : i32
    %c0_i32_1 = arith.constant 0 : i32
    return %c0_i32, %c0_i32_0 : i32, i32
  }
  func.func @transform_7(%arg0: i32) -> (i32, i32) {
    %c0_i32 = arith.constant 0 : i32
    %c0_i32_0 = arith.constant 0 : i32
    return %arg0, %c0_i32 : i32, i32
  }
}

module attributes {stable_mosaic.version = 14 : i64} {
  func.func @_tcb_body(%arg0: i32, %arg1: memref<4000x16xf32, #tpu.memory_space<vmem>>, %arg2: memref<2x4000x16xf32, #tpu.memory_space<vmem>>, %arg3: memref<2x4000x8xf32, #tpu.memory_space<vmem>>, %arg4: memref<16x16xf32, #tpu.memory_space<vmem>>, %arg5: memref<16x16xf32, #tpu.memory_space<vmem>>, %arg6: memref<8x16xf32, #tpu.memory_space<vmem>>, %arg7: memref<1x16xf32, #tpu.memory_space<vmem>>, %arg8: memref<16x8xf32, #tpu.memory_space<vmem>>, %arg9: memref<1x8xf32, #tpu.memory_space<vmem>>, %arg10: memref<1x8xf32, #tpu.memory_space<vmem>>, %arg11: memref<1x16xf32, #tpu.memory_space<vmem>>) attributes {dimension_semantics = [#tpu.dimension_semantics<arbitrary>], iteration_bounds = array<i64: 25>, scalar_prefetch = 0 : i64, scratch_operands = 1 : i64, tpu.core_type = #tpu.core_type<tc>, window_params = [{transform_indices = @transform_0, window_bounds = array<i64: 4000, 16>}, {transform_indices = @transform_1, window_bounds = array<i64: 2, 4000, 16>}, {transform_indices = @transform_2, window_bounds = array<i64: 2, 4000, 8>}, {pipeline_mode = #tpu.pipeline_mode<synchronous>, transform_indices = @transform_3, window_bounds = array<i64: 16, 16>}, {pipeline_mode = #tpu.pipeline_mode<synchronous>, transform_indices = @transform_4, window_bounds = array<i64: 16, 16>}, {pipeline_mode = #tpu.pipeline_mode<synchronous>, transform_indices = @transform_5, window_bounds = array<i64: 8, 16>}, {pipeline_mode = #tpu.pipeline_mode<synchronous>, transform_indices = @transform_6, window_bounds = array<i64: 1, 16>}, {pipeline_mode = #tpu.pipeline_mode<synchronous>, transform_indices = @transform_7, window_bounds = array<i64: 16, 8>}, {pipeline_mode = #tpu.pipeline_mode<synchronous>, transform_indices = @transform_8, window_bounds = array<i64: 1, 8>}, {pipeline_mode = #tpu.pipeline_mode<synchronous>, transform_indices = @transform_9, window_bounds = array<i64: 1, 8>}]} {
    %eq3A = arith.constant 0 : i32
    %eq3A_0 = arith.cmpi eq, %arg0, %eq3A : i32
    %convert_element_type3A = arith.extui %eq3A_0 : i1 to i32
    %cond3A = arith.constant 0 : i32
    %cond3A_1 = arith.cmpi ne, %convert_element_type3A, %cond3A : i32
    scf.if %cond3A_1 {
      %broadcast_in_dim3A_60 = arith.constant 0.000000e+00 : f32
      %broadcast_in_dim3A_61 = vector.broadcast %broadcast_in_dim3A_60 : f32 to vector<1x16xf32>
      %swap3A_62 = arith.constant 0 : index
      %swap3A_63 = arith.constant 0 : index
      %swap3A_64 = vector.load %arg11[%swap3A_62, %swap3A_63] : memref<1x16xf32, #tpu.memory_space<vmem>>, vector<1x16xf32>
      tpu.vector_store %arg11[%swap3A_62, %swap3A_63], %broadcast_in_dim3A_61 {strides = array<i32>} : memref<1x16xf32, #tpu.memory_space<vmem>>, vector<1x16xf32>,
    } else {
    }
    %get3A = arith.constant 0 : index
    %get3A_2 = arith.constant 0 : index
    %get3A_3 = vector.load %arg1[%get3A, %get3A_2] : memref<4000x16xf32, #tpu.memory_space<vmem>>, vector<4000x16xf32>
    %get3A_4 = arith.constant 0 : index
    %get3A_5 = arith.constant 0 : index
    %get3A_6 = arith.constant 0 : index
    %get3A_7 = vector.load %arg2[%get3A_4, %get3A_5, %get3A_6] : memref<2x4000x16xf32, #tpu.memory_space<vmem>>, vector<1x4000x16xf32>
    %get3A_8 = vector.shape_cast %get3A_7 : vector<1x4000x16xf32> to vector<4000x16xf32>
    %get3A_9 = arith.constant 1 : index
    %get3A_10 = arith.constant 0 : index
    %get3A_11 = arith.constant 0 : index
    %get3A_12 = vector.load %arg2[%get3A_9, %get3A_10, %get3A_11] : memref<2x4000x16xf32, #tpu.memory_space<vmem>>, vector<1x4000x16xf32>
    %get3A_13 = vector.shape_cast %get3A_12 : vector<1x4000x16xf32> to vector<4000x16xf32>
    %add3A = arith.addf %get3A_8, %get3A_13 : vector<4000x16xf32>
    %get3A_14 = arith.constant 0 : index
    %get3A_15 = arith.constant 0 : index
    %get3A_16 = arith.constant 0 : index
    %get3A_17 = vector.load %arg3[%get3A_14, %get3A_15, %get3A_16] : memref<2x4000x8xf32, #tpu.memory_space<vmem>>, vector<1x4000x8xf32>
    %get3A_18 = vector.shape_cast %get3A_17 : vector<1x4000x8xf32> to vector<4000x8xf32>
    %get3A_19 = arith.constant 1 : index
    %get3A_20 = arith.constant 0 : index
    %get3A_21 = arith.constant 0 : index
    %get3A_22 = vector.load %arg3[%get3A_19, %get3A_20, %get3A_21] : memref<2x4000x8xf32, #tpu.memory_space<vmem>>, vector<1x4000x8xf32>
    %get3A_23 = vector.shape_cast %get3A_22 : vector<1x4000x8xf32> to vector<4000x8xf32>
    %add3A_24 = arith.addf %get3A_18, %get3A_23 : vector<4000x8xf32>
    %get3A_25 = arith.constant 0 : index
    %get3A_26 = arith.constant 0 : index
    %get3A_27 = vector.load %arg4[%get3A_25, %get3A_26] : memref<16x16xf32, #tpu.memory_space<vmem>>, vector<16x16xf32>
    %dot_general3A = arith.constant dense<0.000000e+00> : vector<4000x16xf32>
    %dot_general3A_28 = tpu.matmul %get3A_3, %get3A_27, %dot_general3A {dimension_numbers = #tpu.dot_dimension_numbers<[1], [0], [0], [1], [0, 0, 1, 1], [], []>, transpose_lhs_hint = false} : vector<4000x16xf32>, vector<16x16xf32>, vector<4000x16xf32> -> vector<4000x16xf32>
    %get3A_29 = arith.constant 0 : index
    %get3A_30 = arith.constant 0 : index
    %get3A_31 = vector.load %arg5[%get3A_29, %get3A_30] : memref<16x16xf32, #tpu.memory_space<vmem>>, vector<16x16xf32>
    %dot_general3A_32 = arith.constant dense<0.000000e+00> : vector<4000x16xf32>
    %dot_general3A_33 = tpu.matmul %add3A, %get3A_31, %dot_general3A_32 {dimension_numbers = #tpu.dot_dimension_numbers<[1], [0], [0], [1], [0, 0, 1, 1], [], []>, transpose_lhs_hint = false} : vector<4000x16xf32>, vector<16x16xf32>, vector<4000x16xf32> -> vector<4000x16xf32>
    %add3A_34 = arith.addf %dot_general3A_28, %dot_general3A_33 : vector<4000x16xf32>
    %get3A_35 = arith.constant 0 : index
    %get3A_36 = arith.constant 0 : index
    %get3A_37 = vector.load %arg6[%get3A_35, %get3A_36] : memref<8x16xf32, #tpu.memory_space<vmem>>, vector<8x16xf32>
    %dot_general3A_38 = arith.constant dense<0.000000e+00> : vector<4000x16xf32>
    %dot_general3A_39 = tpu.matmul %add3A_24, %get3A_37, %dot_general3A_38 {dimension_numbers = #tpu.dot_dimension_numbers<[1], [0], [0], [1], [0, 0, 1, 1], [], []>, transpose_lhs_hint = false} : vector<4000x8xf32>, vector<8x16xf32>, vector<4000x16xf32> -> vector<4000x16xf32>
    %add3A_40 = arith.addf %add3A_34, %dot_general3A_39 : vector<4000x16xf32>
    %get3A_41 = arith.constant 0 : index
    %get3A_42 = arith.constant 0 : index
    %get3A_43 = vector.load %arg7[%get3A_41, %get3A_42] : memref<1x16xf32, #tpu.memory_space<vmem>>, vector<1x16xf32>
    %add3A_44 = vector.broadcast %get3A_43 : vector<1x16xf32> to vector<4000x16xf32>
    %add3A_45 = arith.addf %add3A_40, %add3A_44 : vector<4000x16xf32>
    %max3A = arith.constant 0.000000e+00 : f32
    %max3A_46 = vector.broadcast %max3A : f32 to vector<4000x16xf32>
    %max3A_47 = arith.maximumf %add3A_45, %max3A_46 : vector<4000x16xf32>
    %get3A_48 = arith.constant 0 : index
    %get3A_49 = arith.constant 0 : index
    %get3A_50 = vector.load %arg11[%get3A_48, %get3A_49] : memref<1x16xf32, #tpu.memory_space<vmem>>, vector<1x16xf32>
    %reduce_sum3A = arith.constant dense<0.000000e+00> : vector<16xf32>
    %reduce_sum3A_51 = vector.multi_reduction <add>, %max3A_47, %reduce_sum3A [0] : vector<4000x16xf32> to vector<16xf32>
    %broadcast_in_dim3A = vector.shape_cast %reduce_sum3A_51 : vector<16xf32> to vector<1x16xf32>
    %add3A_52 = arith.addf %get3A_50, %broadcast_in_dim3A : vector<1x16xf32>
    %swap3A = arith.constant 0 : index
    %swap3A_53 = arith.constant 0 : index
    %swap3A_54 = vector.load %arg11[%swap3A, %swap3A_53] : memref<1x16xf32, #tpu.memory_space<vmem>>, vector<1x16xf32>
    tpu.vector_store %arg11[%swap3A, %swap3A_53], %add3A_52 {strides = array<i32>} : memref<1x16xf32, #tpu.memory_space<vmem>>, vector<1x16xf32>,
    %eq3A_55 = arith.constant 24 : i32
    %eq3A_56 = arith.cmpi eq, %arg0, %eq3A_55 : i32
    %convert_element_type3A_57 = arith.extui %eq3A_56 : i1 to i32
    %cond3A_58 = arith.constant 0 : i32
    %cond3A_59 = arith.cmpi ne, %convert_element_type3A_57, %cond3A_58 : i32
    scf.if %cond3A_59 {
      %get3A_60 = arith.constant 0 : index
      %get3A_61 = arith.constant 0 : index
      %get3A_62 = vector.load %arg11[%get3A_60, %get3A_61] : memref<1x16xf32, #tpu.memory_space<vmem>>, vector<1x16xf32>
      %get3A_63 = arith.constant 0 : index
      %get3A_64 = arith.constant 0 : index
      %get3A_65 = vector.load %arg8[%get3A_63, %get3A_64] : memref<16x8xf32, #tpu.memory_space<vmem>>, vector<16x8xf32>
      %dot_general3A_66 = arith.constant dense<0.000000e+00> : vector<1x8xf32>
      %dot_general3A_67 = tpu.matmul %get3A_62, %get3A_65, %dot_general3A_66 {dimension_numbers = #tpu.dot_dimension_numbers<[1], [0], [0], [1], [0, 0, 1, 1], [], []>, transpose_lhs_hint = false} : vector<1x16xf32>, vector<16x8xf32>, vector<1x8xf32> -> vector<1x8xf32>
      %get3A_68 = arith.constant 0 : index
      %get3A_69 = arith.constant 0 : index
      %get3A_70 = vector.load %arg9[%get3A_68, %get3A_69] : memref<1x8xf32, #tpu.memory_space<vmem>>, vector<1x8xf32>
      %add3A_71 = arith.addf %dot_general3A_67, %get3A_70 : vector<1x8xf32>
      %swap3A_72 = arith.constant 0 : index
      %swap3A_73 = arith.constant 0 : index
      %swap3A_74 = vector.load %arg10[%swap3A_72, %swap3A_73] : memref<1x8xf32, #tpu.memory_space<vmem>>, vector<1x8xf32>
      tpu.vector_store %arg10[%swap3A_72, %swap3A_73], %add3A_71 {strides = array<i32>} : memref<1x8xf32, #tpu.memory_space<vmem>>, vector<1x8xf32>,
    } else {
    }
    return
  }
  func.func @transform_0(%arg0: i32) -> (i32, i32) {
    %c0_i32 = arith.constant 0 : i32
    %c0_i32_0 = arith.constant 0 : i32
    return %arg0, %c0_i32 : i32, i32
  }
  func.func @transform_1(%arg0: i32) -> (i32, i32, i32) {
    %c0_i32 = arith.constant 0 : i32
    %c0_i32_0 = arith.constant 0 : i32
    %c0_i32_1 = arith.constant 0 : i32
    return %c0_i32, %arg0, %c0_i32_0 : i32, i32, i32
  }
  func.func @transform_2(%arg0: i32) -> (i32, i32, i32) {
    %c0_i32 = arith.constant 0 : i32
    %c0_i32_0 = arith.constant 0 : i32
    %c0_i32_1 = arith.constant 0 : i32
    return %c0_i32, %arg0, %c0_i32_0 : i32, i32, i32
  }
  func.func @transform_3(%arg0: i32) -> (i32, i32) {
    %c0_i32 = arith.constant 0 : i32
    %c0_i32_0 = arith.constant 0 : i32
    %c0_i32_1 = arith.constant 0 : i32
    return %c0_i32, %c0_i32_0 : i32, i32
  }
  func.func @transform_4(%arg0: i32) -> (i32, i32) {
    %c0_i32 = arith.constant 0 : i32
    %c0_i32_0 = arith.constant 0 : i32
    %c0_i32_1 = arith.constant 0 : i32
    return %c0_i32, %c0_i32_0 : i32, i32
  }
  func.func @transform_5(%arg0: i32) -> (i32, i32) {
    %c0_i32 = arith.constant 0 : i32
    %c0_i32_0 = arith.constant 0 : i32
    %c0_i32_1 = arith.constant 0 : i32
    return %c0_i32, %c0_i32_0 : i32, i32
  }
  func.func @transform_6(%arg0: i32) -> (i32, i32) {
    %c0_i32 = arith.constant 0 : i32
    %c0_i32_0 = arith.constant 0 : i32
    %c0_i32_1 = arith.constant 0 : i32
    return %c0_i32, %c0_i32_0 : i32, i32
  }
  func.func @transform_7(%arg0: i32) -> (i32, i32) {
    %c0_i32 = arith.constant 0 : i32
    %c0_i32_0 = arith.constant 0 : i32
    %c0_i32_1 = arith.constant 0 : i32
    return %c0_i32, %c0_i32_0 : i32, i32
  }
  func.func @transform_8(%arg0: i32) -> (i32, i32) {
    %c0_i32 = arith.constant 0 : i32
    %c0_i32_0 = arith.constant 0 : i32
    %c0_i32_1 = arith.constant 0 : i32
    return %c0_i32, %c0_i32_0 : i32, i32
  }
  func.func @transform_9(%arg0: i32) -> (i32, i32) {
    %c0_i32 = arith.constant 0 : i32
    %c0_i32_0 = arith.constant 0 : i32
    %c0_i32_1 = arith.constant 0 : i32
    return %c0_i32, %c0_i32_0 : i32, i32
  }
}

</mosaic_0001>

<sc_bundles>
// kernel: kernel.10.cloned.1.call-start
scs
__scs_entry_jumppad:
0x0: {  	(pc) =	sbr.rel $0x88, $3  }
0x1: {  	(tag) =	ssettag $0x0;
	lr =	simm.s32 $0x1  }
0x2: {  	[smem:$0x3F91] =	sst lr;
	_ =	strace $0xD0000000  }
0x3: {  	_ = 	snop  }
0x4: {  	_ = 	snop  }
0x5: {  	_ = 	snop  }
0x6: {  	_ = 	snop  }
0x7: {  	_ = 	snop  }
__scs_overlays_trampoline_lowered:
0x8: {  	[smem:$0x3FA0] =	sst s0  }
0x9: {  	[smem:$0x3FA1] =	sst s1  }
0xa: {  	[smem:$0x3FA2] =	sst s2  }
0xb: {  	[smem:$0x3FA3] =	sst s3  }
0xc: {  	[smem:$0x3FA4] =	sst s4  }
0xd: {  	[smem:$0x3FA5] =	sst s5  }
0xe: {  	[smem:$0x3FA6] =	sst s6  }
0xf: {  	[smem:$0x3FA7] =	sst s7  }
0x10: {  	[smem:$0x3FA8] =	sst s8  }
0x11: {  	[smem:$0x3FA9] =	sst s9;
	s0 =	simm.s32 @!p0 $0x0  }
0x12: {  	s1 =	sld [smem:$0x3F8F];
	s0 =	simm.s32 @p0 $0x1  }
0x13: {  	[smem:$0x3FAA] =	sst s0;
	s0 =	simm.s32 @!p1 $0x0  }
0x14: {  	s2 =	sld [smem:$0x3F8E];
	s0 =	simm.s32 @p1 $0x1  }
0x15: {  	[smem:$0x3FAB] =	sst s0;
	s0 =	simm.s32 @!p2 $0x0  }
0x16: {  	s3 =	sld [smem:$0x3FDB];
	s0 =	simm.s32 @p2 $0x1  }
0x17: {  	s4 =	simm.s32 $0x1BF5;
	[smem:$0x3FAD] =	sst s0  }
0x18: {  	s0 =	sld [smem:$0x3F90];
	_ =	swait.ge [sflag:s4], $0x0  }
0x19: {  	s7 =	sld [smem:$0x3F91]  }
0x1a: {  	s8 =	sadd.s32 $0xFFFFE003, lr  }
0x1b: {  	s9 =	sadd.s32 $0xFFFFFEF7, lr;
	s5 =	simm.s32 $0xFFFFFFFF;
	p2 =	slt.u32 s8, $0xFFFFF086  }
0x1c: {  	p1 =	slt.u32 s9, $0xF7A;
	s5 =	simm.s32 @!p2 $0x0  }
0x1d: {  	s5 =	simm.s32 @p1 $0x1;
	p0 =	seq.s32 s7, s2  }
0x1e: {  	s7 =	smul.u32 @!p0 $0xF7A, s2;
	p2 =	seq.s32 @!p0 s5, $0x0  }
0x1f: {  	s9 =	smul.u32 $0xF7A, s1;
	s8 =	simm.s32 @!p0 $0x1BF5;
	p2 =	por !p2, p0  }
0x20: {  	[sflag:s8] =	ssyncset.s32 @!p0 $0xFFFFF086;
	s6 =	sadd.s32 @!p0 s3, s7;
	s7 =	simm.s32 @!p0 $0x108  }
0x21: {  	s3 =	sadd.s32 s3, s9;
	s6 =	sadd.s32 @!p0 $0x88, s6;
	s7 =	simm.s32 @p2 $0x1082  }
0x22: {  	[simem:s7], [sflag:s8] =	dma.local @!p0 [hbm:s6], $0xF7A  }
0x23: {  	s9 =	sor.u32 $0xD0000000, s2;
	s6 =	simm.s32 $0x108;
	_ =	swait.ge @!p0 [sflag:s8], $0x0  }
0x24: {  	s3 =	sadd.s32 $0x88, s3;
	s6 =	simm.s32 @!p1 $0x1082;
	[sflag:s4] =	ssyncset.s32 $0xFFFFF086  }
0x25: {  	[simem:s6], [sflag:s4] =	dma.local [hbm:s3], $0xF7A  }
0x26: {  	[smem:$0x3F91] =	sst s1;
	(tag) =	ssettag s2;
	_ =	strace s9  }
0x27: {  	s1 =	sld [smem:$0x3FA1]  }
0x28: {  	s2 =	sld [smem:$0x3FA2]  }
0x29: {  	s4 =	sld [smem:$0x3FA4]  }
0x2a: {  	p0 =	seq.s32 s5, $0x0;
	s5 =	sld [smem:$0x3FA5]  }
0x2b: {  	s6 =	sld [smem:$0x3FA6]  }
0x2c: {  	s7 =	sld [smem:$0x3FA7]  }
0x2d: {  	s3 =	simm.s32 $0x108;
	s8 =	sld [smem:$0x3FA8]  }
0x2e: {  	s3 =	simm.s32 @!p0 $0x1082;
	s9 =	sld [smem:$0x3FA9]  }
0x2f: {  	lr =	sadd.s32 s0, s3;
	s0 =	sld [smem:$0x3FA0]  }
0x30: {  	s3 =	sld [smem:$0x3FA3]  }
0x31: {  	[smem:$0x3FAC] =	sst s10  }
0x32: {  	s10 =	sld [smem:$0x3FAA];
	_ =	sdelay $0x3  }
0x33: {  	p0 =	seq.s32 s10, $0x1;
	s10 =	sld [smem:$0x3FAC];
	_ =	sdelay $0x3  }
0x34: {  	[smem:$0x3FAC] =	sst s10  }
0x35: {  	s10 =	sld [smem:$0x3FAB];
	_ =	sdelay $0x3  }
0x36: {  	p1 =	seq.s32 s10, $0x1;
	s10 =	sld [smem:$0x3FAC];
	_ =	sdelay $0x3  }
0x37: {  	[smem:$0x3FAC] =	sst s10  }
0x38: {  	s10 =	sld [smem:$0x3FAD]  }
0x39: {  	_ = 	snop;
	(pc) =	sbr.ind lr, $3  }
0x3a: {  	_ = 	snop  }
0x3b: {  	_ = 	snop  }
0x3c: {  	p2 =	seq.s32 s10, $0x1;
	s10 =	sld [smem:$0x3FAC]  }
0x3d: {  	_ =	shalt  }
0x3e: {  	_ =	shalt  }
0x3f: {  	_ =	shalt  }
0x40: {  	_ =	shalt  }
0x41: {  	_ =	shalt  }
0x42: {  	_ =	shalt  }
0x43: {  	_ =	shalt  }
0x44: {  	_ =	shalt  }
0x45: {  	_ =	shalt  }
0x46: {  	_ =	shalt  }
0x47: {  	_ =	shalt  }
0x48: {  	_ =	shalt  }
0x49: {  	_ =	shalt  }
0x4a: {  	_ =	shalt  }
0x4b: {  	_ =	shalt  }
0x4c: {  	_ =	shalt  }
0x4d: {  	_ =	shalt  }
0x4e: {  	_ =	shalt  }
0x4f: {  	_ =	shalt  }
0x50: {  	_ =	shalt  }
0x51: {  	_ =	shalt  }
0x52: {  	_ =	shalt  }
0x53: {  	_ =	shalt  }
0x54: {  	_ =	shalt  }
0x55: {  	_ =	shalt  }
0x56: {  	_ =	shalt  }
0x57: {  	_ =	shalt  }
0x58: {  	_ =	shalt  }
0x59: {  	_ =	shalt  }
0x5a: {  	_ =	shalt  }
0x5b: {  	_ =	shalt  }
0x5c: {  	_ =	shalt  }
0x5d: {  	_ =	shalt  }
0x5e: {  	_ =	shalt  }
0x5f: {  	_ =	shalt  }
0x60: {  	_ =	shalt  }
0x61: {  	_ =	shalt  }
0x62: {  	_ =	shalt  }
0x63: {  	_ =	shalt  }
0x64: {  	_ =	shalt  }
0x65: {  	_ =	shalt  }
0x66: {  	_ =	shalt  }
0x67: {  	_ =	shalt  }
0x68: {  	_ =	shalt  }
0x69: {  	_ =	shalt  }
0x6a: {  	_ =	shalt  }
0x6b: {  	_ =	shalt  }
0x6c: {  	_ =	shalt  }
0x6d: {  	_ =	shalt  }
0x6e: {  	_ =	shalt  }
0x6f: {  	_ =	shalt  }
0x70: {  	_ =	shalt  }
0x71: {  	_ =	shalt  }
0x72: {  	_ =	shalt  }
0x73: {  	_ =	shalt  }
0x74: {  	_ =	shalt  }
0x75: {  	_ =	shalt  }
0x76: {  	_ =	shalt  }
0x77: {  	_ =	shalt  }
0x78: {  	_ =	shalt  }
0x79: {  	_ =	shalt  }
0x7a: {  	_ =	shalt  }
0x7b: {  	_ =	shalt  }
0x7c: {  	_ =	shalt  }
0x7d: {  	_ =	shalt  }
0x7e: {  	_ =	shalt  }
0x7f: {  	_ =	shalt  }
0x80: {  	_ =	shalt  }
0x81: {  	_ =	shalt  }
0x82: {  	_ =	shalt  }
0x83: {  	_ =	shalt  }
0x84: {  	_ =	shalt  }
0x85: {  	_ =	shalt  }
0x86: {  	_ =	shalt  }
0x87: {  	_ =	shalt  }
.Lfunc_end0:
.L_simem_size_0:
called_computation.1_lowered:
.L_overlay_start_0:
0x88: {  	s2 =	sld [smem:$0x3FD9]  }
0x89: {  	s3 =	sld [smem:$0x3FFE];
	_ =	sdelay $0x1  }
0x8a: {  	s1 =	srdreg.scid  }
0x8b: {  	s0 =	sand.u32 $0x1, s1  }
0x8c: {  	s17 =	sshll.u32 s0, $0xA;
	s2 =	sadd.s32 s3, s2  }
0x8d: {  	s2 =	sadd.s32 s2, s17  }
0x8e: {  	[smem:$0x3FB8] =	sst s2  }
0x8f: {  	_ = 	snop  }
0x90: {  	s2 =	sld [smem:$0x3FC6];
	(tm) =	ssettm $0x1  }
0x91: {  	s18 =	sld [smem:$0x3FFB];
	_ =	sdelay $0x3  }
0x92: {  	_ =	strace s18  }
0x93: {  	s3 =	sld [smem:$0x3FFC];
	_ =	sdelay $0x3  }
0x94: {  	_ =	strace s3  }
0x95: {  	s3 =	sld [smem:$0x3FFD];
	_ =	sdelay $0x3  }
0x96: {  	_ =	strace s3  }
0x97: {  	_ =	strace $0x8FFFFFFF  }
0x98: {  	s19 =	sld [smem:$0x3FDB];
	_ =	sdelay $0x1  }
0x99: {  	s4 =	simm.s32 $_scs_section_size  }
0x9a: {  	s5 =	simm.s32 $_size__tile_overlayer_lowered;
	s6 =	simm.s32 $_tile_overlayer_lowered  }
0x9b: {  	s22 =	simm.s32 $0x1BFF;
	s21 =	sshll.u32 s6, $0x1;
	s3 =	sadd.s32 s4, s19  }
0x9c: {  	s7 =	simm.s32 $0x0;
	s20 =	sshll.u32 s5, $0x1;
	s5 =	sadd.s32 s21, s3  }
0x9d: {  	[timem:s7], [sflag:s22] =	dma.local [hbm:s5], s20  }
0x9e: {  	_ =	swait.ge [sflag:s22], s20  }
0x9f: {  	s4 =	ssub.s32 $0x0, s20;
	[sflag:s22] =	ssyncset.done $0x0  }
0xa0: {  	[sflag:s22] =	ssyncadd.s32 s4;
	_ =	sdelay $0x1  }
0xa1: {  	s23 =	simm.s32 $0x1B8B  }
0xa2: {  	_ =	swait.ge [sflag:s23], $0x1  }
0xa3: {  	[sflag:s23] =	ssyncset.done $0x0  }
0xa4: {  	s25 =	simm.s32 $0x1B8E;
	s24 =	sld [smem:$0x3FFE];
	[sflag:s23] =	ssyncadd.s32 $0xFFFFFFFF  }
0xa5: {  	s26 =	simm.s32 $execute0_lowered;
	[smem:$0x3FD2] =	sst s25  }
0xa6: {  	s5 =	sshll.u32 s26, $0x1;
	_ =	strace $0x80000049;
	[dreg:$0x1] =	wrdreg $0xFFFFFFFF  }
0xa7: {  	s28 =	simm.s32 $_size_execute0_lowered;
	s3 =	sadd.s32 s3, s5;
	[dreg:$0x0] =	wrdreg $0x0  }
0xa8: {  	s5 =	sshll.u32 s28, $0x1;
	[dreg:$0x2] =	wrdreg s3  }
0xa9: {  	[dreg:$0x3] =	wrdreg s5  }
0xaa: {  	[dreg:$0x4] =	wrdreg $0xC0  }
0xab: {  	_ =	task [dreg:s7], $0x5FFFF  }
0xac: {  	[dreg:$0x1] =	wrdreg $0xFFFFFFFF  }
0xad: {  	[dreg:$0x0] =	wrdreg $0x60  }
0xae: {  	[dreg:$0x2] =	wrdreg s24  }
0xaf: {  	[dreg:$0x3] =	wrdreg s2  }
0xb0: {  	[dreg:$0x4] =	wrdreg $0x30900  }
0xb1: {  	[dreg:$0x5] =	wrdreg $0xF4900  }
0xb2: {  	[dreg:$0x6] =	wrdreg $0x9  }
0xb3: {  	_ =	task.clear_ibuf [dreg:s7], $0x7FFFF;
	_ =	strace $0x90000049  }
0xb4: {  	s29 =	simm.s32 $0x9;
	_ =	strace $0x8000004B  }
0xb5: {  	_ =	swait.ge [sflag:s29], $0x1  }
0xb6: {  	[sflag:s29] =	ssyncadd.s32 $0xFFFFFFFF  }
0xb7: {  	_ =	strace $0x9000004B  }
0xb8: {  	_ =	sfence  }
0xb9: {  	s30 =	sld [smem:$0x0];
	_ =	sdelay $0x2  }
0xba: {  	s31 =	sshll.u32 s1, $0xD;
	s1 =	sshrl.u32 s1, $0x2  }
0xbb: {  	s3 =	sand.u32 $0x4000, s31;
	s1 =	sadd.s32 s1, s30  }
0xbc: {  	s0 =	sor.u32 s3, s0;
	s1 =	sshll.u32 s1, $0x11  }
0xbd: {  	s0 =	sor.u32 s1, s0  }
0xbe: {  	s0 =	sadd.s32 $0x8F2B, s0  }
0xbf: {  	[sflag:s0] =	ssyncadd.remote.s32 $0x1  }
0xc0: {  	_ =	sfence.sel $0xFFFF  }
0xc1: {  	[dreg:$0x0] =	wrdreg $0xFFFFFFFF;
	(pc) =	sbr.abs _section_cstart, $3  }
0xc2: {  	[dreg:$0x1] =	wrdreg $0xFFFFFFFF  }
0xc3: {  	_ =	task.clear_ibuf [dreg:s7], $0x2FFFF;
	_ =	strace $0x9FFFFFFF  }
0xc4: {  	(tm) =	ssettm $0x7FFFFFFF  }
0xc5: {  	_ =	shalt  }
tec
execute0_lowered:
.L_overlay_start_1:
0x0: {  	(tag) =	ssettag $0x1  }
0x1: {  	s0 =	rddreg [dreg:$0x0]  }
0x2: {  	s1 =	rddreg [dreg:$0x1]  }
0x3: {  	s3 =	rddreg [dreg:$0x2]  }
0x4: {  	s4 =	rddreg [dreg:$0x3];
	s5 =	simm.s32 $0x0  }
0x5: {  	s15 =	stileid.u32;
	s2 =	srdreg.scid;
	s17 =	simm.s32 $0x2  }
0x6: {  	v0 =	vlaneseq.u32;
	s21 =	simm.s32 $0x2890;
	s22 =	simm.s32 $0x2710;
	s23 =	simm.s32 $0x3  }
0x7: {  	s24 =	simm.s32 $0x2790;
	s28 =	simm.s32 $0x2810;
	s29 =	simm.s32 $0x1;
	v32 =	vmul.u32 $0x8, v0  }
0x8: {  	s30 =	simm.s32 $0x0;
	[smem:$0x7FF] =	sst s5;
	s10 =	smul.u32 $0xC400, s15  }
0x9: {  	v1 =	vimm.f32 $0.0e+00;
	s6 =	sand.u32 $0x1, s2;
	s7 =	sadd.s32 $0x4D400, s0;
	s8 =	sadd.s32 $0x1C600, s0;
	v0 =	vor.u32 $0x5, v32;
	v2 =	vor.u32 $0x6, v32  }
0xa: {  	s9 =	sadd.s32 $0x19C800, s0;
	s11 =	sadd.s32 $0x3800, s0;
	s31 =	sshll.u32 s15, $0x6;
	v3 =	vor.u32 $0x7, v32;
	v4 =	vor.u32 $0x85, v32;
	v5 =	vor.u32 $0x86, v32  }
0xb: {  	_ =	strace $0x8000004A;
	s2 =	smul.u32 $0xC4000, s6;
	[dreg:$0x5] =	wrdreg s11;
	v6 =	vor.u32 $0x87, v32;
	v7 =	vor.u32 $0x105, v32;
	v8 =	vor.u32 $0x106, v32  }
0xc: {  	s11 =	sadd.s32 $0x3E00, s0;
	s12 =	ssub.s32 $0x2, s6;
	s18 =	sor.u32 $0x1C02, s31;
	v9 =	vor.u32 $0x107, v32;
	v10 =	vor.u32 $0x185, v32;
	v11 =	vor.u32 $0x186, v32  }
0xd: {  	s13 =	sshrl.u32 s10, $0x3;
	s14 =	sshrl.u32 s12, $0x1;
	s26 =	sadd.s32 s10, s3;
	v12 =	vor.u32 $0x187, v32;
	v13 =	vor.u32 $0x205, v32;
	v14 =	vor.u32 $0x206, v32  }
0xe: {  	v15 =	vor.u32 $0x207, v32;
	v16 =	vor.u32 $0x285, v32;
	v17 =	vor.u32 $0x286, v32;
	s2 =	sadd.s32 s10, s2;
	s13 =	sadd.s32 s13, s0;
	s25 =	ssub.s32 s12, s14  }
.Ltmp0:
0xf: {  	v18 =	vor.u32 $0x287, v32;
	v19 =	vor.u32 $0x305, v32;
	v20 =	vor.u32 $0x306, v32;
	s12 =	sshll.u32 s15, $0x1;
	s2 =	sshrl.u32 s2, $0x3;
	(pc) =	sbr.rel .LBB2_1-.Ltmp0, $4  }
0x10: {  	v21 =	vor.u32 $0x307, v32;
	v22 =	vor.u32 $0x385, v32;
	v23 =	vor.u32 $0x386, v32;
	s10 =	sadd.s32 s10, s4;
	s19 =	sshrl.u32 s26, $0x3;
	s0 =	sadd.s32 s2, s0  }
0x11: {  	v24 =	vor.u32 $0x387, v32;
	v25 =	vor.u32 $0x4, v32;
	v26 =	vor.u32 $0x84, v32;
	s26 =	simm.s32 $0x2C90;
	s13 =	sadd.s32 $0x7E200, s13;
	s16 =	sadd.s32 $0xC7A00, s0  }
0x12: {  	v27 =	vor.u32 $0x104, v32;
	v28 =	vor.u32 $0x184, v32;
	v29 =	vor.u32 $0x204, v32;
	s20 =	sshrl.u32 s10, $0x3;
	s0 =	sadd.s32 $0x96A00, s0;
	[dreg:$0x6] =	wrdreg s16  }
0x13: {  	v30 =	vor.u32 $0x284, v32;
	v31 =	vor.u32 $0x304, v32;
	v32 =	vor.u32 $0x384, v32;
	[dreg:$0x7] =	wrdreg s0;
	s16 =	smax.u32 s25, $0x1;
	s25 =	simm.s32 $0x80  }
.LBB2_7:
0x14: {  	[bflag:$0x0] =	sbarrier.arrive $0xFFFF  }
0x15: {  	s0 =	rddreg [dreg:$0x6]  }
0x16: {  	[hbm:s0], [sflag:s18] =	dma.local [spmem:s19], $0x1880  }
0x17: {  	s30 =	sadd.s32 $0x1, s30;
	_ =	swait.ge [sflag:s17], $0x1880  }
0x18: {  	p0 =	sne.s32 s30, s16;
	[sflag:s17] =	ssyncset.done $0x0  }
.Ltmp1:
0x19: {  	s31 =	rddreg [dreg:$0x7];
	[sflag:s17] =	ssyncadd.s32 $0xFFFFE780;
	(pc) =	sbr.rel @!p0 .LBB2_8-.Ltmp1, $4  }
0x1a: {  	[hbm:s31], [sflag:s18] =	dma.local [spmem:s20], $0x1880  }
0x1b: {  	_ =	swait.ge [sflag:s17], $0x1880  }
0x1c: {  	[sflag:s17] =	ssyncset.done $0x0  }
0x1d: {  	[sflag:s17] =	ssyncadd.s32 $0xFFFFE780  }
.LBB2_1:
0x1e: {  	s0 =	rddreg [dreg:$0x5]  }
0x1f: {  	[tilespmem:s5], [sflag:$0x2] =	stream.linear.gather [hbm4b:s0+s5], $0x2710, $0x38;
	[tilespmem:$0x1B890] =	vst v63  }
0x20: {  	_ =	swait.ge [sflag:s17], $0x2710  }
0x21: {  	[sflag:s17] =	ssyncset.done $0x0  }
0x22: {  	[sflag:s17] =	ssyncadd.s32 $0xFFFFD8F0  }
0x23: {  	[spmem:s19], [sflag:s18] =	dma.local [hbm:s13], $0x1880  }
0x24: {  	_ =	swait.ge [sflag:s17], $0x1880  }
0x25: {  	[sflag:s17] =	ssyncset.done $0x0  }
0x26: {  	[sflag:s17] =	ssyncadd.s32 $0xFFFFE780  }
0x27: {  	[spmem:s20], [sflag:s18] =	dma.local [hbm:s13], $0x1880  }
0x28: {  	_ =	swait.ge [sflag:s17], $0x1880  }
0x29: {  	[sflag:s17] =	ssyncset.done $0x0  }
0x2a: {  	[sflag:s17] =	ssyncadd.s32 $0xFFFFE780  }
0x2b: {  	[tilespmem:v0+s21+$0x0] =	vst.idx.msk $0xffff, v1  }
0x2c: {  	[tilespmem:v2+s21+$0x0] =	vst.idx.msk $0xffff, v1  }
0x2d: {  	[tilespmem:v3+s21+$0x0] =	vst.idx.msk $0xffff, v1  }
0x2e: {  	[tilespmem:v4+s21+$0x0] =	vst.idx.msk $0xffff, v1  }
0x2f: {  	[tilespmem:v5+s21+$0x0] =	vst.idx.msk $0xffff, v1  }
0x30: {  	[tilespmem:v6+s21+$0x0] =	vst.idx.msk $0xffff, v1  }
0x31: {  	[tilespmem:v7+s21+$0x0] =	vst.idx.msk $0xffff, v1  }
0x32: {  	[tilespmem:v8+s21+$0x0] =	vst.idx.msk $0xffff, v1  }
0x33: {  	[tilespmem:v9+s21+$0x0] =	vst.idx.msk $0xffff, v1  }
0x34: {  	[tilespmem:v10+s21+$0x0] =	vst.idx.msk $0xffff, v1  }
0x35: {  	[tilespmem:v11+s21+$0x0] =	vst.idx.msk $0xffff, v1  }
0x36: {  	[tilespmem:v12+s21+$0x0] =	vst.idx.msk $0xffff, v1  }
0x37: {  	[tilespmem:v13+s21+$0x0] =	vst.idx.msk $0xffff, v1  }
0x38: {  	[tilespmem:v14+s21+$0x0] =	vst.idx.msk $0xffff, v1  }
0x39: {  	[tilespmem:v15+s21+$0x0] =	vst.idx.msk $0xffff, v1  }
0x3a: {  	[tilespmem:v16+s21+$0x0] =	vst.idx.msk $0xffff, v1  }
0x3b: {  	[tilespmem:v17+s21+$0x0] =	vst.idx.msk $0xffff, v1  }
0x3c: {  	[tilespmem:v18+s21+$0x0] =	vst.idx.msk $0xffff, v1  }
0x3d: {  	[tilespmem:v19+s21+$0x0] =	vst.idx.msk $0xffff, v1  }
0x3e: {  	[tilespmem:v20+s21+$0x0] =	vst.idx.msk $0xffff, v1  }
0x3f: {  	[tilespmem:v21+s21+$0x0] =	vst.idx.msk $0xffff, v1  }
.Ltmp2:
0x40: {  	[tilespmem:v22+s21+$0x0] =	vst.idx.msk $0xffff, v1;
	(pc) =	sbr.rel .LBB2_2-.Ltmp2, $4  }
0x41: {  	[tilespmem:v23+s21+$0x0] =	vst.idx.msk $0xffff, v1  }
0x42: {  	[tilespmem:v24+s21+$0x0] =	vst.idx.msk $0xffff, v1  }
0x43: {  	[bflag:$0x0] =	sbarrier.arrive $0xFFFF  }
0x44: {  	s31 =	simm.s32 $0x0  }
.LBB2_6:
0x45: {  	s31 =	sadd.s32 $0x1, s31  }
0x46: {  	p0 =	sne.s32 s31, $0x187  }
.Ltmp3:
0x47: {  	_ = 	snop;
	(pc) =	sbr.rel @!p0 .LBB2_7-.Ltmp3, $1  }
0x48: {  	_ =	sdelay $0x3  }
.LBB2_2:
0x49: {  	s0 =	sshll.u32 s31, $0x5  }
0x4a: {  	s0 =	sor.u32 s12, s0  }
0x4b: {  	p0 =	sgt.u32 s0, $0x30D3  }
.Ltmp4:
0x4c: {  	_ = 	snop;
	(pc) =	sbr.rel @p0 .LBB2_6-.Ltmp4, $1  }
0x4d: {  	_ =	sdelay $0x3  }
0x4e: {  	s0 =	sor.u32 s6, s0  }
0x4f: {  	s2 =	sshll.u32 s0, $0x4  }
0x50: {  	s14 =	simm.s32 $0x0;
	s10 =	sadd.s32 s7, s2  }
0x51: {  	[tilespmem:s22], [sflag:$0x3] =	stream.linear.gather [hbm4b:s10+s14], $0x80, $0x38;
	[tilespmem:$0x1B890] =	vst v63  }
0x52: {  	_ =	swait.ge [sflag:s23], $0x80  }
0x53: {  	[sflag:s23] =	ssyncset.done $0x0  }
0x54: {  	s15 =	sadd.s32 s8, s2;
	[sflag:s23] =	ssyncadd.s32 $0xFFFFFF80  }
0x55: {  	[tilespmem:s24], [sflag:$0x3] =	stream.linear.gather [hbm4b:s15+s14], $0x80, $0x38;
	[tilespmem:$0x1B890] =	vst v63  }
0x56: {  	_ =	swait.ge [sflag:s23], $0x80  }
0x57: {  	[sflag:s23] =	ssyncset.done $0x0  }
0x58: {  	[sflag:s23] =	ssyncadd.s32 $0xFFFFFF80  }
0x59: {  	[tilespmem:s26], [sflag:$0x1] =	stream.indirect.gather [hbm4b:s11+s25], $0x8, s22, s25, $0xb8;
	[tilespmem:$0x1B890] =	vst v63  }
0x5a: {  	s0 =	sshll.u32 s0, $0x7;
	s2 =	sadd.s32 s1, s2  }
0x5b: {  	[tilespmem:s28], [sflag:$0x3] =	stream.linear.gather [hbm4b:s2+s14], $0x80, $0x38;
	[tilespmem:$0x1B890] =	vst v63  }
0x5c: {  	s0 =	sadd.s32 s9, s0;
	_ =	swait.ge [sflag:s23], $0x80  }
0x5d: {  	s10 =	simm.s32 $0x1;
	s15 =	sadd.s32 $0x0, s0;
	[sflag:s23] =	ssyncset.done $0x0  }
0x5e: {  	s2 =	simm.s32 $0x2890;
	s14 =	simm.s32 $0x2898;
	[sflag:s23] =	ssyncadd.s32 $0xFFFFFF80  }
.LBB2_4:
0x5f: {  	[tilespmem:s2], [sflag:$0x3] =	stream.linear.gather [hbm4b:s15+s5], $0x4, $0x38;
	[tilespmem:$0x1B890] =	vst v63  }
0x60: {  	s15 =	smov.u32 s10;
	s2 =	smov.u32 s14;
	p0 =	sne.s32 s10, $0x7F  }
.Ltmp5:
0x61: {  	s10 =	sadd.s32 $0x1, s10;
	(pc) =	sbr.rel @p0 .LBB2_4-.Ltmp5, $2  }
0x62: {  	_ =	sdelay $0x2  }
0x63: {  	s14 =	sadd.s32 $0x8, s14;
	s15 =	sadd.s32 s15, s0  }
0x64: {  	[tilespmem:s2], [sflag:$0x3] =	stream.linear.gather [hbm4b:s15+s5], $0x4, $0x38;
	[tilespmem:$0x1B890] =	vst v63  }
0x65: {  	_ =	swait.ge [sflag:s23], $0x200  }
0x66: {  	[sflag:s23] =	ssyncset.done $0x0  }
0x67: {  	[sflag:s23] =	ssyncadd.s32 $0xFFFFFE00  }
0x68: {  	v33 =	vld [tilespmem:$0x2810];
	_ =	sdelay $0x7  }
0x69: {  	v33 =	vld.idx.msk [tilespmem:v33+s5+$0x0], $0xffff;
	_ =	sdelay $0x4  }
0x6a: {  	[tilespmem:v25+s21+$0x0] =	vst.idx.msk $0xffff, v33  }
0x6b: {  	v33 =	vld [tilespmem:$0x2820];
	_ =	sdelay $0x7  }
0x6c: {  	v33 =	vld.idx.msk [tilespmem:v33+s5+$0x0], $0xffff;
	_ =	sdelay $0x4  }
0x6d: {  	[tilespmem:v26+s21+$0x0] =	vst.idx.msk $0xffff, v33  }
0x6e: {  	v33 =	vld [tilespmem:$0x2830];
	_ =	sdelay $0x7  }
0x6f: {  	v33 =	vld.idx.msk [tilespmem:v33+s5+$0x0], $0xffff;
	_ =	sdelay $0x4  }
0x70: {  	[tilespmem:v27+s21+$0x0] =	vst.idx.msk $0xffff, v33  }
0x71: {  	v33 =	vld [tilespmem:$0x2840];
	_ =	sdelay $0x7  }
0x72: {  	v33 =	vld.idx.msk [tilespmem:v33+s5+$0x0], $0xffff;
	_ =	sdelay $0x4  }
0x73: {  	[tilespmem:v28+s21+$0x0] =	vst.idx.msk $0xffff, v33  }
0x74: {  	v33 =	vld [tilespmem:$0x2850];
	_ =	sdelay $0x7  }
0x75: {  	v33 =	vld.idx.msk [tilespmem:v33+s5+$0x0], $0xffff;
	_ =	sdelay $0x4  }
0x76: {  	[tilespmem:v29+s21+$0x0] =	vst.idx.msk $0xffff, v33  }
0x77: {  	v33 =	vld [tilespmem:$0x2860];
	_ =	sdelay $0x7  }
0x78: {  	v33 =	vld.idx.msk [tilespmem:v33+s5+$0x0], $0xffff;
	_ =	sdelay $0x4  }
0x79: {  	[tilespmem:v30+s21+$0x0] =	vst.idx.msk $0xffff, v33  }
0x7a: {  	v33 =	vld [tilespmem:$0x2870];
	_ =	sdelay $0x7  }
0x7b: {  	v33 =	vld.idx.msk [tilespmem:v33+s5+$0x0], $0xffff;
	_ =	sdelay $0x4  }
0x7c: {  	[tilespmem:v31+s21+$0x0] =	vst.idx.msk $0xffff, v33  }
0x7d: {  	v33 =	vld [tilespmem:$0x2880];
	_ =	sdelay $0x7  }
0x7e: {  	v33 =	vld.idx.msk [tilespmem:v33+s5+$0x0], $0xffff;
	_ =	sdelay $0x4  }
0x7f: {  	[tilespmem:v32+s21+$0x0] =	vst.idx.msk $0xffff, v33  }
0x80: {  	_ =	swait.ge [sflag:s29], $0x400  }
0x81: {  	[sflag:s29] =	ssyncset.done $0x0  }
0x82: {  	[sflag:s29] =	ssyncadd.s32 $0xFFFFFC00  }
0x83: {  	[spmem:s3] =	stream.indirect.scatter.add.f32 [tilespmem:s26], [sflag:$0x3], $0x8, s24, s25, $0xb8;
	[tilespmem:$0x1B890] =	vst v63  }
0x84: {  	_ =	swait.ge [sflag:s23], $0x400  }
0x85: {  	[sflag:s23] =	ssyncset.done $0x0  }
.Ltmp6:
0x86: {  	[sflag:s23] =	ssyncadd.s32 $0xFFFFFC00;
	(pc) =	sbr.rel .LBB2_6-.Ltmp6, $4  }
0x87: {  	[spmem:s4] =	stream.indirect.scatter.add.f32 [tilespmem:s21], [sflag:$0x2], $0x8, s24, s25, $0xb8;
	[tilespmem:$0x1B890] =	vst v63  }
0x88: {  	_ =	swait.ge [sflag:s17], $0x400  }
0x89: {  	[sflag:s17] =	ssyncset.done $0x0  }
0x8a: {  	[sflag:s17] =	ssyncadd.s32 $0xFFFFFC00  }
.LBB2_8:
0x8b: {  	_ =	sfence.sel $0x180000  }
0x8c: {  	[bflag:$0x0] =	sbarrier.arrive $0xFFFF  }
0x8d: {  	_ =	strace $0x9000004A  }
0x8e: {  	s0 =	stileid.u32;
	[bflag:$0x2] =	sbarrier.arrive $0xFFFF  }
0x8f: {  	p0 =	sne.s32 s0, $0x0;
	s0 =	rddreg [dreg:$0x4]  }
0x90: {  	s0 =	sadd.s32 @!p0 $0x100000, s0  }
0x91: {  	[sflag:s0] =	ssyncadd.tile.s32 @!p0 $0x1;
	_ =	shalt  }
.Lfunc_end2:
_tile_overlayer_lowered:
.L_overlay_start_2:
0x92: {  	(tag) =	ssettag $0x2  }
0x93: {  	s0 =	rddreg [dreg:$0x0];
	s2 =	stileid.u32  }
0x94: {  	s1 =	rddreg [dreg:$0x1];
	p0 =	sne.s32 s2, $0x0  }
0x95: {  	s3 =	rddreg [dreg:$0x2];
	[bflag:$0x3] =	sbarrier.arrive $0xFFFF;
	s2 =	simm.s32 @!p0 $0x1C02  }
0x96: {  	[timem:s3], [sflag:s2] =	dma.local @!p0 [hbm:s0], s1  }
0x97: {  	s0 =	simm.s32 @!p0 $0x2  }
0x98: {  	_ =	swait.ge @!p0 [sflag:s0], s1  }
0x99: {  	s1 =	ssub.s32 @!p0 $0x0, s1;
	[sflag:s0] =	ssyncset.done @!p0 $0x0  }
0x9a: {  	[sflag:s0] =	ssyncadd.s32 @!p0 s1  }
0x9b: {  	[bflag:$0x3] =	sbarrier.arrive $0xFFFF  }
0x9c: {  	_ =	shalt  }

// kernel: kernel.13.cloned.1.call-start
scs
__scs_entry_jumppad:
0x0: {  	(pc) =	sbr.rel $0x88, $3  }
0x1: {  	(tag) =	ssettag $0x0;
	lr =	simm.s32 $0x1  }
0x2: {  	[smem:$0x3F91] =	sst lr;
	_ =	strace $0xD0000000  }
0x3: {  	_ = 	snop  }
0x4: {  	_ = 	snop  }
0x5: {  	_ = 	snop  }
0x6: {  	_ = 	snop  }
0x7: {  	_ = 	snop  }
__scs_overlays_trampoline_lowered:
0x8: {  	[smem:$0x3FA0] =	sst s0  }
0x9: {  	[smem:$0x3FA1] =	sst s1  }
0xa: {  	[smem:$0x3FA2] =	sst s2  }
0xb: {  	[smem:$0x3FA3] =	sst s3  }
0xc: {  	[smem:$0x3FA4] =	sst s4  }
0xd: {  	[smem:$0x3FA5] =	sst s5  }
0xe: {  	[smem:$0x3FA6] =	sst s6  }
0xf: {  	[smem:$0x3FA7] =	sst s7  }
0x10: {  	[smem:$0x3FA8] =	sst s8  }
0x11: {  	[smem:$0x3FA9] =	sst s9;
	s0 =	simm.s32 @!p0 $0x0  }
0x12: {  	s1 =	sld [smem:$0x3F8F];
	s0 =	simm.s32 @p0 $0x1  }
0x13: {  	[smem:$0x3FAA] =	sst s0;
	s0 =	simm.s32 @!p1 $0x0  }
0x14: {  	s2 =	sld [smem:$0x3F8E];
	s0 =	simm.s32 @p1 $0x1  }
0x15: {  	[smem:$0x3FAB] =	sst s0;
	s0 =	simm.s32 @!p2 $0x0  }
0x16: {  	s3 =	sld [smem:$0x3FDB];
	s0 =	simm.s32 @p2 $0x1  }
0x17: {  	s4 =	simm.s32 $0x1BF5;
	[smem:$0x3FAD] =	sst s0  }
0x18: {  	s0 =	sld [smem:$0x3F90];
	_ =	swait.ge [sflag:s4], $0x0  }
0x19: {  	s7 =	sld [smem:$0x3F91]  }
0x1a: {  	s8 =	sadd.s32 $0xFFFFE003, lr  }
0x1b: {  	s9 =	sadd.s32 $0xFFFFFEF7, lr;
	s5 =	simm.s32 $0xFFFFFFFF;
	p2 =	slt.u32 s8, $0xFFFFF086  }
0x1c: {  	p1 =	slt.u32 s9, $0xF7A;
	s5 =	simm.s32 @!p2 $0x0  }
0x1d: {  	s5 =	simm.s32 @p1 $0x1;
	p0 =	seq.s32 s7, s2  }
0x1e: {  	s7 =	smul.u32 @!p0 $0xF7A, s2;
	p2 =	seq.s32 @!p0 s5, $0x0  }
0x1f: {  	s9 =	smul.u32 $0xF7A, s1;
	s8 =	simm.s32 @!p0 $0x1BF5;
	p2 =	por !p2, p0  }
0x20: {  	[sflag:s8] =	ssyncset.s32 @!p0 $0xFFFFF086;
	s6 =	sadd.s32 @!p0 s3, s7;
	s7 =	simm.s32 @!p0 $0x108  }
0x21: {  	s3 =	sadd.s32 s3, s9;
	s6 =	sadd.s32 @!p0 $0x88, s6;
	s7 =	simm.s32 @p2 $0x1082  }
0x22: {  	[simem:s7], [sflag:s8] =	dma.local @!p0 [hbm:s6], $0xF7A  }
0x23: {  	s9 =	sor.u32 $0xD0000000, s2;
	s6 =	simm.s32 $0x108;
	_ =	swait.ge @!p0 [sflag:s8], $0x0  }
0x24: {  	s3 =	sadd.s32 $0x88, s3;
	s6 =	simm.s32 @!p1 $0x1082;
	[sflag:s4] =	ssyncset.s32 $0xFFFFF086  }
0x25: {  	[simem:s6], [sflag:s4] =	dma.local [hbm:s3], $0xF7A  }
0x26: {  	[smem:$0x3F91] =	sst s1;
	(tag) =	ssettag s2;
	_ =	strace s9  }
0x27: {  	s1 =	sld [smem:$0x3FA1]  }
0x28: {  	s2 =	sld [smem:$0x3FA2]  }
0x29: {  	s4 =	sld [smem:$0x3FA4]  }
0x2a: {  	p0 =	seq.s32 s5, $0x0;
	s5 =	sld [smem:$0x3FA5]  }
0x2b: {  	s6 =	sld [smem:$0x3FA6]  }
0x2c: {  	s7 =	sld [smem:$0x3FA7]  }
0x2d: {  	s3 =	simm.s32 $0x108;
	s8 =	sld [smem:$0x3FA8]  }
0x2e: {  	s3 =	simm.s32 @!p0 $0x1082;
	s9 =	sld [smem:$0x3FA9]  }
0x2f: {  	lr =	sadd.s32 s0, s3;
	s0 =	sld [smem:$0x3FA0]  }
0x30: {  	s3 =	sld [smem:$0x3FA3]  }
0x31: {  	[smem:$0x3FAC] =	sst s10  }
0x32: {  	s10 =	sld [smem:$0x3FAA];
	_ =	sdelay $0x3  }
0x33: {  	p0 =	seq.s32 s10, $0x1;
	s10 =	sld [smem:$0x3FAC];
	_ =	sdelay $0x3  }
0x34: {  	[smem:$0x3FAC] =	sst s10  }
0x35: {  	s10 =	sld [smem:$0x3FAB];
	_ =	sdelay $0x3  }
0x36: {  	p1 =	seq.s32 s10, $0x1;
	s10 =	sld [smem:$0x3FAC];
	_ =	sdelay $0x3  }
0x37: {  	[smem:$0x3FAC] =	sst s10  }
0x38: {  	s10 =	sld [smem:$0x3FAD]  }
0x39: {  	_ = 	snop;
	(pc) =	sbr.ind lr, $3  }
0x3a: {  	_ = 	snop  }
0x3b: {  	_ = 	snop  }
0x3c: {  	p2 =	seq.s32 s10, $0x1;
	s10 =	sld [smem:$0x3FAC]  }
0x3d: {  	_ =	shalt  }
0x3e: {  	_ =	shalt  }
0x3f: {  	_ =	shalt  }
0x40: {  	_ =	shalt  }
0x41: {  	_ =	shalt  }
0x42: {  	_ =	shalt  }
0x43: {  	_ =	shalt  }
0x44: {  	_ =	shalt  }
0x45: {  	_ =	shalt  }
0x46: {  	_ =	shalt  }
0x47: {  	_ =	shalt  }
0x48: {  	_ =	shalt  }
0x49: {  	_ =	shalt  }
0x4a: {  	_ =	shalt  }
0x4b: {  	_ =	shalt  }
0x4c: {  	_ =	shalt  }
0x4d: {  	_ =	shalt  }
0x4e: {  	_ =	shalt  }
0x4f: {  	_ =	shalt  }
0x50: {  	_ =	shalt  }
0x51: {  	_ =	shalt  }
0x52: {  	_ =	shalt  }
0x53: {  	_ =	shalt  }
0x54: {  	_ =	shalt  }
0x55: {  	_ =	shalt  }
0x56: {  	_ =	shalt  }
0x57: {  	_ =	shalt  }
0x58: {  	_ =	shalt  }
0x59: {  	_ =	shalt  }
0x5a: {  	_ =	shalt  }
0x5b: {  	_ =	shalt  }
0x5c: {  	_ =	shalt  }
0x5d: {  	_ =	shalt  }
0x5e: {  	_ =	shalt  }
0x5f: {  	_ =	shalt  }
0x60: {  	_ =	shalt  }
0x61: {  	_ =	shalt  }
0x62: {  	_ =	shalt  }
0x63: {  	_ =	shalt  }
0x64: {  	_ =	shalt  }
0x65: {  	_ =	shalt  }
0x66: {  	_ =	shalt  }
0x67: {  	_ =	shalt  }
0x68: {  	_ =	shalt  }
0x69: {  	_ =	shalt  }
0x6a: {  	_ =	shalt  }
0x6b: {  	_ =	shalt  }
0x6c: {  	_ =	shalt  }
0x6d: {  	_ =	shalt  }
0x6e: {  	_ =	shalt  }
0x6f: {  	_ =	shalt  }
0x70: {  	_ =	shalt  }
0x71: {  	_ =	shalt  }
0x72: {  	_ =	shalt  }
0x73: {  	_ =	shalt  }
0x74: {  	_ =	shalt  }
0x75: {  	_ =	shalt  }
0x76: {  	_ =	shalt  }
0x77: {  	_ =	shalt  }
0x78: {  	_ =	shalt  }
0x79: {  	_ =	shalt  }
0x7a: {  	_ =	shalt  }
0x7b: {  	_ =	shalt  }
0x7c: {  	_ =	shalt  }
0x7d: {  	_ =	shalt  }
0x7e: {  	_ =	shalt  }
0x7f: {  	_ =	shalt  }
0x80: {  	_ =	shalt  }
0x81: {  	_ =	shalt  }
0x82: {  	_ =	shalt  }
0x83: {  	_ =	shalt  }
0x84: {  	_ =	shalt  }
0x85: {  	_ =	shalt  }
0x86: {  	_ =	shalt  }
0x87: {  	_ =	shalt  }
.Lfunc_end0:
.L_simem_size_0:
called_computation.2_lowered:
.L_overlay_start_0:
0x88: {  	s2 =	sld [smem:$0x3FD9]  }
0x89: {  	s3 =	sld [smem:$0x3FFE];
	_ =	sdelay $0x1  }
0x8a: {  	s1 =	srdreg.scid  }
0x8b: {  	s0 =	sand.u32 $0x1, s1  }
0x8c: {  	s16 =	sshll.u32 s0, $0xA;
	s2 =	sadd.s32 s3, s2  }
0x8d: {  	s2 =	sadd.s32 s2, s16  }
0x8e: {  	[smem:$0x3FB8] =	sst s2  }
0x8f: {  	_ = 	snop  }
0x90: {  	(tm) =	ssettm $0x1  }
0x91: {  	s17 =	sld [smem:$0x3FFB];
	_ =	sdelay $0x3  }
0x92: {  	_ =	strace s17  }
0x93: {  	s2 =	sld [smem:$0x3FFC];
	_ =	sdelay $0x3  }
0x94: {  	_ =	strace s2  }
0x95: {  	s2 =	sld [smem:$0x3FFD];
	_ =	sdelay $0x3  }
0x96: {  	_ =	strace s2  }
0x97: {  	_ =	strace $0x8FFFFFFF  }
0x98: {  	s18 =	sld [smem:$0x3FDB];
	_ =	sdelay $0x1  }
0x99: {  	s19 =	simm.s32 $_scs_section_size  }
0x9a: {  	s4 =	simm.s32 $_size__tile_overlayer_lowered;
	s5 =	simm.s32 $_tile_overlayer_lowered  }
0x9b: {  	s22 =	simm.s32 $0x1BFF;
	s21 =	sshll.u32 s5, $0x1;
	s2 =	sadd.s32 s19, s18  }
0x9c: {  	s6 =	simm.s32 $0x0;
	s20 =	sshll.u32 s4, $0x1;
	s4 =	sadd.s32 s21, s2  }
0x9d: {  	[timem:s6], [sflag:s22] =	dma.local [hbm:s4], s20  }
0x9e: {  	_ =	swait.ge [sflag:s22], s20  }
0x9f: {  	s3 =	ssub.s32 $0x0, s20;
	[sflag:s22] =	ssyncset.done $0x0  }
0xa0: {  	[sflag:s22] =	ssyncadd.s32 s3;
	_ =	sdelay $0x1  }
0xa1: {  	s23 =	simm.s32 $0x1B8B  }
0xa2: {  	_ =	swait.ge [sflag:s23], $0x1  }
0xa3: {  	[sflag:s23] =	ssyncset.done $0x0  }
0xa4: {  	s25 =	simm.s32 $0x1B8E;
	s24 =	sld [smem:$0x3FFE];
	[sflag:s23] =	ssyncadd.s32 $0xFFFFFFFF  }
0xa5: {  	s26 =	simm.s32 $execute0_lowered;
	[smem:$0x3FD2] =	sst s25  }
0xa6: {  	s4 =	sshll.u32 s26, $0x1;
	_ =	strace $0x8000004C;
	[dreg:$0x1] =	wrdreg $0xFFFFFFFF  }
0xa7: {  	s28 =	simm.s32 $_size_execute0_lowered;
	s2 =	sadd.s32 s2, s4;
	[dreg:$0x0] =	wrdreg $0x0  }
0xa8: {  	s4 =	sshll.u32 s28, $0x1;
	[dreg:$0x2] =	wrdreg s2  }
0xa9: {  	[dreg:$0x3] =	wrdreg s4  }
0xaa: {  	[dreg:$0x4] =	wrdreg $0xC0  }
0xab: {  	_ =	task [dreg:s6], $0x5FFFF  }
0xac: {  	[dreg:$0x1] =	wrdreg $0xFFFFFFFF  }
0xad: {  	[dreg:$0x0] =	wrdreg $0x60  }
0xae: {  	[dreg:$0x2] =	wrdreg s24  }
0xaf: {  	[dreg:$0x3] =	wrdreg $0x9000  }
0xb0: {  	[dreg:$0x4] =	wrdreg $0x9  }
0xb1: {  	_ =	task.clear_ibuf [dreg:s6], $0x5FFFF;
	_ =	strace $0x9000004C  }
0xb2: {  	s29 =	simm.s32 $0x9;
	_ =	strace $0x8000004E  }
0xb3: {  	_ =	swait.ge [sflag:s29], $0x1  }
0xb4: {  	[sflag:s29] =	ssyncadd.s32 $0xFFFFFFFF  }
0xb5: {  	_ =	strace $0x9000004E  }
0xb6: {  	_ =	sfence  }
0xb7: {  	s30 =	sld [smem:$0x0];
	_ =	sdelay $0x2  }
0xb8: {  	s31 =	sshll.u32 s1, $0xD;
	s1 =	sshrl.u32 s1, $0x2  }
0xb9: {  	s3 =	sand.u32 $0x4000, s31;
	s1 =	sadd.s32 s1, s30  }
0xba: {  	s0 =	sor.u32 s3, s0;
	s1 =	sshll.u32 s1, $0x11  }
0xbb: {  	s0 =	sor.u32 s1, s0  }
0xbc: {  	s0 =	sadd.s32 $0x8F2B, s0  }
0xbd: {  	[sflag:s0] =	ssyncadd.remote.s32 $0x1  }
0xbe: {  	_ =	sfence.sel $0xFFFF  }
0xbf: {  	[dreg:$0x0] =	wrdreg $0xFFFFFFFF;
	(pc) =	sbr.abs _section_cstart, $3  }
0xc0: {  	[dreg:$0x1] =	wrdreg $0xFFFFFFFF  }
0xc1: {  	_ =	task.clear_ibuf [dreg:s6], $0x2FFFF;
	_ =	strace $0x9FFFFFFF  }
0xc2: {  	(tm) =	ssettm $0x7FFFFFFF  }
0xc3: {  	_ =	shalt  }
tec
execute0_lowered:
.L_overlay_start_1:
0x0: {  	(tag) =	ssettag $0x1  }
0x1: {  	s5 =	rddreg [dreg:$0x0]  }
0x2: {  	s2 =	rddreg [dreg:$0x1]  }
0x3: {  	s0 =	rddreg [dreg:$0x2]  }
0x4: {  	s1 =	stileid.u32;
	s4 =	srdreg.scid  }
0x5: {  	s3 =	simm.s32 $0x0;
	s6 =	smul.u32 $0x18800, s1;
	s7 =	sand.u32 $0x1, s4  }
0x6: {  	[smem:$0x7FF] =	sst s3;
	s29 =	sshll.u32 s1, $0x5;
	s4 =	sadd.s32 $0x204C00, s5  }
0x7: {  	s13 =	sshll.u32 s1, $0x6;
	s8 =	smul.u32 $0x188000, s7;
	_ =	strace $0x8000004D  }
0x8: {  	s9 =	sadd.s32 s29, s5;
	s11 =	ssub.s32 $0x2, s7;
	s14 =	sshll.u32 s7, $0x4  }
0x9: {  	s7 =	sor.u32 $0x1C02, s13;
	s13 =	simm.s32 $0x2;
	s10 =	sshrl.u32 s6, $0x3  }
0xa: {  	s12 =	sshrl.u32 s11, $0x1;
	s30 =	sadd.s32 s6, s2;
	s31 =	sadd.s32 s14, s9  }
0xb: {  	s8 =	sadd.s32 s6, s8;
	s10 =	sadd.s32 s10, s5;
	s11 =	ssub.s32 s11, s12  }
0xc: {  	s12 =	sshrl.u32 s30, $0x3;
	s8 =	sshrl.u32 s8, $0x3;
	s6 =	sadd.s32 $0x235A00, s10  }
0xd: {  	s9 =	smax.u32 s11, $0x1;
	s10 =	sadd.s32 $0x1C600, s31;
	s8 =	sadd.s32 s8, s5  }
0xe: {  	s11 =	sadd.s32 $0x4D400, s31;
	s5 =	sshll.u32 s1, $0x1;
	s8 =	sadd.s32 $0x266A00, s8  }
.LBB2_1:
0xf: {  	[spmem:s12], [sflag:s7] =	dma.local [hbm:s6], $0x3100  }
0x10: {  	_ =	swait.ge [sflag:s13], $0x3100  }
0x11: {  	p0 =	sgt.u32 s5, $0x30D3;
	[sflag:s13] =	ssyncset.done $0x0  }
0x12: {  	s14 =	sadd.s32 @!p0 $0x0, s11;
	[sflag:s13] =	ssyncadd.s32 $0xFFFFCF00  }
0x13: {  	s15 =	simm.s32 @!p0 $0x0;
	s16 =	simm.s32 @!p0 $0x3;
	[bflag:$0x0] =	sbarrier.arrive $0xFFFF  }
0x14: {  	[tilespmem:s15], [sflag:$0x3] =	stream.linear.gather @!p0 [hbm4b:s14+s15], $0x80, $0x38;
	[tilespmem:$0x19100] =	vst v63  }
0x15: {  	_ =	swait.ge @!p0 [sflag:s16], $0x80;
	p0 =	por p0, p0  }
0x16: {  	[sflag:s16] =	ssyncset.done @!p0 $0x0  }
0x17: {  	s14 =	sadd.s32 @!p0 $0x0, s10;
	s17 =	simm.s32 @!p0 $0x80;
	[sflag:s16] =	ssyncadd.s32 @!p0 $0xFFFFFF80  }
0x18: {  	[tilespmem:s17], [sflag:$0x3] =	stream.linear.gather @!p0 [hbm4b:s14+s15], $0x80, $0x38;
	[tilespmem:$0x19100] =	vst v63  }
0x19: {  	_ =	swait.ge @!p0 [sflag:s16], $0x80  }
0x1a: {  	[sflag:s16] =	ssyncset.done @!p0 $0x0  }
0x1b: {  	s14 =	simm.s32 @!p0 $0x100;
	[sflag:s16] =	ssyncadd.s32 @!p0 $0xFFFFFF80;
	s16 =	simm.s32 @!p0 $0x1  }
0x1c: {  	[tilespmem:s14], [sflag:$0x1] =	stream.indirect.gather @!p0 [hbm4b:s4+s17], $0x10, s15, s17, $0xb8;
	[tilespmem:$0x19100] =	vst v63  }
0x1d: {  	_ =	swait.ge @!p0 [sflag:s16], $0x800  }
0x1e: {  	[sflag:s16] =	ssyncset.done @!p0 $0x0  }
0x1f: {  	s15 =	sadd.s32 $0x20, s5;
	[sflag:s16] =	ssyncadd.s32 @!p0 $0xFFFFF800  }
0x20: {  	[spmem:s2] =	stream.indirect.scatter.add.f32 @!p0 [tilespmem:s14], [sflag:$0x2], $0x10, s17, s17, $0xb8;
	[tilespmem:$0x19100] =	vst v63  }
0x21: {  	p2 =	sgt.u32 s15, $0x30D3;
	s17 =	simm.s32 @!p0 $0x2  }
0x22: {  	s16 =	simm.s32 $0x400;
	s14 =	simm.s32 $0x200;
	_ =	swait.ge @!p0 [sflag:s17], $0x800  }
.LBB2_2:
0x23: {  	s18 =	sadd.s32 @!p2 s14, s11  }
0x24: {  	s19 =	simm.s32 @!p2 $0x0;
	[sflag:s17] =	ssyncset.done @!p0 $0x0;
	s20 =	smov.u32 s16  }
0x25: {  	s16 =	sadd.s32 $0x200, s16;
	s21 =	simm.s32 @!p2 $0x3;
	[sflag:s17] =	ssyncadd.s32 @!p0 $0xFFFFF800  }
0x26: {  	[tilespmem:s19], [sflag:$0x3] =	stream.linear.gather @!p2 [hbm4b:s18+s19], $0x80, $0x38;
	[tilespmem:$0x19100] =	vst v63  }
0x27: {  	p1 =	sne.s32 s16, $0x30E00;
	p0 =	por p2, p2;
	_ =	swait.ge @!p2 [sflag:s21], $0x80  }
0x28: {  	[sflag:s21] =	ssyncset.done @!p0 $0x0  }
0x29: {  	s14 =	sadd.s32 @!p0 s14, s10;
	s18 =	simm.s32 @!p0 $0x80;
	[sflag:s21] =	ssyncadd.s32 @!p0 $0xFFFFFF80  }
0x2a: {  	[tilespmem:s18], [sflag:$0x3] =	stream.linear.gather @!p0 [hbm4b:s14+s19], $0x80, $0x38;
	[tilespmem:$0x19100] =	vst v63  }
0x2b: {  	s14 =	smov.u32 s20;
	_ =	swait.ge @!p0 [sflag:s21], $0x80  }
0x2c: {  	[sflag:s21] =	ssyncset.done @!p0 $0x0  }
0x2d: {  	s17 =	simm.s32 @!p0 $0x1;
	s20 =	simm.s32 @!p0 $0x100;
	[sflag:s21] =	ssyncadd.s32 @!p0 $0xFFFFFF80  }
0x2e: {  	[tilespmem:s20], [sflag:$0x1] =	stream.indirect.gather @!p0 [hbm4b:s4+s18], $0x10, s19, s18, $0xb8;
	[tilespmem:$0x19100] =	vst v63  }
.Ltmp0:
0x2f: {  	_ =	swait.ge @!p0 [sflag:s17], $0x800;
	(pc) =	sbr.rel @p1 .LBB2_2-.Ltmp0, $4  }
0x30: {  	[sflag:s17] =	ssyncset.done @!p0 $0x0  }
0x31: {  	s15 =	sadd.s32 $0x20, s15;
	[sflag:s17] =	ssyncadd.s32 @!p0 $0xFFFFF800;
	s17 =	simm.s32 @!p0 $0x2  }
0x32: {  	[spmem:s2] =	stream.indirect.scatter.add.f32 @!p0 [tilespmem:s20], [sflag:$0x2], $0x10, s18, s18, $0xb8;
	[tilespmem:$0x19100] =	vst v63  }
0x33: {  	p2 =	sgt.u32 s15, $0x30D3;
	_ =	swait.ge @!p0 [sflag:s17], $0x800  }
0x34: {  	s15 =	sadd.s32 @!p2 s14, s11;
	[sflag:s17] =	ssyncset.done @!p0 $0x0  }
0x35: {  	s16 =	simm.s32 @!p2 $0x0;
	s18 =	simm.s32 @!p2 $0x3;
	[sflag:s17] =	ssyncadd.s32 @!p0 $0xFFFFF800  }
0x36: {  	[tilespmem:s16], [sflag:$0x3] =	stream.linear.gather @!p2 [hbm4b:s15+s16], $0x80, $0x38;
	[tilespmem:$0x19100] =	vst v63  }
0x37: {  	p0 =	por p2, p2;
	_ =	swait.ge @!p2 [sflag:s18], $0x80  }
0x38: {  	[sflag:s18] =	ssyncset.done @!p0 $0x0  }
0x39: {  	s14 =	sadd.s32 @!p0 s14, s10;
	s15 =	simm.s32 @!p0 $0x80;
	[sflag:s18] =	ssyncadd.s32 @!p0 $0xFFFFFF80  }
0x3a: {  	[tilespmem:s15], [sflag:$0x3] =	stream.linear.gather @!p0 [hbm4b:s14+s16], $0x80, $0x38;
	[tilespmem:$0x19100] =	vst v63  }
0x3b: {  	_ =	swait.ge @!p0 [sflag:s18], $0x80  }
0x3c: {  	[sflag:s18] =	ssyncset.done @!p0 $0x0  }
0x3d: {  	s17 =	simm.s32 @!p0 $0x1;
	s14 =	simm.s32 @!p0 $0x100;
	[sflag:s18] =	ssyncadd.s32 @!p0 $0xFFFFFF80  }
0x3e: {  	[tilespmem:s14], [sflag:$0x1] =	stream.indirect.gather @!p0 [hbm4b:s4+s15], $0x10, s16, s15, $0xb8;
	[tilespmem:$0x19100] =	vst v63  }
0x3f: {  	_ =	swait.ge @!p0 [sflag:s17], $0x800  }
0x40: {  	[sflag:s17] =	ssyncset.done @!p0 $0x0  }
0x41: {  	s16 =	simm.s32 @!p0 $0x2;
	[sflag:s17] =	ssyncadd.s32 @!p0 $0xFFFFF800  }
0x42: {  	[spmem:s2] =	stream.indirect.scatter.add.f32 @!p0 [tilespmem:s14], [sflag:$0x2], $0x10, s15, s15, $0xb8;
	[tilespmem:$0x19100] =	vst v63  }
0x43: {  	_ =	swait.ge @!p0 [sflag:s16], $0x800  }
0x44: {  	s3 =	sadd.s32 $0x1, s3;
	[sflag:s16] =	ssyncset.done @!p0 $0x0  }
0x45: {  	[sflag:s16] =	ssyncadd.s32 @!p0 $0xFFFFF800;
	p0 =	sne.s32 s3, s9  }
.Ltmp1:
0x46: {  	[bflag:$0x0] =	sbarrier.arrive $0xFFFF;
	(pc) =	sbr.rel @p0 .LBB2_1-.Ltmp1, $4  }
0x47: {  	[hbm:s8], [sflag:s7] =	dma.local [spmem:s12], $0x3100  }
0x48: {  	_ =	swait.ge [sflag:s13], $0x3100  }
0x49: {  	[sflag:s13] =	ssyncset.done $0x0  }
0x4a: {  	[sflag:s13] =	ssyncadd.s32 $0xFFFFCF00  }
0x4b: {  	_ =	sfence.sel $0x180000  }
0x4c: {  	[bflag:$0x0] =	sbarrier.arrive $0xFFFF  }
0x4d: {  	p0 =	sne.s32 s1, $0x0;
	_ =	strace $0x9000004D  }
0x4e: {  	s0 =	sadd.s32 @!p0 $0x100000, s0;
	[bflag:$0x2] =	sbarrier.arrive $0xFFFF  }
0x4f: {  	[sflag:s0] =	ssyncadd.tile.s32 @!p0 $0x1;
	_ =	shalt  }
.Lfunc_end2:
_tile_overlayer_lowered:
.L_overlay_start_2:
0x50: {  	(tag) =	ssettag $0x2  }
0x51: {  	s0 =	rddreg [dreg:$0x0];
	s2 =	stileid.u32  }
0x52: {  	s1 =	rddreg [dreg:$0x1];
	p0 =	sne.s32 s2, $0x0  }
0x53: {  	s3 =	rddreg [dreg:$0x2];
	[bflag:$0x3] =	sbarrier.arrive $0xFFFF;
	s2 =	simm.s32 @!p0 $0x1C02  }
0x54: {  	[timem:s3], [sflag:s2] =	dma.local @!p0 [hbm:s0], s1  }
0x55: {  	s0 =	simm.s32 @!p0 $0x2  }
0x56: {  	_ =	swait.ge @!p0 [sflag:s0], s1  }
0x57: {  	s1 =	ssub.s32 @!p0 $0x0, s1;
	[sflag:s0] =	ssyncset.done @!p0 $0x0  }
0x58: {  	[sflag:s0] =	ssyncadd.s32 @!p0 s1  }
0x59: {  	[bflag:$0x3] =	sbarrier.arrive $0xFFFF  }
0x5a: {  	_ =	shalt  }

// kernel: kernel.7.cloned.1.call-start
scs
__scs_entry_jumppad:
0x0: {  	(pc) =	sbr.rel $0x88, $3  }
0x1: {  	(tag) =	ssettag $0x0;
	lr =	simm.s32 $0x1  }
0x2: {  	[smem:$0x3F91] =	sst lr;
	_ =	strace $0xD0000000  }
0x3: {  	_ = 	snop  }
0x4: {  	_ = 	snop  }
0x5: {  	_ = 	snop  }
0x6: {  	_ = 	snop  }
0x7: {  	_ = 	snop  }
__scs_overlays_trampoline_lowered:
0x8: {  	[smem:$0x3FA0] =	sst s0  }
0x9: {  	[smem:$0x3FA1] =	sst s1  }
0xa: {  	[smem:$0x3FA2] =	sst s2  }
0xb: {  	[smem:$0x3FA3] =	sst s3  }
0xc: {  	[smem:$0x3FA4] =	sst s4  }
0xd: {  	[smem:$0x3FA5] =	sst s5  }
0xe: {  	[smem:$0x3FA6] =	sst s6  }
0xf: {  	[smem:$0x3FA7] =	sst s7  }
0x10: {  	[smem:$0x3FA8] =	sst s8  }
0x11: {  	[smem:$0x3FA9] =	sst s9;
	s0 =	simm.s32 @!p0 $0x0  }
0x12: {  	s1 =	sld [smem:$0x3F8F];
	s0 =	simm.s32 @p0 $0x1  }
0x13: {  	[smem:$0x3FAA] =	sst s0;
	s0 =	simm.s32 @!p1 $0x0  }
0x14: {  	s2 =	sld [smem:$0x3F8E];
	s0 =	simm.s32 @p1 $0x1  }
0x15: {  	[smem:$0x3FAB] =	sst s0;
	s0 =	simm.s32 @!p2 $0x0  }
0x16: {  	s3 =	sld [smem:$0x3FDB];
	s0 =	simm.s32 @p2 $0x1  }
0x17: {  	s4 =	simm.s32 $0x1BF5;
	[smem:$0x3FAD] =	sst s0  }
0x18: {  	s0 =	sld [smem:$0x3F90];
	_ =	swait.ge [sflag:s4], $0x0  }
0x19: {  	s7 =	sld [smem:$0x3F91]  }
0x1a: {  	s8 =	sadd.s32 $0xFFFFE003, lr  }
0x1b: {  	s9 =	sadd.s32 $0xFFFFFEF7, lr;
	s5 =	simm.s32 $0xFFFFFFFF;
	p2 =	slt.u32 s8, $0xFFFFF086  }
0x1c: {  	p1 =	slt.u32 s9, $0xF7A;
	s5 =	simm.s32 @!p2 $0x0  }
0x1d: {  	s5 =	simm.s32 @p1 $0x1;
	p0 =	seq.s32 s7, s2  }
0x1e: {  	s7 =	smul.u32 @!p0 $0xF7A, s2;
	p2 =	seq.s32 @!p0 s5, $0x0  }
0x1f: {  	s9 =	smul.u32 $0xF7A, s1;
	s8 =	simm.s32 @!p0 $0x1BF5;
	p2 =	por !p2, p0  }
0x20: {  	[sflag:s8] =	ssyncset.s32 @!p0 $0xFFFFF086;
	s6 =	sadd.s32 @!p0 s3, s7;
	s7 =	simm.s32 @!p0 $0x108  }
0x21: {  	s3 =	sadd.s32 s3, s9;
	s6 =	sadd.s32 @!p0 $0x88, s6;
	s7 =	simm.s32 @p2 $0x1082  }
0x22: {  	[simem:s7], [sflag:s8] =	dma.local @!p0 [hbm:s6], $0xF7A  }
0x23: {  	s9 =	sor.u32 $0xD0000000, s2;
	s6 =	simm.s32 $0x108;
	_ =	swait.ge @!p0 [sflag:s8], $0x0  }
0x24: {  	s3 =	sadd.s32 $0x88, s3;
	s6 =	simm.s32 @!p1 $0x1082;
	[sflag:s4] =	ssyncset.s32 $0xFFFFF086  }
0x25: {  	[simem:s6], [sflag:s4] =	dma.local [hbm:s3], $0xF7A  }
0x26: {  	[smem:$0x3F91] =	sst s1;
	(tag) =	ssettag s2;
	_ =	strace s9  }
0x27: {  	s1 =	sld [smem:$0x3FA1]  }
0x28: {  	s2 =	sld [smem:$0x3FA2]  }
0x29: {  	s4 =	sld [smem:$0x3FA4]  }
0x2a: {  	p0 =	seq.s32 s5, $0x0;
	s5 =	sld [smem:$0x3FA5]  }
0x2b: {  	s6 =	sld [smem:$0x3FA6]  }
0x2c: {  	s7 =	sld [smem:$0x3FA7]  }
0x2d: {  	s3 =	simm.s32 $0x108;
	s8 =	sld [smem:$0x3FA8]  }
0x2e: {  	s3 =	simm.s32 @!p0 $0x1082;
	s9 =	sld [smem:$0x3FA9]  }
0x2f: {  	lr =	sadd.s32 s0, s3;
	s0 =	sld [smem:$0x3FA0]  }
0x30: {  	s3 =	sld [smem:$0x3FA3]  }
0x31: {  	[smem:$0x3FAC] =	sst s10  }
0x32: {  	s10 =	sld [smem:$0x3FAA];
	_ =	sdelay $0x3  }
0x33: {  	p0 =	seq.s32 s10, $0x1;
	s10 =	sld [smem:$0x3FAC];
	_ =	sdelay $0x3  }
0x34: {  	[smem:$0x3FAC] =	sst s10  }
0x35: {  	s10 =	sld [smem:$0x3FAB];
	_ =	sdelay $0x3  }
0x36: {  	p1 =	seq.s32 s10, $0x1;
	s10 =	sld [smem:$0x3FAC];
	_ =	sdelay $0x3  }
0x37: {  	[smem:$0x3FAC] =	sst s10  }
0x38: {  	s10 =	sld [smem:$0x3FAD]  }
0x39: {  	_ = 	snop;
	(pc) =	sbr.ind lr, $3  }
0x3a: {  	_ = 	snop  }
0x3b: {  	_ = 	snop  }
0x3c: {  	p2 =	seq.s32 s10, $0x1;
	s10 =	sld [smem:$0x3FAC]  }
0x3d: {  	_ =	shalt  }
0x3e: {  	_ =	shalt  }
0x3f: {  	_ =	shalt  }
0x40: {  	_ =	shalt  }
0x41: {  	_ =	shalt  }
0x42: {  	_ =	shalt  }
0x43: {  	_ =	shalt  }
0x44: {  	_ =	shalt  }
0x45: {  	_ =	shalt  }
0x46: {  	_ =	shalt  }
0x47: {  	_ =	shalt  }
0x48: {  	_ =	shalt  }
0x49: {  	_ =	shalt  }
0x4a: {  	_ =	shalt  }
0x4b: {  	_ =	shalt  }
0x4c: {  	_ =	shalt  }
0x4d: {  	_ =	shalt  }
0x4e: {  	_ =	shalt  }
0x4f: {  	_ =	shalt  }
0x50: {  	_ =	shalt  }
0x51: {  	_ =	shalt  }
0x52: {  	_ =	shalt  }
0x53: {  	_ =	shalt  }
0x54: {  	_ =	shalt  }
0x55: {  	_ =	shalt  }
0x56: {  	_ =	shalt  }
0x57: {  	_ =	shalt  }
0x58: {  	_ =	shalt  }
0x59: {  	_ =	shalt  }
0x5a: {  	_ =	shalt  }
0x5b: {  	_ =	shalt  }
0x5c: {  	_ =	shalt  }
0x5d: {  	_ =	shalt  }
0x5e: {  	_ =	shalt  }
0x5f: {  	_ =	shalt  }
0x60: {  	_ =	shalt  }
0x61: {  	_ =	shalt  }
0x62: {  	_ =	shalt  }
0x63: {  	_ =	shalt  }
0x64: {  	_ =	shalt  }
0x65: {  	_ =	shalt  }
0x66: {  	_ =	shalt  }
0x67: {  	_ =	shalt  }
0x68: {  	_ =	shalt  }
0x69: {  	_ =	shalt  }
0x6a: {  	_ =	shalt  }
0x6b: {  	_ =	shalt  }
0x6c: {  	_ =	shalt  }
0x6d: {  	_ =	shalt  }
0x6e: {  	_ =	shalt  }
0x6f: {  	_ =	shalt  }
0x70: {  	_ =	shalt  }
0x71: {  	_ =	shalt  }
0x72: {  	_ =	shalt  }
0x73: {  	_ =	shalt  }
0x74: {  	_ =	shalt  }
0x75: {  	_ =	shalt  }
0x76: {  	_ =	shalt  }
0x77: {  	_ =	shalt  }
0x78: {  	_ =	shalt  }
0x79: {  	_ =	shalt  }
0x7a: {  	_ =	shalt  }
0x7b: {  	_ =	shalt  }
0x7c: {  	_ =	shalt  }
0x7d: {  	_ =	shalt  }
0x7e: {  	_ =	shalt  }
0x7f: {  	_ =	shalt  }
0x80: {  	_ =	shalt  }
0x81: {  	_ =	shalt  }
0x82: {  	_ =	shalt  }
0x83: {  	_ =	shalt  }
0x84: {  	_ =	shalt  }
0x85: {  	_ =	shalt  }
0x86: {  	_ =	shalt  }
0x87: {  	_ =	shalt  }
.Lfunc_end0:
.L_simem_size_0:
called_computation_lowered:
.L_overlay_start_0:
0x88: {  	s2 =	sld [smem:$0x3FD9]  }
0x89: {  	s3 =	sld [smem:$0x3FFE];
	_ =	sdelay $0x1  }
0x8a: {  	s1 =	srdreg.scid  }
0x8b: {  	s0 =	sand.u32 $0x1, s1  }
0x8c: {  	s17 =	sshll.u32 s0, $0xA;
	s2 =	sadd.s32 s3, s2  }
0x8d: {  	s2 =	sadd.s32 s2, s17  }
0x8e: {  	[smem:$0x3FB8] =	sst s2  }
0x8f: {  	_ = 	snop  }
0x90: {  	s2 =	sld [smem:$0x3FC8];
	(tm) =	ssettm $0x1  }
0x91: {  	s18 =	sld [smem:$0x3FFB];
	_ =	sdelay $0x3  }
0x92: {  	_ =	strace s18  }
0x93: {  	s3 =	sld [smem:$0x3FFC];
	_ =	sdelay $0x3  }
0x94: {  	_ =	strace s3  }
0x95: {  	s3 =	sld [smem:$0x3FFD];
	_ =	sdelay $0x3  }
0x96: {  	_ =	strace s3  }
0x97: {  	_ =	strace $0x8FFFFFFF  }
0x98: {  	s19 =	sld [smem:$0x3FDB];
	_ =	sdelay $0x1  }
0x99: {  	s4 =	simm.s32 $_scs_section_size  }
0x9a: {  	s5 =	simm.s32 $_size__tile_overlayer_lowered;
	s6 =	simm.s32 $_tile_overlayer_lowered  }
0x9b: {  	s22 =	simm.s32 $0x1BFF;
	s21 =	sshll.u32 s6, $0x1;
	s3 =	sadd.s32 s4, s19  }
0x9c: {  	s7 =	simm.s32 $0x0;
	s20 =	sshll.u32 s5, $0x1;
	s5 =	sadd.s32 s21, s3  }
0x9d: {  	[timem:s7], [sflag:s22] =	dma.local [hbm:s5], s20  }
0x9e: {  	_ =	swait.ge [sflag:s22], s20  }
0x9f: {  	s4 =	ssub.s32 $0x0, s20;
	[sflag:s22] =	ssyncset.done $0x0  }
0xa0: {  	[sflag:s22] =	ssyncadd.s32 s4;
	_ =	sdelay $0x1  }
0xa1: {  	s23 =	simm.s32 $0x1B8B  }
0xa2: {  	_ =	swait.ge [sflag:s23], $0x1  }
0xa3: {  	[sflag:s23] =	ssyncset.done $0x0  }
0xa4: {  	s25 =	simm.s32 $0x1B8E;
	s24 =	sld [smem:$0x3FFE];
	[sflag:s23] =	ssyncadd.s32 $0xFFFFFFFF  }
0xa5: {  	s26 =	simm.s32 $execute0_lowered;
	[smem:$0x3FD2] =	sst s25  }
0xa6: {  	s5 =	sshll.u32 s26, $0x1;
	_ =	strace $0x80000046;
	[dreg:$0x1] =	wrdreg $0xFFFFFFFF  }
0xa7: {  	s28 =	simm.s32 $_size_execute0_lowered;
	s3 =	sadd.s32 s3, s5;
	[dreg:$0x0] =	wrdreg $0x0  }
0xa8: {  	s5 =	sshll.u32 s28, $0x1;
	[dreg:$0x2] =	wrdreg s3  }
0xa9: {  	[dreg:$0x3] =	wrdreg s5  }
0xaa: {  	[dreg:$0x4] =	wrdreg $0xC0  }
0xab: {  	_ =	task [dreg:s7], $0x5FFFF  }
0xac: {  	[dreg:$0x1] =	wrdreg $0xFFFFFFFF  }
0xad: {  	[dreg:$0x0] =	wrdreg $0x60  }
0xae: {  	[dreg:$0x2] =	wrdreg s24  }
0xaf: {  	[dreg:$0x3] =	wrdreg s2  }
0xb0: {  	[dreg:$0x4] =	wrdreg $0x9  }
0xb1: {  	_ =	task.clear_ibuf [dreg:s7], $0x5FFFF;
	_ =	strace $0x90000046  }
0xb2: {  	s29 =	simm.s32 $0x9;
	_ =	strace $0x80000048  }
0xb3: {  	_ =	swait.ge [sflag:s29], $0x1  }
0xb4: {  	[sflag:s29] =	ssyncadd.s32 $0xFFFFFFFF  }
0xb5: {  	_ =	strace $0x90000048  }
0xb6: {  	_ =	sfence  }
0xb7: {  	s30 =	sld [smem:$0x0];
	_ =	sdelay $0x2  }
0xb8: {  	s31 =	sshll.u32 s1, $0xD;
	s1 =	sshrl.u32 s1, $0x2  }
0xb9: {  	s3 =	sand.u32 $0x4000, s31;
	s1 =	sadd.s32 s1, s30  }
0xba: {  	s0 =	sor.u32 s3, s0;
	s1 =	sshll.u32 s1, $0x11  }
0xbb: {  	s0 =	sor.u32 s1, s0  }
0xbc: {  	s0 =	sadd.s32 $0x8F2B, s0  }
0xbd: {  	[sflag:s0] =	ssyncadd.remote.s32 $0x1  }
0xbe: {  	_ =	sfence.sel $0xFFFF  }
0xbf: {  	[dreg:$0x0] =	wrdreg $0xFFFFFFFF;
	(pc) =	sbr.abs _section_cstart, $3  }
0xc0: {  	[dreg:$0x1] =	wrdreg $0xFFFFFFFF  }
0xc1: {  	_ =	task.clear_ibuf [dreg:s7], $0x2FFFF;
	_ =	strace $0x9FFFFFFF  }
0xc2: {  	(tm) =	ssettm $0x7FFFFFFF  }
0xc3: {  	_ =	shalt  }
tec
execute0_lowered:
.L_overlay_start_1:
0x0: {  	(tag) =	ssettag $0x1  }
0x1: {  	v0 =	vimm.s32 $0xD0C0B0A;
	v1 =	vimm.s32 $0x13121110  }
0x2: {  	v2 =	vimm.s32 $0x98543210;
	vm0 =	vcmask $0x1F10;
	v3 =	vimm.s32 $0x29282524  }
0x3: {  	v4 =	vimm.s32 $0x19181514;
	v5 =	vimm.s32 $0x1D1C1B1A;
	v6 =	vimm.s32 $0x3D3C3B3A  }
0x4: {  	v7 =	vimm.s32 $0x43424140;
	v8 =	vimm.s32 $0x49484544;
	v9 =	vimm.s32 $0x63626160  }
0x5: {  	v10 =	vimm.s32 $0x69686564;
	v11 =	vimm.s32 $0x89888584;
	v12 =	vimm.s32 $0xA3A2A1A0  }
0x6: {  	v13 =	vimm.s32 $0xA9A8A5A4;
	v14 =	vimm.s32 $0x99989594;
	v15 =	vimm.s32 $0x9D9C9B9A  }
0x7: {  	vm11 =	vcmask $0x300;
	vm12 =	vcmask $0x704;
	vm13 =	vcmask $0xB08  }
0x8: {  	vm14 =	vcmask $0xF0C;
	vm10 =	vcmask $0x1310;
	vm9 =	vcmask $0x1714  }
0x9: {  	vm8 =	vcmask $0x1B18;
	vm1 =	vcmask $0x1F1C;
	vm15 =	vcmask $0x2320  }
0xa: {  	vm2 =	vcmask $0x2724;
	vm3 =	vcmask $0x2B28;
	vm4 =	vcmask $0x2F2C  }
0xb: {  	vm6 =	vcmask $0x3330;
	vm7 =	vcmask $0x3734;
	vm5 =	vcmask $0x3B38  }
0xc: {  	v16 =	vimm.s32 $0x169;
	v17 =	vimm.s32 $0x17D;
	v18 =	vimm.s32 $0x193  }
0xd: {  	v19 =	vimm.s32 $0x1A9;
	v20 =	vimm.s32 $0x1BD;
	v21 =	vimm.s32 $0x1D3  }
0xe: {  	v22 =	vimm.s32 $0x1E9;
	v23 =	vimm.s32 $0x1FD;
	v24 =	vimm.s32 $0x213  }
0xf: {  	v25 =	vimm.s32 $0x229;
	v26 =	vimm.s32 $0x23D;
	v27 =	vimm.s32 $0x253  }
0x10: {  	v28 =	vimm.s32 $0x269;
	v29 =	vimm.s32 $0x27D;
	v30 =	vimm.s32 $0x293  }
0x11: {  	v31 =	vimm.s32 $0x2A9;
	v32 =	vimm.s32 $0x2BD;
	v33 =	vimm.s32 $0x2D3  }
0x12: {  	v34 =	vimm.s32 $0x2E9;
	v35 =	vimm.s32 $0x2FD;
	v36 =	vimm.s32 $0x313  }
0x13: {  	v37 =	vimm.s32 $0x329;
	v38 =	vimm.s32 $0x33D;
	v39 =	vimm.s32 $0x353  }
0x14: {  	v40 =	vimm.s32 $0x369;
	v41 =	vimm.s32 $0x37D;
	v42 =	vimm.s32 $0x393  }
0x15: {  	v43 =	vimm.s32 $0x3A9;
	v44 =	vimm.s32 $0x3BD;
	v45 =	vimm.s32 $0x3D3  }
0x16: {  	v46 =	vimm.s32 $0x3E9;
	v47 =	vimm.s32 $0x3FD;
	v63 =	vlaneseq.u32  }
0x17: {  	v51 =	vimm.f32 $0.0e+00;
	v0 =	vunpack.c.0.s8.s32 v0;
	v1 =	vunpack.c.0.s8.s32 v1  }
0x18: {  	v2 =	vunpack.c.l.s4.s8 v2;
	v3 =	vunpack.c.0.s8.s32 v3;
	v4 =	vunpack.c.0.s8.s32 v4  }
0x19: {  	v5 =	vunpack.c.0.s8.s32 v5;
	v7 =	vunpack.c.0.s8.s32 v7;
	v8 =	vunpack.c.0.s8.s32 v8  }
0x1a: {  	v11 =	vunpack.c.0.s8.s32 v11;
	v12 =	vunpack.c.0.s8.s32 v12;
	v13 =	vunpack.c.0.s8.s32 v13  }
0x1b: {  	v14 =	vunpack.c.0.s8.s32 v14;
	v15 =	vunpack.c.0.s8.s32 v15;
	v16 =	vsel vm11, $0x154, v16  }
0x1c: {  	v17 =	vsel vm11, $0x16A, v17;
	v18 =	vsel vm11, $0x180, v18;
	v19 =	vsel vm11, $0x194, v19  }
0x1d: {  	v20 =	vsel vm11, $0x1AA, v20;
	v21 =	vsel vm11, $0x1C0, v21;
	v22 =	vsel vm11, $0x1D4, v22  }
0x1e: {  	v23 =	vsel vm11, $0x1EA, v23;
	v24 =	vsel vm11, $0x200, v24;
	v25 =	vsel vm11, $0x214, v25  }
0x1f: {  	v26 =	vsel vm11, $0x22A, v26;
	v27 =	vsel vm11, $0x240, v27;
	v28 =	vsel vm11, $0x254, v28  }
0x20: {  	v29 =	vsel vm11, $0x26A, v29;
	v30 =	vsel vm11, $0x280, v30;
	v31 =	vsel vm11, $0x294, v31  }
0x21: {  	v32 =	vsel vm11, $0x2AA, v32;
	v33 =	vsel vm11, $0x2C0, v33;
	v34 =	vsel vm11, $0x2D4, v34  }
0x22: {  	v35 =	vsel vm11, $0x2EA, v35;
	v36 =	vsel vm11, $0x300, v36;
	v37 =	vsel vm11, $0x314, v37  }
0x23: {  	v38 =	vsel vm11, $0x32A, v38;
	v39 =	vsel vm11, $0x340, v39;
	v40 =	vsel vm11, $0x354, v40  }
0x24: {  	v41 =	vsel vm11, $0x36A, v41;
	v42 =	vsel vm11, $0x380, v42;
	v43 =	vsel vm11, $0x394, v43  }
0x25: {  	v44 =	vsel vm11, $0x3AA, v44;
	v45 =	vsel vm11, $0x3C0, v45;
	v46 =	vsel vm11, $0x3D4, v46  }
0x26: {  	v47 =	vsel vm11, $0x3EA, v47;
	v16 =	vsel vm12, $0x155, v16;
	v17 =	vsel vm12, $0x16B, v17  }
0x27: {  	v18 =	vsel vm12, $0x181, v18;
	v19 =	vsel vm12, $0x195, v19;
	v20 =	vsel vm12, $0x1AB, v20  }
0x28: {  	v21 =	vsel vm12, $0x1C1, v21;
	v22 =	vsel vm12, $0x1D5, v22;
	v23 =	vsel vm12, $0x1EB, v23  }
0x29: {  	v24 =	vsel vm12, $0x201, v24;
	v25 =	vsel vm12, $0x215, v25;
	v26 =	vsel vm12, $0x22B, v26  }
0x2a: {  	v27 =	vsel vm12, $0x241, v27;
	v28 =	vsel vm12, $0x255, v28;
	v29 =	vsel vm12, $0x26B, v29  }
0x2b: {  	v30 =	vsel vm12, $0x281, v30;
	v31 =	vsel vm12, $0x295, v31;
	v32 =	vsel vm12, $0x2AB, v32  }
0x2c: {  	v33 =	vsel vm12, $0x2C1, v33;
	v34 =	vsel vm12, $0x2D5, v34;
	v35 =	vsel vm12, $0x2EB, v35  }
0x2d: {  	v36 =	vsel vm12, $0x301, v36;
	v37 =	vsel vm12, $0x315, v37;
	v38 =	vsel vm12, $0x32B, v38  }
0x2e: {  	v39 =	vsel vm12, $0x341, v39;
	v40 =	vsel vm12, $0x355, v40;
	v41 =	vsel vm12, $0x36B, v41  }
0x2f: {  	v42 =	vsel vm12, $0x381, v42;
	v43 =	vsel vm12, $0x395, v43;
	v44 =	vsel vm12, $0x3AB, v44  }
0x30: {  	v45 =	vsel vm12, $0x3C1, v45;
	v46 =	vsel vm12, $0x3D5, v46;
	v47 =	vsel vm12, $0x3EB, v47  }
0x31: {  	v0 =	vsel vm0, v1, v0;
	v1 =	vimm.s32 $0x23222120;
	v2 =	vunpack.c.0.s8.s32 v2  }
0x32: {  	v4 =	vsel vm0, v5, v4;
	v5 =	vunpack.c.0.s8.s32 v6;
	v6 =	vimm.s32 $0x53525150  }
0x33: {  	v16 =	vsel vm13, $0x158, v16;
	v17 =	vsel vm13, $0x16C, v17;
	v18 =	vsel vm13, $0x182, v18  }
0x34: {  	v19 =	vsel vm13, $0x198, v19;
	v20 =	vsel vm13, $0x1AC, v20;
	v21 =	vsel vm13, $0x1C2, v21  }
0x35: {  	v22 =	vsel vm13, $0x1D8, v22;
	v23 =	vsel vm13, $0x1EC, v23;
	v24 =	vsel vm13, $0x202, v24  }
0x36: {  	v25 =	vsel vm13, $0x218, v25;
	v26 =	vsel vm13, $0x22C, v26;
	v27 =	vsel vm13, $0x242, v27  }
0x37: {  	v28 =	vsel vm13, $0x258, v28;
	v29 =	vsel vm13, $0x26C, v29;
	v30 =	vsel vm13, $0x282, v30  }
0x38: {  	v31 =	vsel vm13, $0x298, v31;
	v32 =	vsel vm13, $0x2AC, v32;
	v33 =	vsel vm13, $0x2C2, v33  }
0x39: {  	v34 =	vsel vm13, $0x2D8, v34;
	v35 =	vsel vm13, $0x2EC, v35;
	v36 =	vsel vm13, $0x302, v36  }
0x3a: {  	v37 =	vsel vm13, $0x318, v37;
	v38 =	vsel vm13, $0x32C, v38;
	v39 =	vsel vm13, $0x342, v39  }
0x3b: {  	v40 =	vsel vm13, $0x358, v40;
	v41 =	vsel vm13, $0x36C, v41;
	v42 =	vsel vm13, $0x382, v42  }
0x3c: {  	v43 =	vsel vm13, $0x398, v43;
	v44 =	vsel vm13, $0x3AC, v44;
	v45 =	vsel vm13, $0x3C2, v45  }
0x3d: {  	v46 =	vsel vm13, $0x3D8, v46;
	v47 =	vsel vm13, $0x3EC, v47;
	v1 =	vunpack.c.0.s8.s32 v1  }
0x3e: {  	v6 =	vunpack.c.0.s8.s32 v6;
	v16 =	vsel vm14, $0x159, v16;
	v17 =	vsel vm14, $0x16D, v17  }
0x3f: {  	v18 =	vsel vm14, $0x183, v18;
	v19 =	vsel vm14, $0x199, v19;
	v20 =	vsel vm14, $0x1AD, v20  }
0x40: {  	v21 =	vsel vm14, $0x1C3, v21;
	v22 =	vsel vm14, $0x1D9, v22;
	v23 =	vsel vm14, $0x1ED, v23  }
0x41: {  	v24 =	vsel vm14, $0x203, v24;
	v25 =	vsel vm14, $0x219, v25;
	v26 =	vsel vm14, $0x22D, v26  }
0x42: {  	v27 =	vsel vm14, $0x243, v27;
	v28 =	vsel vm14, $0x259, v28;
	v29 =	vsel vm14, $0x26D, v29  }
0x43: {  	v30 =	vsel vm14, $0x283, v30;
	v31 =	vsel vm14, $0x299, v31;
	v32 =	vsel vm14, $0x2AD, v32  }
0x44: {  	v33 =	vsel vm14, $0x2C3, v33;
	v34 =	vsel vm14, $0x2D9, v34;
	v35 =	vsel vm14, $0x2ED, v35  }
0x45: {  	v36 =	vsel vm14, $0x303, v36;
	v37 =	vsel vm14, $0x319, v37;
	v38 =	vsel vm14, $0x32D, v38  }
0x46: {  	v39 =	vsel vm14, $0x343, v39;
	v40 =	vsel vm14, $0x359, v40;
	v41 =	vsel vm14, $0x36D, v41  }
0x47: {  	v42 =	vsel vm14, $0x383, v42;
	v43 =	vsel vm14, $0x399, v43;
	v44 =	vsel vm14, $0x3AD, v44  }
0x48: {  	v45 =	vsel vm14, $0x3C3, v45;
	v46 =	vsel vm14, $0x3D9, v46;
	v47 =	vsel vm14, $0x3ED, v47  }
0x49: {  	v2 =	vand.u32 $0xF, v2;
	v16 =	vsel vm10, $0x15A, v16;
	v17 =	vsel vm10, $0x170, v17  }
0x4a: {  	v18 =	vsel vm10, $0x184, v18;
	v19 =	vsel vm10, $0x19A, v19;
	v20 =	vsel vm10, $0x1B0, v20  }
0x4b: {  	v21 =	vsel vm10, $0x1C4, v21;
	v22 =	vsel vm10, $0x1DA, v22;
	v23 =	vsel vm10, $0x1F0, v23  }
0x4c: {  	v24 =	vsel vm10, $0x204, v24;
	v25 =	vsel vm10, $0x21A, v25;
	v26 =	vsel vm10, $0x230, v26  }
0x4d: {  	v27 =	vsel vm10, $0x244, v27;
	v28 =	vsel vm10, $0x25A, v28;
	v29 =	vsel vm10, $0x270, v29  }
0x4e: {  	v30 =	vsel vm10, $0x284, v30;
	v31 =	vsel vm10, $0x29A, v31;
	v32 =	vsel vm10, $0x2B0, v32  }
0x4f: {  	v33 =	vsel vm10, $0x2C4, v33;
	v34 =	vsel vm10, $0x2DA, v34;
	v35 =	vsel vm10, $0x2F0, v35  }
0x50: {  	v36 =	vsel vm10, $0x304, v36;
	v37 =	vsel vm10, $0x31A, v37;
	v38 =	vsel vm10, $0x330, v38  }
0x51: {  	v39 =	vsel vm10, $0x344, v39;
	v40 =	vsel vm10, $0x35A, v40;
	v41 =	vsel vm10, $0x370, v41  }
0x52: {  	v42 =	vsel vm10, $0x384, v42;
	v43 =	vsel vm10, $0x39A, v43;
	v44 =	vsel vm10, $0x3B0, v44  }
0x53: {  	v45 =	vsel vm10, $0x3C4, v45;
	v46 =	vsel vm10, $0x3DA, v46;
	v47 =	vsel vm10, $0x3F0, v47  }
0x54: {  	v1 =	vsel vm0, v3, v1;
	v3 =	vimm.s32 $0x39383534;
	v0 =	vcombine.low v2, v0  }
0x55: {  	v16 =	vsel vm9, $0x15B, v16;
	v17 =	vsel vm9, $0x171, v17;
	v18 =	vsel vm9, $0x185, v18  }
0x56: {  	v19 =	vsel vm9, $0x19B, v19;
	v20 =	vsel vm9, $0x1B1, v20;
	v21 =	vsel vm9, $0x1C5, v21  }
0x57: {  	v22 =	vsel vm9, $0x1DB, v22;
	v23 =	vsel vm9, $0x1F1, v23;
	v24 =	vsel vm9, $0x205, v24  }
0x58: {  	v25 =	vsel vm9, $0x21B, v25;
	v26 =	vsel vm9, $0x231, v26;
	v27 =	vsel vm9, $0x245, v27  }
0x59: {  	v28 =	vsel vm9, $0x25B, v28;
	v29 =	vsel vm9, $0x271, v29;
	v30 =	vsel vm9, $0x285, v30  }
0x5a: {  	v31 =	vsel vm9, $0x29B, v31;
	v32 =	vsel vm9, $0x2B1, v32;
	v33 =	vsel vm9, $0x2C5, v33  }
0x5b: {  	v34 =	vsel vm9, $0x2DB, v34;
	v35 =	vsel vm9, $0x2F1, v35;
	v36 =	vsel vm9, $0x305, v36  }
0x5c: {  	v37 =	vsel vm9, $0x31B, v37;
	v38 =	vsel vm9, $0x331, v38;
	v39 =	vsel vm9, $0x345, v39  }
0x5d: {  	v40 =	vsel vm9, $0x35B, v40;
	v41 =	vsel vm9, $0x371, v41;
	v42 =	vsel vm9, $0x385, v42  }
0x5e: {  	v43 =	vsel vm9, $0x39B, v43;
	v44 =	vsel vm9, $0x3B1, v44;
	v45 =	vsel vm9, $0x3C5, v45  }
0x5f: {  	v46 =	vsel vm9, $0x3DB, v46;
	v47 =	vsel vm9, $0x3F1, v47;
	v3 =	vunpack.c.0.s8.s32 v3  }
0x60: {  	v16 =	vsel vm8, $0x15C, v16;
	v17 =	vsel vm8, $0x172, v17;
	v18 =	vsel vm8, $0x188, v18  }
0x61: {  	v19 =	vsel vm8, $0x19C, v19;
	v20 =	vsel vm8, $0x1B2, v20;
	v21 =	vsel vm8, $0x1C8, v21  }
0x62: {  	v22 =	vsel vm8, $0x1DC, v22;
	v23 =	vsel vm8, $0x1F2, v23;
	v24 =	vsel vm8, $0x208, v24  }
0x63: {  	v25 =	vsel vm8, $0x21C, v25;
	v26 =	vsel vm8, $0x232, v26;
	v27 =	vsel vm8, $0x248, v27  }
0x64: {  	v28 =	vsel vm8, $0x25C, v28;
	v29 =	vsel vm8, $0x272, v29;
	v30 =	vsel vm8, $0x288, v30  }
0x65: {  	v31 =	vsel vm8, $0x29C, v31;
	v32 =	vsel vm8, $0x2B2, v32;
	v33 =	vsel vm8, $0x2C8, v33  }
0x66: {  	v34 =	vsel vm8, $0x2DC, v34;
	v35 =	vsel vm8, $0x2F2, v35;
	v36 =	vsel vm8, $0x308, v36  }
0x67: {  	v37 =	vsel vm8, $0x31C, v37;
	v38 =	vsel vm8, $0x332, v38;
	v39 =	vsel vm8, $0x348, v39  }
0x68: {  	v40 =	vsel vm8, $0x35C, v40;
	v41 =	vsel vm8, $0x372, v41;
	v42 =	vsel vm8, $0x388, v42  }
0x69: {  	v43 =	vsel vm8, $0x39C, v43;
	v44 =	vsel vm8, $0x3B2, v44;
	v45 =	vsel vm8, $0x3C8, v45  }
0x6a: {  	v46 =	vsel vm8, $0x3DC, v46;
	v47 =	vsel vm8, $0x3F2, v47;
	[tilespmem:$0x1FFD0] =	vst v0;
	v0 =	vcombine.low v4, v1  }
0x6b: {  	v4 =	vimm.s32 $0x33323130;
	v16 =	vsel vm1, $0x15D, v16;
	v17 =	vsel vm1, $0x173, v17  }
0x6c: {  	v18 =	vsel vm1, $0x189, v18;
	v19 =	vsel vm1, $0x19D, v19;
	v20 =	vsel vm1, $0x1B3, v20  }
0x6d: {  	v21 =	vsel vm1, $0x1C9, v21;
	v22 =	vsel vm1, $0x1DD, v22;
	v23 =	vsel vm1, $0x1F3, v23  }
0x6e: {  	v24 =	vsel vm1, $0x209, v24;
	v25 =	vsel vm1, $0x21D, v25;
	v26 =	vsel vm1, $0x233, v26  }
0x6f: {  	v27 =	vsel vm1, $0x249, v27;
	v28 =	vsel vm1, $0x25D, v28;
	v29 =	vsel vm1, $0x273, v29  }
0x70: {  	v30 =	vsel vm1, $0x289, v30;
	v31 =	vsel vm1, $0x29D, v31;
	v32 =	vsel vm1, $0x2B3, v32  }
0x71: {  	v33 =	vsel vm1, $0x2C9, v33;
	v34 =	vsel vm1, $0x2DD, v34;
	v35 =	vsel vm1, $0x2F3, v35  }
0x72: {  	v36 =	vsel vm1, $0x309, v36;
	v37 =	vsel vm1, $0x31D, v37;
	v38 =	vsel vm1, $0x333, v38  }
0x73: {  	v39 =	vsel vm1, $0x349, v39;
	v40 =	vsel vm1, $0x35D, v40;
	v41 =	vsel vm1, $0x373, v41  }
0x74: {  	v42 =	vsel vm1, $0x389, v42;
	v43 =	vsel vm1, $0x39D, v43;
	v44 =	vsel vm1, $0x3B3, v44  }
0x75: {  	v45 =	vsel vm1, $0x3C9, v45;
	v46 =	vsel vm1, $0x3DD, v46;
	v47 =	vsel vm1, $0x3F3, v47  }
0x76: {  	v2 =	vsel vm0, v5, v3;
	v3 =	vimm.s32 $0x2D2C2B2A;
	v4 =	vunpack.c.0.s8.s32 v4  }
0x77: {  	v5 =	vimm.s32 $0x4D4C4B4A;
	v16 =	vsel vm15, $0x160, v16;
	v17 =	vsel vm15, $0x174, v17  }
0x78: {  	v18 =	vsel vm15, $0x18A, v18;
	v19 =	vsel vm15, $0x1A0, v19;
	v20 =	vsel vm15, $0x1B4, v20  }
0x79: {  	v21 =	vsel vm15, $0x1CA, v21;
	v22 =	vsel vm15, $0x1E0, v22;
	v23 =	vsel vm15, $0x1F4, v23  }
0x7a: {  	v24 =	vsel vm15, $0x20A, v24;
	v25 =	vsel vm15, $0x220, v25;
	v26 =	vsel vm15, $0x234, v26  }
0x7b: {  	v27 =	vsel vm15, $0x24A, v27;
	v28 =	vsel vm15, $0x260, v28;
	v29 =	vsel vm15, $0x274, v29  }
0x7c: {  	v30 =	vsel vm15, $0x28A, v30;
	v31 =	vsel vm15, $0x2A0, v31;
	v32 =	vsel vm15, $0x2B4, v32  }
0x7d: {  	v33 =	vsel vm15, $0x2CA, v33;
	v34 =	vsel vm15, $0x2E0, v34;
	v35 =	vsel vm15, $0x2F4, v35  }
0x7e: {  	v36 =	vsel vm15, $0x30A, v36;
	v37 =	vsel vm15, $0x320, v37;
	v38 =	vsel vm15, $0x334, v38  }
0x7f: {  	v39 =	vsel vm15, $0x34A, v39;
	v40 =	vsel vm15, $0x360, v40;
	v41 =	vsel vm15, $0x374, v41  }
0x80: {  	v42 =	vsel vm15, $0x38A, v42;
	v43 =	vsel vm15, $0x3A0, v43;
	v44 =	vsel vm15, $0x3B4, v44  }
0x81: {  	v45 =	vsel vm15, $0x3CA, v45;
	v46 =	vsel vm15, $0x3E0, v46;
	v47 =	vsel vm15, $0x3F4, v47  }
0x82: {  	v3 =	vunpack.c.0.s8.s32 v3;
	v5 =	vunpack.c.0.s8.s32 v5;
	v16 =	vsel vm2, $0x161, v16  }
0x83: {  	v17 =	vsel vm2, $0x175, v17;
	v18 =	vsel vm2, $0x18B, v18;
	v19 =	vsel vm2, $0x1A1, v19  }
0x84: {  	v20 =	vsel vm2, $0x1B5, v20;
	v21 =	vsel vm2, $0x1CB, v21;
	v22 =	vsel vm2, $0x1E1, v22  }
0x85: {  	v23 =	vsel vm2, $0x1F5, v23;
	v24 =	vsel vm2, $0x20B, v24;
	v25 =	vsel vm2, $0x221, v25  }
0x86: {  	v26 =	vsel vm2, $0x235, v26;
	v27 =	vsel vm2, $0x24B, v27;
	v28 =	vsel vm2, $0x261, v28  }
0x87: {  	v29 =	vsel vm2, $0x275, v29;
	v30 =	vsel vm2, $0x28B, v30;
	v31 =	vsel vm2, $0x2A1, v31  }
0x88: {  	v32 =	vsel vm2, $0x2B5, v32;
	v33 =	vsel vm2, $0x2CB, v33;
	v34 =	vsel vm2, $0x2E1, v34  }
0x89: {  	v35 =	vsel vm2, $0x2F5, v35;
	v36 =	vsel vm2, $0x30B, v36;
	v37 =	vsel vm2, $0x321, v37  }
0x8a: {  	v38 =	vsel vm2, $0x335, v38;
	v39 =	vsel vm2, $0x34B, v39;
	v40 =	vsel vm2, $0x361, v40  }
0x8b: {  	v41 =	vsel vm2, $0x375, v41;
	v42 =	vsel vm2, $0x38B, v42;
	v43 =	vsel vm2, $0x3A1, v43  }
0x8c: {  	v44 =	vsel vm2, $0x3B5, v44;
	v45 =	vsel vm2, $0x3CB, v45;
	v46 =	vsel vm2, $0x3E1, v46  }
0x8d: {  	v47 =	vsel vm2, $0x3F5, v47;
	v16 =	vsel vm3, $0x162, v16;
	v17 =	vsel vm3, $0x178, v17  }
0x8e: {  	v18 =	vsel vm3, $0x18C, v18;
	v19 =	vsel vm3, $0x1A2, v19;
	v20 =	vsel vm3, $0x1B8, v20  }
0x8f: {  	v21 =	vsel vm3, $0x1CC, v21;
	v22 =	vsel vm3, $0x1E2, v22;
	v23 =	vsel vm3, $0x1F8, v23  }
0x90: {  	v24 =	vsel vm3, $0x20C, v24;
	v25 =	vsel vm3, $0x222, v25;
	v26 =	vsel vm3, $0x238, v26  }
0x91: {  	v27 =	vsel vm3, $0x24C, v27;
	v28 =	vsel vm3, $0x262, v28;
	v29 =	vsel vm3, $0x278, v29  }
0x92: {  	v30 =	vsel vm3, $0x28C, v30;
	v31 =	vsel vm3, $0x2A2, v31;
	v32 =	vsel vm3, $0x2B8, v32  }
0x93: {  	v33 =	vsel vm3, $0x2CC, v33;
	v34 =	vsel vm3, $0x2E2, v34;
	v35 =	vsel vm3, $0x2F8, v35  }
0x94: {  	v36 =	vsel vm3, $0x30C, v36;
	v37 =	vsel vm3, $0x322, v37;
	v38 =	vsel vm3, $0x338, v38  }
0x95: {  	v39 =	vsel vm3, $0x34C, v39;
	v40 =	vsel vm3, $0x362, v40;
	v41 =	vsel vm3, $0x378, v41  }
0x96: {  	v42 =	vsel vm3, $0x38C, v42;
	v43 =	vsel vm3, $0x3A2, v43;
	v44 =	vsel vm3, $0x3B8, v44  }
0x97: {  	v45 =	vsel vm3, $0x3CC, v45;
	v46 =	vsel vm3, $0x3E2, v46;
	v47 =	vsel vm3, $0x3F8, v47  }
0x98: {  	v3 =	vsel vm0, v4, v3;
	v4 =	vunpack.c.0.s8.s32 v9;
	v9 =	vunpack.c.0.s8.s32 v10  }
0x99: {  	v10 =	vimm.s32 $0x73727170;
	v16 =	vsel vm4, $0x163, v16;
	v17 =	vsel vm4, $0x179, v17  }
0x9a: {  	v18 =	vsel vm4, $0x18D, v18;
	v19 =	vsel vm4, $0x1A3, v19;
	v20 =	vsel vm4, $0x1B9, v20  }
0x9b: {  	v21 =	vsel vm4, $0x1CD, v21;
	v22 =	vsel vm4, $0x1E3, v22;
	v23 =	vsel vm4, $0x1F9, v23  }
0x9c: {  	v24 =	vsel vm4, $0x20D, v24;
	v25 =	vsel vm4, $0x223, v25;
	v26 =	vsel vm4, $0x239, v26  }
0x9d: {  	v27 =	vsel vm4, $0x24D, v27;
	v28 =	vsel vm4, $0x263, v28;
	v29 =	vsel vm4, $0x279, v29  }
0x9e: {  	v30 =	vsel vm4, $0x28D, v30;
	v31 =	vsel vm4, $0x2A3, v31;
	v32 =	vsel vm4, $0x2B9, v32  }
0x9f: {  	v33 =	vsel vm4, $0x2CD, v33;
	v34 =	vsel vm4, $0x2E3, v34;
	v35 =	vsel vm4, $0x2F9, v35  }
0xa0: {  	v36 =	vsel vm4, $0x30D, v36;
	v37 =	vsel vm4, $0x323, v37;
	v38 =	vsel vm4, $0x339, v38  }
0xa1: {  	v39 =	vsel vm4, $0x34D, v39;
	v40 =	vsel vm4, $0x363, v40;
	v41 =	vsel vm4, $0x379, v41  }
0xa2: {  	v42 =	vsel vm4, $0x38D, v42;
	v43 =	vsel vm4, $0x3A3, v43;
	v44 =	vsel vm4, $0x3B9, v44  }
0xa3: {  	v45 =	vsel vm4, $0x3CD, v45;
	v61 =	vsel vm4, $0x3E3, v46;
	v62 =	vsel vm4, $0x3F9, v47  }
0xa4: {  	[tilespmem:$0x1FFE0] =	vst v0;
	v0 =	vcombine.low v3, v2;
	v3 =	vsel vm0, v6, v5;
	v5 =	vsel vm0, v8, v7  }
0xa5: {  	v6 =	vimm.s32 $0x5D5C5B5A;
	v7 =	vimm.s32 $0x79787574;
	v8 =	vimm.s32 $0x7D7C7B7A  }
0xa6: {  	v16 =	vsel vm6, $0x164, v16;
	v17 =	vsel vm6, $0x17A, v17;
	v18 =	vsel vm6, $0x190, v18  }
0xa7: {  	v19 =	vsel vm6, $0x1A4, v19;
	v20 =	vsel vm6, $0x1BA, v20;
	v21 =	vsel vm6, $0x1D0, v21  }
0xa8: {  	v22 =	vsel vm6, $0x1E4, v22;
	v23 =	vsel vm6, $0x1FA, v23;
	v24 =	vsel vm6, $0x210, v24  }
0xa9: {  	v25 =	vsel vm6, $0x224, v25;
	v26 =	vsel vm6, $0x23A, v26;
	v27 =	vsel vm6, $0x250, v27  }
0xaa: {  	v28 =	vsel vm6, $0x264, v28;
	v29 =	vsel vm6, $0x27A, v29;
	v30 =	vsel vm6, $0x290, v30  }
0xab: {  	v31 =	vsel vm6, $0x2A4, v31;
	v32 =	vsel vm6, $0x2BA, v32;
	v33 =	vsel vm6, $0x2D0, v33  }
0xac: {  	v34 =	vsel vm6, $0x2E4, v34;
	v35 =	vsel vm6, $0x2FA, v35;
	v36 =	vsel vm6, $0x310, v36  }
0xad: {  	v37 =	vsel vm6, $0x324, v37;
	v38 =	vsel vm6, $0x33A, v38;
	v39 =	vsel vm6, $0x350, v39  }
0xae: {  	v40 =	vsel vm6, $0x364, v40;
	v41 =	vsel vm6, $0x37A, v41;
	v42 =	vsel vm6, $0x390, v42  }
0xaf: {  	v43 =	vsel vm6, $0x3A4, v43;
	v44 =	vsel vm6, $0x3BA, v44;
	v45 =	vsel vm6, $0x3D0, v45  }
0xb0: {  	v46 =	vsel vm6, $0x3FA, v62;
	v3 =	vcombine.low v5, v3;
	v4 =	vsel vm0, v9, v4  }
0xb1: {  	v5 =	vimm.s32 $0x59585554;
	v6 =	vunpack.c.0.s8.s32 v6;
	v7 =	vunpack.c.0.s8.s32 v7  }
0xb2: {  	v8 =	vunpack.c.0.s8.s32 v8;
	v9 =	vimm.s32 $0x6D6C6B6A;
	v16 =	vsel vm7, $0x165, v16  }
0xb3: {  	v17 =	vsel vm7, $0x17B, v17;
	v18 =	vsel vm7, $0x191, v18;
	v19 =	vsel vm7, $0x1A5, v19  }
0xb4: {  	v20 =	vsel vm7, $0x1BB, v20;
	v21 =	vsel vm7, $0x1D1, v21;
	v22 =	vsel vm7, $0x1E5, v22  }
0xb5: {  	v23 =	vsel vm7, $0x1FB, v23;
	v24 =	vsel vm7, $0x211, v24;
	v25 =	vsel vm7, $0x225, v25  }
0xb6: {  	v26 =	vsel vm7, $0x23B, v26;
	v27 =	vsel vm7, $0x251, v27;
	v28 =	vsel vm7, $0x265, v28  }
0xb7: {  	v29 =	vsel vm7, $0x27B, v29;
	v30 =	vsel vm7, $0x291, v30;
	v31 =	vsel vm7, $0x2A5, v31  }
0xb8: {  	v32 =	vsel vm7, $0x2BB, v32;
	v33 =	vsel vm7, $0x2D1, v33;
	v34 =	vsel vm7, $0x2E5, v34  }
0xb9: {  	v35 =	vsel vm7, $0x2FB, v35;
	v36 =	vsel vm7, $0x311, v36;
	v37 =	vsel vm7, $0x325, v37  }
0xba: {  	v38 =	vsel vm7, $0x33B, v38;
	v39 =	vsel vm7, $0x351, v39;
	v40 =	vsel vm7, $0x365, v40  }
0xbb: {  	v41 =	vsel vm7, $0x37B, v41;
	v42 =	vsel vm7, $0x391, v42;
	v43 =	vsel vm7, $0x3A5, v43  }
0xbc: {  	v44 =	vsel vm7, $0x3BB, v44;
	v48 =	vsel vm7, $0x3D1, v45;
	v45 =	vsel vm6, $0x3E4, v61  }
0xbd: {  	v50 =	vsel vm7, $0x3FB, v46;
	v5 =	vunpack.c.0.s8.s32 v5;
	v16 =	vsel vm5, $0x168, v16  }
0xbe: {  	v17 =	vsel vm5, $0x17C, v17;
	v18 =	vsel vm5, $0x192, v18;
	v19 =	vsel vm5, $0x1A8, v19  }
0xbf: {  	v20 =	vsel vm5, $0x1BC, v20;
	v21 =	vsel vm5, $0x1D2, v21;
	v22 =	vsel vm5, $0x1E8, v22  }
0xc0: {  	v23 =	vsel vm5, $0x1FC, v23;
	v24 =	vsel vm5, $0x212, v24;
	v25 =	vsel vm5, $0x228, v25  }
0xc1: {  	v26 =	vsel vm5, $0x23C, v26;
	v27 =	vsel vm5, $0x252, v27;
	v28 =	vsel vm5, $0x268, v28  }
0xc2: {  	v29 =	vsel vm5, $0x27C, v29;
	v30 =	vsel vm5, $0x292, v30;
	v31 =	vsel vm5, $0x2A8, v31  }
0xc3: {  	v32 =	vsel vm5, $0x2BC, v32;
	v33 =	vsel vm5, $0x2D2, v33;
	v34 =	vsel vm5, $0x2E8, v34  }
0xc4: {  	v35 =	vsel vm5, $0x2FC, v35;
	v36 =	vsel vm5, $0x312, v36;
	v37 =	vsel vm5, $0x328, v37  }
0xc5: {  	v38 =	vsel vm5, $0x33C, v38;
	v39 =	vsel vm5, $0x352, v39;
	v40 =	vsel vm5, $0x368, v40  }
0xc6: {  	v41 =	vsel vm5, $0x37C, v41;
	v42 =	vsel vm5, $0x392, v42;
	v43 =	vsel vm5, $0x3A8, v43  }
0xc7: {  	v44 =	vsel vm5, $0x3BC, v44;
	v49 =	vsel vm7, $0x3E5, v45;
	v45 =	vmul.u32 $0x8, v63  }
0xc8: {  	v46 =	vsel vm5, $0x3D2, v48;
	v48 =	vsel vm5, $0x3FC, v50;
	v7 =	vsel vm0, v8, v7  }
0xc9: {  	v8 =	vimm.s32 $0x8D8C8B8A;
	v47 =	vsel vm5, $0x3E8, v49;
	v5 =	vsel vm0, v6, v5  }
0xca: {  	v6 =	vunpack.c.0.s8.s32 v9;
	v9 =	vunpack.c.0.s8.s32 v10;
	v10 =	vimm.s32 $0x93929190  }
0xcb: {  	v8 =	vunpack.c.0.s8.s32 v8;
	v49 =	vor.u32 $0x6, v45;
	v50 =	vor.u32 $0x7, v45  }
0xcc: {  	v52 =	vor.u32 $0x86, v45;
	v53 =	vor.u32 $0x87, v45;
	v54 =	vor.u32 $0x106, v45  }
0xcd: {  	v55 =	vor.u32 $0x107, v45;
	v56 =	vor.u32 $0x186, v45;
	v57 =	vor.u32 $0x187, v45  }
0xce: {  	v58 =	vor.u32 $0x206, v45;
	v59 =	vor.u32 $0x207, v45;
	v60 =	vor.u32 $0x286, v45  }
0xcf: {  	v61 =	vor.u32 $0x287, v45;
	v62 =	vor.u32 $0x306, v45;
	v63 =	vor.u32 $0x307, v45  }
0xd0: {  	v6 =	vsel vm0, v9, v6;
	v9 =	vunpack.c.0.s8.s32 v10;
	v10 =	vimm.s32 $0x83828180  }
0xd1: {  	v4 =	vcombine.low v5, v4;
	v10 =	vunpack.c.0.s8.s32 v10;
	v5 =	vcombine.low v6, v7  }
0xd2: {  	v6 =	vsel vm0, v9, v8;
	v8 =	vsel vm0, v13, v12;
	v9 =	vsel vm0, v15, v14  }
0xd3: {  	v12 =	vimm.s32 $0xCDCCCBCA;
	v13 =	vimm.s32 $0xD3D2D1D0;
	v14 =	vimm.s32 $0xD9D8D5D4  }
0xd4: {  	v15 =	vimm.s32 $0xDDDCDBDA;
	v7 =	vsel vm0, v11, v10;
	v10 =	vimm.s32 $0xADACABAA  }
0xd5: {  	v11 =	vimm.s32 $0xB3B2B1B0;
	v6 =	vcombine.low v7, v6;
	v7 =	vcombine.low v9, v8  }
0xd6: {  	v8 =	vimm.s32 $0xB9B8B5B4;
	v9 =	vimm.s32 $0xBDBCBBBA;
	v10 =	vunpack.c.0.s8.s32 v10  }
0xd7: {  	v11 =	vunpack.c.0.s8.s32 v11;
	v8 =	vunpack.c.0.s8.s32 v8;
	v9 =	vunpack.c.0.s8.s32 v9  }
0xd8: {  	v12 =	vunpack.c.0.s8.s32 v12;
	v13 =	vunpack.c.0.s8.s32 v13;
	v6 =	vand.u32 $0xFF, v6  }
0xd9: {  	v8 =	vsel vm0, v9, v8;
	v9 =	vsel vm0, v11, v10;
	v10 =	vimm.s32 $0xC3C2C1C0  }
0xda: {  	v11 =	vimm.s32 $0xC9C8C5C4;
	v8 =	vcombine.low v9, v8;
	v9 =	vsel vm0, v13, v12  }
0xdb: {  	v10 =	vunpack.c.0.s8.s32 v10;
	v12 =	vimm.s32 $0xE3E2E1E0;
	v11 =	vunpack.c.0.s8.s32 v11  }
0xdc: {  	v7 =	vand.u32 $0xFF, v7;
	v13 =	vimm.s32 $0xE9E8E5E4;
	v12 =	vunpack.c.0.s8.s32 v12  }
0xdd: {  	v13 =	vunpack.c.0.s8.s32 v13;
	v10 =	vsel vm0, v11, v10;
	v11 =	vunpack.c.0.s8.s32 v14  }
0xde: {  	v14 =	vunpack.c.0.s8.s32 v15;
	v8 =	vand.u32 $0xFF, v8;
	v15 =	vimm.s32 $0xF3F2F1F0  }
0xdf: {  	v9 =	vcombine.low v10, v9;
	v10 =	vsel vm0, v13, v12;
	v12 =	vimm.s32 $0xF9F8F5F4  }
0xe0: {  	v13 =	vimm.s32 $0xFDFCFBFA;
	v15 =	vunpack.c.0.s8.s32 v15;
	v11 =	vsel vm0, v14, v11  }
0xe1: {  	v14 =	vimm.s32 $0x113;
	v10 =	vcombine.low v11, v10;
	v11 =	vunpack.c.0.s8.s32 v12  }
0xe2: {  	v12 =	vunpack.c.0.s8.s32 v13;
	v13 =	vimm.s32 $0xEDECEBEA;
	v14 =	vsel vm11, $0x100, v14  }
0xe3: {  	v9 =	vand.u32 $0xFF, v9;
	v13 =	vunpack.c.0.s8.s32 v13;
	v14 =	vsel vm12, $0x101, v14  }
0xe4: {  	v14 =	vsel vm13, $0x102, v14;
	v11 =	vsel vm0, v12, v11;
	v10 =	vand.u32 $0xFF, v10  }
0xe5: {  	v12 =	vsel vm14, $0x103, v14;
	v13 =	vsel vm0, v15, v13;
	v14 =	vimm.s32 $0x13D  }
0xe6: {  	v15 =	vimm.s32 $0x153;
	v12 =	vsel vm10, $0x104, v12;
	v11 =	vcombine.low v13, v11  }
0xe7: {  	v13 =	vimm.s32 $0x129;
	v14 =	vsel vm11, $0x12A, v14;
	v15 =	vsel vm11, $0x140, v15  }
0xe8: {  	v12 =	vsel vm9, $0x105, v12;
	v13 =	vsel vm11, $0x114, v13;
	v14 =	vsel vm12, $0x12B, v14  }
0xe9: {  	v15 =	vsel vm12, $0x141, v15;
	v12 =	vsel vm8, $0x108, v12;
	v11 =	vand.u32 $0xFF, v11  }
0xea: {  	v13 =	vsel vm12, $0x115, v13;
	v14 =	vsel vm13, $0x12C, v14;
	v15 =	vsel vm13, $0x142, v15  }
0xeb: {  	s7 =	rddreg [dreg:$0x0];
	v12 =	vsel vm1, $0x109, v12;
	v13 =	vsel vm13, $0x118, v13;
	v14 =	vsel vm14, $0x12D, v14  }
0xec: {  	s10 =	rddreg [dreg:$0x1];
	v15 =	vsel vm14, $0x143, v15;
	v12 =	vsel vm15, $0x10A, v12;
	v13 =	vsel vm14, $0x119, v13  }
0xed: {  	s0 =	rddreg [dreg:$0x2];
	s1 =	simm.s32 $0x0;
	s2 =	stileid.u32;
	v14 =	vsel vm10, $0x130, v14;
	v15 =	vsel vm10, $0x144, v15;
	v12 =	vsel vm2, $0x10B, v12  }
0xee: {  	s4 =	srdreg.scid;
	s15 =	simm.s32 $0x2A10;
	s16 =	simm.s32 $0x2A90;
	v13 =	vsel vm10, $0x11A, v13;
	v14 =	vsel vm9, $0x131, v14;
	v15 =	vsel vm9, $0x145, v15  }
0xef: {  	s17 =	simm.s32 $0x0;
	[smem:$0x7FF] =	sst s1;
	s3 =	smul.u32 $0xC0, s2;
	v12 =	vsel vm3, $0x10C, v12;
	v13 =	vsel vm9, $0x11B, v13;
	v14 =	vsel vm8, $0x132, v14  }
0xf0: {  	s11 =	sand.u32 $0x1, s4;
	s28 =	sshll.u32 s2, $0x8;
	s30 =	sshll.u32 s2, $0x1;
	v15 =	vsel vm8, $0x148, v15;
	v12 =	vsel vm4, $0x10D, v12;
	v13 =	vsel vm8, $0x11C, v13  }
0xf1: {  	s6 =	sadd.s32 $0x30D0, s10;
	s31 =	sshll.u32 s2, $0x5;
	s5 =	ssub.s32 $0x2, s11;
	v14 =	vsel vm1, $0x133, v14;
	v15 =	vsel vm1, $0x149, v15;
	v13 =	vsel vm1, $0x11D, v13  }
0xf2: {  	s12 =	sadd.s32 s28, s7;
	s13 =	smul.u32 $0x60, s11;
	s4 =	sor.u32 s11, s30;
	v12 =	vsel vm6, $0x110, v12;
	v14 =	vsel vm15, $0x134, v14;
	v15 =	vsel vm15, $0x14A, v15  }
0xf3: {  	s14 =	sshll.u32 s11, $0x7;
	s10 =	sadd.s32 s31, s10;
	s11 =	sshll.u32 s11, $0x4;
	v13 =	vsel vm15, $0x120, v13;
	v14 =	vsel vm2, $0x135, v14;
	v12 =	vsel vm7, $0x111, v12  }
0xf4: {  	s9 =	sadd.s32 s3, s7;
	s3 =	sadd.s32 $0x3800, s7;
	s29 =	sshrl.u32 s5, $0x1;
	v15 =	vsel vm2, $0x14B, v15;
	v13 =	vsel vm2, $0x121, v13;
	v14 =	vsel vm3, $0x138, v14  }
.Ltmp0:
0xf5: {  	s12 =	sadd.s32 s14, s12;
	s10 =	sadd.s32 s11, s10;
	v12 =	vsel vm5, $0x112, v12;
	v15 =	vsel vm3, $0x14C, v15;
	v13 =	vsel vm3, $0x122, v13;
	(pc) =	sbr.rel .LBB2_1-.Ltmp0, $4  }
0xf6: {  	p0 =	sne.s32 s4, $0xD;
	s8 =	ssub.s32 s5, s29;
	s5 =	sadd.s32 $0x19C6E0, s7;
	v14 =	vsel vm4, $0x139, v14;
	v15 =	vsel vm4, $0x14D, v15;
	v13 =	vsel vm4, $0x123, v13  }
0xf7: {  	s7 =	sadd.s32 $0x1C480, s7;
	s9 =	sadd.s32 s13, s9;
	s11 =	sadd.s32 $0x3E00, s12;
	v14 =	vsel vm6, $0x13A, v14;
	v15 =	vsel vm6, $0x150, v15;
	v13 =	vsel vm6, $0x124, v13  }
0xf8: {  	s14 =	simm.s32 $0x2;
	s12 =	simm.s32 $0x1;
	s9 =	sadd.s32 $0x18A200, s9;
	[tilespmem:$0x1FFF0] =	vst v0;
	v14 =	vsel vm7, $0x13B, v14;
	v15 =	vsel vm7, $0x151, v15;
	v13 =	vsel vm7, $0x125, v13  }
0xf9: {  	s13 =	simm.s32 $0x2710;
	s8 =	smax.u32 s8, $0x1;
	_ =	strace $0x80000047;
	v14 =	vsel vm5, $0x13C, v14;
	v15 =	vsel vm5, $0x152, v15;
	v13 =	vsel vm5, $0x128, v13  }
.LBB2_5:
0xfa: {  	[tilespmem:s13], [sflag:$0x1] =	stream.linear.gather @!p0 [hbm4b:s5+s1], $0xC0, $0x38;
	[tilespmem:$0x2E90] =	vst v63  }
0xfb: {  	_ =	swait.ge @!p0 [sflag:s12], $0xC0  }
0xfc: {  	[sflag:s12] =	ssyncset.done @!p0 $0x0  }
0xfd: {  	[sflag:s12] =	ssyncadd.s32 @!p0 $0xFFFFFF40  }
0xfe: {  	[tilespmem:s15], [sflag:$0x1] =	stream.linear.gather @!p0 [hbm4b:s6+s1], $0x20, $0x38;
	[tilespmem:$0x2E90] =	vst v63  }
0xff: {  	_ =	swait.ge @!p0 [sflag:s12], $0x20  }
0x100: {  	v1 =	vld @!p0 [tilespmem:$0x1FFD0]  }
0x101: {  	[sflag:s12] =	ssyncset.done @!p0 $0x0  }
0x102: {  	[sflag:s12] =	ssyncadd.s32 @!p0 $0xFFFFFFE0  }
0x103: {  	v0 =	vld @!p0 [tilespmem:$0x2710];
	_ =	sdelay $0x4  }
0x104: {  	[tilespmem:v1+s16+$0x0] =	vst.idx.msk @!p0 $0xffff, v0;
	v1 =	vld @!p0 [tilespmem:$0x1FFE0];
	_ =	sdelay $0x2  }
0x105: {  	v0 =	vld @!p0 [tilespmem:$0x2720];
	_ =	sdelay $0x4  }
0x106: {  	[tilespmem:v1+s16+$0x0] =	vst.idx.msk @!p0 $0xffff, v0;
	v1 =	vld @!p0 [tilespmem:$0x1FFF0];
	_ =	sdelay $0x2  }
0x107: {  	v0 =	vld @!p0 [tilespmem:$0x2730];
	_ =	sdelay $0x4  }
0x108: {  	[tilespmem:v1+s16+$0x0] =	vst.idx.msk @!p0 $0xffff, v0  }
0x109: {  	v0 =	vld @!p0 [tilespmem:$0x2740];
	_ =	sdelay $0x4  }
0x10a: {  	[tilespmem:v3+s16+$0x0] =	vst.idx.msk @!p0 $0xffff, v0  }
0x10b: {  	v0 =	vld @!p0 [tilespmem:$0x2750];
	_ =	sdelay $0x4  }
0x10c: {  	[tilespmem:v4+s16+$0x0] =	vst.idx.msk @!p0 $0xffff, v0  }
0x10d: {  	v0 =	vld @!p0 [tilespmem:$0x2760];
	_ =	sdelay $0x4  }
0x10e: {  	[tilespmem:v5+s16+$0x0] =	vst.idx.msk @!p0 $0xffff, v0  }
0x10f: {  	v0 =	vld @!p0 [tilespmem:$0x2770];
	_ =	sdelay $0x4  }
0x110: {  	[tilespmem:v6+s16+$0x0] =	vst.idx.msk @!p0 $0xffff, v0  }
0x111: {  	v0 =	vld @!p0 [tilespmem:$0x2780];
	_ =	sdelay $0x4  }
0x112: {  	[tilespmem:v7+s16+$0x0] =	vst.idx.msk @!p0 $0xffff, v0  }
0x113: {  	v0 =	vld @!p0 [tilespmem:$0x2790];
	_ =	sdelay $0x4  }
0x114: {  	[tilespmem:v8+s16+$0x0] =	vst.idx.msk @!p0 $0xffff, v0  }
0x115: {  	v0 =	vld @!p0 [tilespmem:$0x27A0];
	_ =	sdelay $0x4  }
0x116: {  	[tilespmem:v9+s16+$0x0] =	vst.idx.msk @!p0 $0xffff, v0  }
0x117: {  	v0 =	vld @!p0 [tilespmem:$0x27B0];
	_ =	sdelay $0x4  }
0x118: {  	[tilespmem:v10+s16+$0x0] =	vst.idx.msk @!p0 $0xffff, v0  }
0x119: {  	v0 =	vld @!p0 [tilespmem:$0x27C0];
	_ =	sdelay $0x4  }
0x11a: {  	[tilespmem:v11+s16+$0x0] =	vst.idx.msk @!p0 $0xffff, v0  }
0x11b: {  	v0 =	vld @!p0 [tilespmem:$0x2A10];
	_ =	sdelay $0x7  }
0x11c: {  	v0 =	vld.idx.msk @!p0 [tilespmem:v0+s1+$0x0], $0xffff;
	_ =	sdelay $0x4  }
0x11d: {  	[tilespmem:v49+s16+$0x0] =	vst.idx.msk @!p0 $0xffff, v0  }
0x11e: {  	[tilespmem:v50+s16+$0x0] =	vst.idx.msk @!p0 $0xffff, v51  }
0x11f: {  	v0 =	vld @!p0 [tilespmem:$0x2A20];
	_ =	sdelay $0x7  }
0x120: {  	v0 =	vld.idx.msk @!p0 [tilespmem:v0+s1+$0x0], $0xffff;
	_ =	sdelay $0x3  }
0x121: {  	s17 =	sadd.s32 $0x1, s17  }
0x122: {  	p1 =	sne.s32 s17, s8;
	[tilespmem:v52+s16+$0x0] =	vst.idx.msk @!p0 $0xffff, v0  }
.Ltmp1:
0x123: {  	[tilespmem:v53+s16+$0x0] =	vst.idx.msk @!p0 $0xffff, v51;
	(pc) =	sbr.rel @!p1 .LBB2_6-.Ltmp1, $4  }
0x124: {  	[hbm4b:s7+s1] =	stream.linear.scatter @!p0 [tilespmem:s16], [sflag:$0x1], $0x100, $0x38;
	[tilespmem:$0x2E90] =	vst v63  }
0x125: {  	_ =	swait.ge @!p0 [sflag:s12], $0x100  }
0x126: {  	[sflag:s12] =	ssyncset.done @!p0 $0x0  }
0x127: {  	[sflag:s12] =	ssyncadd.s32 @!p0 $0xFFFFFF00  }
.LBB2_1:
.Ltmp2:
0x128: {  	(pc) =	sbr.rel .LBB2_2-.Ltmp2, $4  }
0x129: {  	[tilespmem:s1], [sflag:$0x1] =	stream.linear.gather [hbm4b:s3+s1], $0x2710, $0x38;
	[tilespmem:$0x2E90] =	vst v63  }
0x12a: {  	_ =	swait.ge [sflag:s12], $0x2710  }
0x12b: {  	s18 =	smov.u32 s11;
	s19 =	smov.u32 s10;
	[sflag:s12] =	ssyncset.done $0x0  }
0x12c: {  	s20 =	smov.u32 s9;
	s21 =	simm.s32 $0x0;
	[sflag:s12] =	ssyncadd.s32 $0xFFFFD8F0  }
.LBB2_4:
0x12d: {  	s21 =	sadd.s32 $0x20, s21  }
0x12e: {  	p1 =	sne.s32 s21, $0x320  }
.Ltmp3:
0x12f: {  	_ = 	snop;
	(pc) =	sbr.rel @!p1 .LBB2_5-.Ltmp3, $2  }
0x130: {  	_ =	sdelay $0x2  }
0x131: {  	s20 =	sadd.s32 $0xC00, s20;
	s19 =	sadd.s32 $0x200, s19;
	s18 =	sadd.s32 $0x1000, s18  }
.LBB2_2:
0x132: {  	s22 =	sadd.s32 s21, s4  }
0x133: {  	p1 =	sgt.u32 s22, $0x30C  }
.Ltmp4:
0x134: {  	_ = 	snop;
	(pc) =	sbr.rel @p1 .LBB2_4-.Ltmp4, $1  }
0x135: {  	_ =	sdelay $0x3  }
0x136: {  	[tilespmem:s13], [sflag:$0x2] =	stream.linear.gather [hbm4b:s20+s1], $0x300, $0x38;
	[tilespmem:$0x2E90] =	vst v63  }
0x137: {  	_ =	swait.ge [sflag:s14], $0x300  }
0x138: {  	[sflag:s14] =	ssyncset.done $0x0  }
0x139: {  	[sflag:s14] =	ssyncadd.s32 $0xFFFFFD00  }
0x13a: {  	[tilespmem:s15], [sflag:$0x2] =	stream.linear.gather [hbm4b:s19+s1], $0x80, $0x38;
	[tilespmem:$0x2E90] =	vst v63  }
0x13b: {  	_ =	swait.ge [sflag:s14], $0x80  }
0x13c: {  	v1 =	vld [tilespmem:$0x1FFD0]  }
0x13d: {  	[sflag:s14] =	ssyncset.done $0x0  }
0x13e: {  	[sflag:s14] =	ssyncadd.s32 $0xFFFFFF80  }
0x13f: {  	v0 =	vld [tilespmem:$0x2710];
	_ =	sdelay $0x4  }
0x140: {  	[tilespmem:v1+s16+$0x0] =	vst.idx.msk $0xffff, v0;
	v1 =	vld [tilespmem:$0x1FFE0];
	_ =	sdelay $0x2  }
0x141: {  	v0 =	vld [tilespmem:$0x2720];
	_ =	sdelay $0x4  }
0x142: {  	[tilespmem:v1+s16+$0x0] =	vst.idx.msk $0xffff, v0;
	v1 =	vld [tilespmem:$0x1FFF0];
	_ =	sdelay $0x2  }
0x143: {  	v0 =	vld [tilespmem:$0x2730];
	_ =	sdelay $0x4  }
0x144: {  	[tilespmem:v1+s16+$0x0] =	vst.idx.msk $0xffff, v0  }
0x145: {  	v0 =	vld [tilespmem:$0x2740];
	_ =	sdelay $0x4  }
0x146: {  	[tilespmem:v3+s16+$0x0] =	vst.idx.msk $0xffff, v0  }
0x147: {  	v0 =	vld [tilespmem:$0x2750];
	_ =	sdelay $0x4  }
0x148: {  	[tilespmem:v4+s16+$0x0] =	vst.idx.msk $0xffff, v0  }
0x149: {  	v0 =	vld [tilespmem:$0x2760];
	_ =	sdelay $0x4  }
0x14a: {  	[tilespmem:v5+s16+$0x0] =	vst.idx.msk $0xffff, v0  }
0x14b: {  	v0 =	vld [tilespmem:$0x2770];
	_ =	sdelay $0x4  }
0x14c: {  	[tilespmem:v6+s16+$0x0] =	vst.idx.msk $0xffff, v0  }
0x14d: {  	v0 =	vld [tilespmem:$0x2780];
	_ =	sdelay $0x4  }
0x14e: {  	[tilespmem:v7+s16+$0x0] =	vst.idx.msk $0xffff, v0  }
0x14f: {  	v0 =	vld [tilespmem:$0x2790];
	_ =	sdelay $0x4  }
0x150: {  	[tilespmem:v8+s16+$0x0] =	vst.idx.msk $0xffff, v0  }
0x151: {  	v0 =	vld [tilespmem:$0x27A0];
	_ =	sdelay $0x4  }
0x152: {  	[tilespmem:v9+s16+$0x0] =	vst.idx.msk $0xffff, v0  }
0x153: {  	v0 =	vld [tilespmem:$0x27B0];
	_ =	sdelay $0x4  }
0x154: {  	[tilespmem:v10+s16+$0x0] =	vst.idx.msk $0xffff, v0  }
0x155: {  	v0 =	vld [tilespmem:$0x27C0];
	_ =	sdelay $0x4  }
0x156: {  	[tilespmem:v11+s16+$0x0] =	vst.idx.msk $0xffff, v0  }
0x157: {  	v0 =	vld [tilespmem:$0x27D0];
	_ =	sdelay $0x4  }
0x158: {  	[tilespmem:v12+s16+$0x0] =	vst.idx.msk $0xffff, v0  }
0x159: {  	v0 =	vld [tilespmem:$0x27E0];
	_ =	sdelay $0x4  }
0x15a: {  	[tilespmem:v13+s16+$0x0] =	vst.idx.msk $0xffff, v0  }
0x15b: {  	v0 =	vld [tilespmem:$0x27F0];
	_ =	sdelay $0x4  }
0x15c: {  	[tilespmem:v14+s16+$0x0] =	vst.idx.msk $0xffff, v0  }
0x15d: {  	v0 =	vld [tilespmem:$0x2800];
	_ =	sdelay $0x4  }
0x15e: {  	[tilespmem:v15+s16+$0x0] =	vst.idx.msk $0xffff, v0  }
0x15f: {  	v0 =	vld [tilespmem:$0x2810];
	_ =	sdelay $0x4  }
0x160: {  	[tilespmem:v16+s16+$0x0] =	vst.idx.msk $0xffff, v0  }
0x161: {  	v0 =	vld [tilespmem:$0x2820];
	_ =	sdelay $0x4  }
0x162: {  	[tilespmem:v17+s16+$0x0] =	vst.idx.msk $0xffff, v0  }
0x163: {  	v0 =	vld [tilespmem:$0x2830];
	_ =	sdelay $0x4  }
0x164: {  	[tilespmem:v18+s16+$0x0] =	vst.idx.msk $0xffff, v0  }
0x165: {  	v0 =	vld [tilespmem:$0x2840];
	_ =	sdelay $0x4  }
0x166: {  	[tilespmem:v19+s16+$0x0] =	vst.idx.msk $0xffff, v0  }
0x167: {  	v0 =	vld [tilespmem:$0x2850];
	_ =	sdelay $0x4  }
0x168: {  	[tilespmem:v20+s16+$0x0] =	vst.idx.msk $0xffff, v0  }
0x169: {  	v0 =	vld [tilespmem:$0x2860];
	_ =	sdelay $0x4  }
0x16a: {  	[tilespmem:v21+s16+$0x0] =	vst.idx.msk $0xffff, v0  }
0x16b: {  	v0 =	vld [tilespmem:$0x2870];
	_ =	sdelay $0x4  }
0x16c: {  	[tilespmem:v22+s16+$0x0] =	vst.idx.msk $0xffff, v0  }
0x16d: {  	v0 =	vld [tilespmem:$0x2880];
	_ =	sdelay $0x4  }
0x16e: {  	[tilespmem:v23+s16+$0x0] =	vst.idx.msk $0xffff, v0  }
0x16f: {  	v0 =	vld [tilespmem:$0x2890];
	_ =	sdelay $0x4  }
0x170: {  	[tilespmem:v24+s16+$0x0] =	vst.idx.msk $0xffff, v0  }
0x171: {  	v0 =	vld [tilespmem:$0x28A0];
	_ =	sdelay $0x4  }
0x172: {  	[tilespmem:v25+s16+$0x0] =	vst.idx.msk $0xffff, v0  }
0x173: {  	v0 =	vld [tilespmem:$0x28B0];
	_ =	sdelay $0x4  }
0x174: {  	[tilespmem:v26+s16+$0x0] =	vst.idx.msk $0xffff, v0  }
0x175: {  	v0 =	vld [tilespmem:$0x28C0];
	_ =	sdelay $0x4  }
0x176: {  	[tilespmem:v27+s16+$0x0] =	vst.idx.msk $0xffff, v0  }
0x177: {  	v0 =	vld [tilespmem:$0x28D0];
	_ =	sdelay $0x4  }
0x178: {  	[tilespmem:v28+s16+$0x0] =	vst.idx.msk $0xffff, v0  }
0x179: {  	v0 =	vld [tilespmem:$0x28E0];
	_ =	sdelay $0x4  }
0x17a: {  	[tilespmem:v29+s16+$0x0] =	vst.idx.msk $0xffff, v0  }
0x17b: {  	v0 =	vld [tilespmem:$0x28F0];
	_ =	sdelay $0x4  }
0x17c: {  	[tilespmem:v30+s16+$0x0] =	vst.idx.msk $0xffff, v0  }
0x17d: {  	v0 =	vld [tilespmem:$0x2900];
	_ =	sdelay $0x4  }
0x17e: {  	[tilespmem:v31+s16+$0x0] =	vst.idx.msk $0xffff, v0  }
0x17f: {  	v0 =	vld [tilespmem:$0x2910];
	_ =	sdelay $0x4  }
0x180: {  	[tilespmem:v32+s16+$0x0] =	vst.idx.msk $0xffff, v0  }
0x181: {  	v0 =	vld [tilespmem:$0x2920];
	_ =	sdelay $0x4  }
0x182: {  	[tilespmem:v33+s16+$0x0] =	vst.idx.msk $0xffff, v0  }
0x183: {  	v0 =	vld [tilespmem:$0x2930];
	_ =	sdelay $0x4  }
0x184: {  	[tilespmem:v34+s16+$0x0] =	vst.idx.msk $0xffff, v0  }
0x185: {  	v0 =	vld [tilespmem:$0x2940];
	_ =	sdelay $0x4  }
0x186: {  	[tilespmem:v35+s16+$0x0] =	vst.idx.msk $0xffff, v0  }
0x187: {  	v0 =	vld [tilespmem:$0x2950];
	_ =	sdelay $0x4  }
0x188: {  	[tilespmem:v36+s16+$0x0] =	vst.idx.msk $0xffff, v0  }
0x189: {  	v0 =	vld [tilespmem:$0x2960];
	_ =	sdelay $0x4  }
0x18a: {  	[tilespmem:v37+s16+$0x0] =	vst.idx.msk $0xffff, v0  }
0x18b: {  	v0 =	vld [tilespmem:$0x2970];
	_ =	sdelay $0x4  }
0x18c: {  	[tilespmem:v38+s16+$0x0] =	vst.idx.msk $0xffff, v0  }
0x18d: {  	v0 =	vld [tilespmem:$0x2980];
	_ =	sdelay $0x4  }
0x18e: {  	[tilespmem:v39+s16+$0x0] =	vst.idx.msk $0xffff, v0  }
0x18f: {  	v0 =	vld [tilespmem:$0x2990];
	_ =	sdelay $0x4  }
0x190: {  	[tilespmem:v40+s16+$0x0] =	vst.idx.msk $0xffff, v0  }
0x191: {  	v0 =	vld [tilespmem:$0x29A0];
	_ =	sdelay $0x4  }
0x192: {  	[tilespmem:v41+s16+$0x0] =	vst.idx.msk $0xffff, v0  }
0x193: {  	v0 =	vld [tilespmem:$0x29B0];
	_ =	sdelay $0x4  }
0x194: {  	[tilespmem:v42+s16+$0x0] =	vst.idx.msk $0xffff, v0  }
0x195: {  	v0 =	vld [tilespmem:$0x29C0];
	_ =	sdelay $0x4  }
0x196: {  	[tilespmem:v43+s16+$0x0] =	vst.idx.msk $0xffff, v0  }
0x197: {  	v0 =	vld [tilespmem:$0x29D0];
	_ =	sdelay $0x4  }
0x198: {  	[tilespmem:v44+s16+$0x0] =	vst.idx.msk $0xffff, v0  }
0x199: {  	v0 =	vld [tilespmem:$0x29E0];
	_ =	sdelay $0x4  }
0x19a: {  	[tilespmem:v46+s16+$0x0] =	vst.idx.msk $0xffff, v0  }
0x19b: {  	v0 =	vld [tilespmem:$0x29F0];
	_ =	sdelay $0x4  }
0x19c: {  	[tilespmem:v47+s16+$0x0] =	vst.idx.msk $0xffff, v0  }
0x19d: {  	v0 =	vld [tilespmem:$0x2A00];
	_ =	sdelay $0x4  }
0x19e: {  	[tilespmem:v48+s16+$0x0] =	vst.idx.msk $0xffff, v0  }
0x19f: {  	v0 =	vld [tilespmem:$0x2A10];
	_ =	sdelay $0x7  }
0x1a0: {  	v0 =	vld.idx.msk [tilespmem:v0+s1+$0x0], $0xffff;
	_ =	sdelay $0x4  }
0x1a1: {  	[tilespmem:v49+s16+$0x0] =	vst.idx.msk $0xffff, v0  }
0x1a2: {  	[tilespmem:v50+s16+$0x0] =	vst.idx.msk $0xffff, v51  }
0x1a3: {  	v0 =	vld [tilespmem:$0x2A20];
	_ =	sdelay $0x7  }
0x1a4: {  	v0 =	vld.idx.msk [tilespmem:v0+s1+$0x0], $0xffff;
	_ =	sdelay $0x4  }
0x1a5: {  	[tilespmem:v52+s16+$0x0] =	vst.idx.msk $0xffff, v0  }
0x1a6: {  	[tilespmem:v53+s16+$0x0] =	vst.idx.msk $0xffff, v51  }
0x1a7: {  	v0 =	vld [tilespmem:$0x2A30];
	_ =	sdelay $0x7  }
0x1a8: {  	v0 =	vld.idx.msk [tilespmem:v0+s1+$0x0], $0xffff;
	_ =	sdelay $0x4  }
0x1a9: {  	[tilespmem:v54+s16+$0x0] =	vst.idx.msk $0xffff, v0  }
0x1aa: {  	[tilespmem:v55+s16+$0x0] =	vst.idx.msk $0xffff, v51  }
0x1ab: {  	v0 =	vld [tilespmem:$0x2A40];
	_ =	sdelay $0x7  }
0x1ac: {  	v0 =	vld.idx.msk [tilespmem:v0+s1+$0x0], $0xffff;
	_ =	sdelay $0x4  }
0x1ad: {  	[tilespmem:v56+s16+$0x0] =	vst.idx.msk $0xffff, v0  }
0x1ae: {  	[tilespmem:v57+s16+$0x0] =	vst.idx.msk $0xffff, v51  }
0x1af: {  	v0 =	vld [tilespmem:$0x2A50];
	_ =	sdelay $0x7  }
0x1b0: {  	v0 =	vld.idx.msk [tilespmem:v0+s1+$0x0], $0xffff;
	_ =	sdelay $0x4  }
0x1b1: {  	[tilespmem:v58+s16+$0x0] =	vst.idx.msk $0xffff, v0  }
0x1b2: {  	[tilespmem:v59+s16+$0x0] =	vst.idx.msk $0xffff, v51  }
0x1b3: {  	v0 =	vld [tilespmem:$0x2A60];
	_ =	sdelay $0x7  }
0x1b4: {  	v0 =	vld.idx.msk [tilespmem:v0+s1+$0x0], $0xffff;
	_ =	sdelay $0x4  }
0x1b5: {  	[tilespmem:v60+s16+$0x0] =	vst.idx.msk $0xffff, v0  }
0x1b6: {  	[tilespmem:v61+s16+$0x0] =	vst.idx.msk $0xffff, v51  }
0x1b7: {  	v0 =	vld [tilespmem:$0x2A70];
	_ =	sdelay $0x7  }
0x1b8: {  	v0 =	vld.idx.msk [tilespmem:v0+s1+$0x0], $0xffff;
	_ =	sdelay $0x4  }
0x1b9: {  	[tilespmem:v62+s16+$0x0] =	vst.idx.msk $0xffff, v0  }
0x1ba: {  	[tilespmem:v63+s16+$0x0] =	vst.idx.msk $0xffff, v51  }
0x1bb: {  	v0 =	vld [tilespmem:$0x2A80];
	_ =	sdelay $0x7  }
0x1bc: {  	v1 =	vor.u32 $0x386, v45;
	v0 =	vld.idx.msk [tilespmem:v0+s1+$0x0], $0xffff  }
0x1bd: {  	v2 =	vor.u32 $0x387, v45;
	_ =	sdelay $0x3  }
0x1be: {  	[tilespmem:v1+s16+$0x0] =	vst.idx.msk $0xffff, v0  }
.Ltmp5:
0x1bf: {  	[tilespmem:v2+s16+$0x0] =	vst.idx.msk $0xffff, v51;
	(pc) =	sbr.rel .LBB2_4-.Ltmp5, $4  }
0x1c0: {  	[hbm4b:s18+s1] =	stream.linear.scatter [tilespmem:s16], [sflag:$0x1], $0x400, $0x38;
	[tilespmem:$0x2E90] =	vst v63  }
0x1c1: {  	_ =	swait.ge [sflag:s12], $0x400  }
0x1c2: {  	[sflag:s12] =	ssyncset.done $0x0  }
0x1c3: {  	[sflag:s12] =	ssyncadd.s32 $0xFFFFFC00  }
.LBB2_6:
0x1c4: {  	_ =	sfence.sel $0x180000  }
0x1c5: {  	[bflag:$0x0] =	sbarrier.arrive $0xFFFF  }
0x1c6: {  	p0 =	sne.s32 s2, $0x0;
	_ =	strace $0x90000047  }
0x1c7: {  	s0 =	sadd.s32 @!p0 $0x100000, s0;
	[bflag:$0x2] =	sbarrier.arrive $0xFFFF  }
0x1c8: {  	[sflag:s0] =	ssyncadd.tile.s32 @!p0 $0x1;
	_ =	shalt  }
.Lfunc_end2:
_tile_overlayer_lowered:
.L_overlay_start_2:
0x1c9: {  	(tag) =	ssettag $0x2  }
0x1ca: {  	s0 =	rddreg [dreg:$0x0];
	s2 =	stileid.u32  }
0x1cb: {  	s1 =	rddreg [dreg:$0x1];
	p0 =	sne.s32 s2, $0x0  }
0x1cc: {  	s3 =	rddreg [dreg:$0x2];
	[bflag:$0x3] =	sbarrier.arrive $0xFFFF;
	s2 =	simm.s32 @!p0 $0x1C01  }
0x1cd: {  	[timem:s3], [sflag:s2] =	dma.local @!p0 [hbm:s0], s1  }
0x1ce: {  	s0 =	simm.s32 @!p0 $0x1  }
0x1cf: {  	_ =	swait.ge @!p0 [sflag:s0], s1  }
0x1d0: {  	s1 =	ssub.s32 @!p0 $0x0, s1;
	[sflag:s0] =	ssyncset.done @!p0 $0x0  }
0x1d1: {  	[sflag:s0] =	ssyncadd.s32 @!p0 s1  }
0x1d2: {  	[bflag:$0x3] =	sbarrier.arrive $0xFFFF  }
0x1d3: {  	_ =	shalt  }

</sc_bundles>
